<compile_context>
chip_gen: v7x
topology: tpu7x:2x2x1
jax: 0.10.2.dev20260603
libtpu: 0.0.44.dev20260713+nightly
codegen_flags: <defaults>
</compile_context>

<pallas_src>
import functools

import jax
import jax.numpy as jnp
from jax import lax
from jax.experimental import pallas as pl
from jax.experimental.pallas import tpu as pltpu
from jax.experimental.pallas import tpu_sc as plsc

N_ROWS = 16384
N_COLS = 2048
LANES = 16
NC, NS = 2, 16
NW = NC * NS
ROWS_PER_W = N_ROWS // NW
R = 2
NBUF = 8
NCHUNK = ROWS_PER_W // R

_mesh = plsc.VectorSubcoreMesh(
    core_axis_name="c", subcore_axis_name="s", num_cores=NC, num_subcores=NS
)


@functools.partial(
    pl.kernel,
    out_type=[
        jax.ShapeDtypeStruct((N_ROWS, N_COLS), jnp.float32),
        jax.ShapeDtypeStruct((N_ROWS,), jnp.float32),
    ],
    mesh=_mesh,
    scratch_types=[
        pltpu.VMEM((NBUF, R, N_COLS), jnp.float32),
        pltpu.VMEM((NBUF, R, N_COLS), jnp.float32),
        pltpu.VMEM((ROWS_PER_W,), jnp.float32),
        pltpu.VMEM_SHARED((NS, NBUF, R, N_COLS), jnp.float32),
        [pltpu.SemaphoreType.DMA] * NBUF,
        [pltpu.SemaphoreType.DMA] * NBUF,
        pltpu.SemaphoreType.DMA,
    ],
)
def _permute_sc(in_hbm, out_hbm, ld_hbm, inbuf, outbuf, zbuf, spm,
                s_in, s_out, s_ld):
    sid = lax.axis_index("s")
    wid = sid * NC + lax.axis_index("c")
    base = wid * ROWS_PER_W

    def in_slice(c):
        return in_hbm.at[pl.ds(base + c * R, R)]

    def out_slice(c):
        return out_hbm.at[pl.ds(base + c * R, R)]

    zero = jnp.zeros((LANES,), jnp.float32)
    for i in range(ROWS_PER_W // LANES):
        zbuf[pl.ds(i * LANES, LANES)] = zero
    pltpu.async_copy(zbuf, ld_hbm.at[pl.ds(base, ROWS_PER_W)], s_ld)

    for b in range(NBUF - 1):
        pltpu.async_copy(in_slice(b), inbuf.at[b], s_in[b])

    @pl.loop(0, NCHUNK, step=NBUF)
    def _(g):
        for b in range(NBUF):
            c = g + b

            @pl.when(c + NBUF - 1 < NCHUNK)
            def _():
                pltpu.async_copy(
                    in_slice(c + NBUF - 1),
                    inbuf.at[(b + NBUF - 1) % NBUF],
                    s_in[(b + NBUF - 1) % NBUF],
                )

            pltpu.make_async_copy(in_slice(c), inbuf.at[b], s_in[b]).wait()

            @pl.when(c >= NBUF)
            def _():
                if b % 2 == 0:
                    pltpu.make_async_copy(outbuf.at[b], out_slice(c), s_out[b]).wait()
                else:
                    pltpu.make_async_copy(spm.at[sid, b], out_slice(c), s_out[b]).wait()

            @pl.loop(0, R)
            def _(r):
                @plsc.parallel_loop(0, N_COLS // LANES, unroll=8)
                def _(j):
                    x = inbuf[b, r, pl.ds(N_COLS - LANES - LANES * j, LANES)]
                    outbuf[b, r, pl.ds(LANES * j, LANES)] = lax.rev(x, (0,))

            if b % 2 == 0:
                pltpu.async_copy(outbuf.at[b], out_slice(c), s_out[b])
            else:
                pltpu.sync_copy(outbuf.at[b], spm.at[sid, b])
                pltpu.async_copy(spm.at[sid, b], out_slice(c), s_out[b])

    for b in range(NBUF):
        if b % 2 == 0:
            pltpu.make_async_copy(outbuf.at[b], out_slice(0), s_out[b]).wait()
        else:
            pltpu.make_async_copy(spm.at[sid, b], out_slice(0), s_out[b]).wait()
    pltpu.make_async_copy(zbuf, ld_hbm.at[pl.ds(base, ROWS_PER_W)], s_ld).wait()


def kernel(inputs, forward):
    out, logdet = _permute_sc(inputs)
    return (out, logdet.reshape(inputs.shape[0], 1))

# --- scband reference (transcript-rebuilt; emitter-appended) ---
"""Pipeline reference for scband-permute-layer-1803886264389 (READ-ONLY COPY).

The authoritative reference and input builder live on the scoring server;
editing this copy changes nothing except your own understanding.
"""

import jax, jax.numpy as jnp
import numpy as np

NUM_INPUTS = 2048
PERM = jnp.asarray(np.arange(0, NUM_INPUTS)[::-1].copy())

def setup_inputs(seed: int = 0) -> dict:
    key = jax.random.key(seed)
    inputs = jax.random.normal(key, (16384, NUM_INPUTS), dtype=jnp.float32)
    return {"inputs": inputs, "forward": 1}

def reference(inputs, forward):
    # PermuteLayer.forward: reverse feature order via gather, plus zero log-det
    out = inputs[:, PERM]
    logdet = jnp.zeros((inputs.shape[0], 1), dtype=inputs.dtype)
    return (out, logdet)

if __name__ == "__main__":
    import jax
    _d = setup_inputs()
    print(jax.jit(kernel)(*tuple(_d.values())))

</pallas_src>

<mosaic_0001>
#map = affine_map<(d0, d1) -> (0, 0)>
#map1 = affine_map<(d0, d1) -> (0)>
module attributes {stable_mosaic.version = 14 : i64} {
  func.func @_permute_sc(%arg0: i32, %arg1: i32, %arg2: memref<16384x2048xf32, #tpu.memory_space<hbm>>, %arg3: memref<16384x2048xf32, #tpu.memory_space<hbm>>, %arg4: memref<16384xf32, #tpu.memory_space<hbm>>, %arg5: memref<8x2x2048xf32, #tpu.memory_space<vmem>>, %arg6: memref<8x2x2048xf32, #tpu.memory_space<vmem>>, %arg7: memref<512xf32, #tpu.memory_space<vmem>>, %arg8: memref<16x8x2x2048xf32, #tpu.memory_space<vmem_shared>>, %arg9: memref<!tpu.dma_semaphore, #tpu.memory_space<semaphore_mem>>, %arg10: memref<!tpu.dma_semaphore, #tpu.memory_space<semaphore_mem>>, %arg11: memref<!tpu.dma_semaphore, #tpu.memory_space<semaphore_mem>>, %arg12: memref<!tpu.dma_semaphore, #tpu.memory_space<semaphore_mem>>, %arg13: memref<!tpu.dma_semaphore, #tpu.memory_space<semaphore_mem>>, %arg14: memref<!tpu.dma_semaphore, #tpu.memory_space<semaphore_mem>>, %arg15: memref<!tpu.dma_semaphore, #tpu.memory_space<semaphore_mem>>, %arg16: memref<!tpu.dma_semaphore, #tpu.memory_space<semaphore_mem>>, %arg17: memref<!tpu.dma_semaphore, #tpu.memory_space<semaphore_mem>>, %arg18: memref<!tpu.dma_semaphore, #tpu.memory_space<semaphore_mem>>, %arg19: memref<!tpu.dma_semaphore, #tpu.memory_space<semaphore_mem>>, %arg20: memref<!tpu.dma_semaphore, #tpu.memory_space<semaphore_mem>>, %arg21: memref<!tpu.dma_semaphore, #tpu.memory_space<semaphore_mem>>, %arg22: memref<!tpu.dma_semaphore, #tpu.memory_space<semaphore_mem>>, %arg23: memref<!tpu.dma_semaphore, #tpu.memory_space<semaphore_mem>>, %arg24: memref<!tpu.dma_semaphore, #tpu.memory_space<semaphore_mem>>, %arg25: memref<!tpu.dma_semaphore, #tpu.memory_space<semaphore_mem>>) attributes {dimension_semantics = [#tpu.dimension_semantics<core_parallel>, #tpu.dimension_semantics<subcore_parallel>], iteration_bounds = array<i64: 2, 16>, scalar_prefetch = 0 : i64, scratch_operands = 21 : i64, tpu.core_type = #tpu.core_type<sc_vector_subcore>, window_params = [{transform_indices = #map}, {transform_indices = #map}, {transform_indices = #map1}]} {
    %mul3A = arith.constant 2 : i32
    %mul3A_0 = arith.muli %arg1, %mul3A : i32
    %add3A = arith.addi %mul3A_0, %arg0 : i32
    %mul3A_1 = arith.constant 512 : i32
    %mul3A_2 = arith.muli %add3A, %mul3A_1 : i32
    %broadcast_in_dim3A = arith.constant 0.000000e+00 : f32
    %broadcast_in_dim3A_3 = vector.broadcast %broadcast_in_dim3A : f32 to vector<16xf32>
    %swap3A = arith.constant 0 : index
    %swap3A_4 = tpu.vector_load %arg7[%swap3A] {strides = array<i32>} : memref<512xf32, #tpu.memory_space<vmem>>, vector<16xf32>,
    %swap3A_5 = vector.shape_cast %swap3A_4 : vector<16xf32> to vector<16xf32>
    %swap3A_6 = vector.shape_cast %broadcast_in_dim3A_3 : vector<16xf32> to vector<16xf32>
    tpu.vector_store %arg7[%swap3A], %swap3A_6 {strides = array<i32>} : memref<512xf32, #tpu.memory_space<vmem>>, vector<16xf32>,
    %swap3A_7 = arith.constant 16 : index
    %swap3A_8 = tpu.vector_load %arg7[%swap3A_7] {strides = array<i32>} : memref<512xf32, #tpu.memory_space<vmem>>, vector<16xf32>,
    %swap3A_9 = vector.shape_cast %swap3A_8 : vector<16xf32> to vector<16xf32>
    %swap3A_10 = vector.shape_cast %broadcast_in_dim3A_3 : vector<16xf32> to vector<16xf32>
    tpu.vector_store %arg7[%swap3A_7], %swap3A_10 {strides = array<i32>} : memref<512xf32, #tpu.memory_space<vmem>>, vector<16xf32>,
    %swap3A_11 = arith.constant 32 : index
    %swap3A_12 = tpu.vector_load %arg7[%swap3A_11] {strides = array<i32>} : memref<512xf32, #tpu.memory_space<vmem>>, vector<16xf32>,
    %swap3A_13 = vector.shape_cast %swap3A_12 : vector<16xf32> to vector<16xf32>
    %swap3A_14 = vector.shape_cast %broadcast_in_dim3A_3 : vector<16xf32> to vector<16xf32>
    tpu.vector_store %arg7[%swap3A_11], %swap3A_14 {strides = array<i32>} : memref<512xf32, #tpu.memory_space<vmem>>, vector<16xf32>,
    %swap3A_15 = arith.constant 48 : index
    %swap3A_16 = tpu.vector_load %arg7[%swap3A_15] {strides = array<i32>} : memref<512xf32, #tpu.memory_space<vmem>>, vector<16xf32>,
    %swap3A_17 = vector.shape_cast %swap3A_16 : vector<16xf32> to vector<16xf32>
    %swap3A_18 = vector.shape_cast %broadcast_in_dim3A_3 : vector<16xf32> to vector<16xf32>
    tpu.vector_store %arg7[%swap3A_15], %swap3A_18 {strides = array<i32>} : memref<512xf32, #tpu.memory_space<vmem>>, vector<16xf32>,
    %swap3A_19 = arith.constant 64 : index
    %swap3A_20 = tpu.vector_load %arg7[%swap3A_19] {strides = array<i32>} : memref<512xf32, #tpu.memory_space<vmem>>, vector<16xf32>,
    %swap3A_21 = vector.shape_cast %swap3A_20 : vector<16xf32> to vector<16xf32>
    %swap3A_22 = vector.shape_cast %broadcast_in_dim3A_3 : vector<16xf32> to vector<16xf32>
    tpu.vector_store %arg7[%swap3A_19], %swap3A_22 {strides = array<i32>} : memref<512xf32, #tpu.memory_space<vmem>>, vector<16xf32>,
    %swap3A_23 = arith.constant 80 : index
    %swap3A_24 = tpu.vector_load %arg7[%swap3A_23] {strides = array<i32>} : memref<512xf32, #tpu.memory_space<vmem>>, vector<16xf32>,
    %swap3A_25 = vector.shape_cast %swap3A_24 : vector<16xf32> to vector<16xf32>
    %swap3A_26 = vector.shape_cast %broadcast_in_dim3A_3 : vector<16xf32> to vector<16xf32>
    tpu.vector_store %arg7[%swap3A_23], %swap3A_26 {strides = array<i32>} : memref<512xf32, #tpu.memory_space<vmem>>, vector<16xf32>,
    %swap3A_27 = arith.constant 96 : index
    %swap3A_28 = tpu.vector_load %arg7[%swap3A_27] {strides = array<i32>} : memref<512xf32, #tpu.memory_space<vmem>>, vector<16xf32>,
    %swap3A_29 = vector.shape_cast %swap3A_28 : vector<16xf32> to vector<16xf32>
    %swap3A_30 = vector.shape_cast %broadcast_in_dim3A_3 : vector<16xf32> to vector<16xf32>
    tpu.vector_store %arg7[%swap3A_27], %swap3A_30 {strides = array<i32>} : memref<512xf32, #tpu.memory_space<vmem>>, vector<16xf32>,
    %swap3A_31 = arith.constant 112 : index
    %swap3A_32 = tpu.vector_load %arg7[%swap3A_31] {strides = array<i32>} : memref<512xf32, #tpu.memory_space<vmem>>, vector<16xf32>,
    %swap3A_33 = vector.shape_cast %swap3A_32 : vector<16xf32> to vector<16xf32>
    %swap3A_34 = vector.shape_cast %broadcast_in_dim3A_3 : vector<16xf32> to vector<16xf32>
    tpu.vector_store %arg7[%swap3A_31], %swap3A_34 {strides = array<i32>} : memref<512xf32, #tpu.memory_space<vmem>>, vector<16xf32>,
    %swap3A_35 = arith.constant 128 : index
    %swap3A_36 = tpu.vector_load %arg7[%swap3A_35] {strides = array<i32>} : memref<512xf32, #tpu.memory_space<vmem>>, vector<16xf32>,
    %swap3A_37 = vector.shape_cast %swap3A_36 : vector<16xf32> to vector<16xf32>
    %swap3A_38 = vector.shape_cast %broadcast_in_dim3A_3 : vector<16xf32> to vector<16xf32>
    tpu.vector_store %arg7[%swap3A_35], %swap3A_38 {strides = array<i32>} : memref<512xf32, #tpu.memory_space<vmem>>, vector<16xf32>,
    %swap3A_39 = arith.constant 144 : index
    %swap3A_40 = tpu.vector_load %arg7[%swap3A_39] {strides = array<i32>} : memref<512xf32, #tpu.memory_space<vmem>>, vector<16xf32>,
    %swap3A_41 = vector.shape_cast %swap3A_40 : vector<16xf32> to vector<16xf32>
    %swap3A_42 = vector.shape_cast %broadcast_in_dim3A_3 : vector<16xf32> to vector<16xf32>
    tpu.vector_store %arg7[%swap3A_39], %swap3A_42 {strides = array<i32>} : memref<512xf32, #tpu.memory_space<vmem>>, vector<16xf32>,
    %swap3A_43 = arith.constant 160 : index
    %swap3A_44 = tpu.vector_load %arg7[%swap3A_43] {strides = array<i32>} : memref<512xf32, #tpu.memory_space<vmem>>, vector<16xf32>,
    %swap3A_45 = vector.shape_cast %swap3A_44 : vector<16xf32> to vector<16xf32>
    %swap3A_46 = vector.shape_cast %broadcast_in_dim3A_3 : vector<16xf32> to vector<16xf32>
    tpu.vector_store %arg7[%swap3A_43], %swap3A_46 {strides = array<i32>} : memref<512xf32, #tpu.memory_space<vmem>>, vector<16xf32>,
    %swap3A_47 = arith.constant 176 : index
    %swap3A_48 = tpu.vector_load %arg7[%swap3A_47] {strides = array<i32>} : memref<512xf32, #tpu.memory_space<vmem>>, vector<16xf32>,
    %swap3A_49 = vector.shape_cast %swap3A_48 : vector<16xf32> to vector<16xf32>
    %swap3A_50 = vector.shape_cast %broadcast_in_dim3A_3 : vector<16xf32> to vector<16xf32>
    tpu.vector_store %arg7[%swap3A_47], %swap3A_50 {strides = array<i32>} : memref<512xf32, #tpu.memory_space<vmem>>, vector<16xf32>,
    %swap3A_51 = arith.constant 192 : index
    %swap3A_52 = tpu.vector_load %arg7[%swap3A_51] {strides = array<i32>} : memref<512xf32, #tpu.memory_space<vmem>>, vector<16xf32>,
    %swap3A_53 = vector.shape_cast %swap3A_52 : vector<16xf32> to vector<16xf32>
    %swap3A_54 = vector.shape_cast %broadcast_in_dim3A_3 : vector<16xf32> to vector<16xf32>
    tpu.vector_store %arg7[%swap3A_51], %swap3A_54 {strides = array<i32>} : memref<512xf32, #tpu.memory_space<vmem>>, vector<16xf32>,
    %swap3A_55 = arith.constant 208 : index
    %swap3A_56 = tpu.vector_load %arg7[%swap3A_55] {strides = array<i32>} : memref<512xf32, #tpu.memory_space<vmem>>, vector<16xf32>,
    %swap3A_57 = vector.shape_cast %swap3A_56 : vector<16xf32> to vector<16xf32>
    %swap3A_58 = vector.shape_cast %broadcast_in_dim3A_3 : vector<16xf32> to vector<16xf32>
    tpu.vector_store %arg7[%swap3A_55], %swap3A_58 {strides = array<i32>} : memref<512xf32, #tpu.memory_space<vmem>>, vector<16xf32>,
    %swap3A_59 = arith.constant 224 : index
    %swap3A_60 = tpu.vector_load %arg7[%swap3A_59] {strides = array<i32>} : memref<512xf32, #tpu.memory_space<vmem>>, vector<16xf32>,
    %swap3A_61 = vector.shape_cast %swap3A_60 : vector<16xf32> to vector<16xf32>
    %swap3A_62 = vector.shape_cast %broadcast_in_dim3A_3 : vector<16xf32> to vector<16xf32>
    tpu.vector_store %arg7[%swap3A_59], %swap3A_62 {strides = array<i32>} : memref<512xf32, #tpu.memory_space<vmem>>, vector<16xf32>,
    %swap3A_63 = arith.constant 240 : index
    %swap3A_64 = tpu.vector_load %arg7[%swap3A_63] {strides = array<i32>} : memref<512xf32, #tpu.memory_space<vmem>>, vector<16xf32>,
    %swap3A_65 = vector.shape_cast %swap3A_64 : vector<16xf32> to vector<16xf32>
    %swap3A_66 = vector.shape_cast %broadcast_in_dim3A_3 : vector<16xf32> to vector<16xf32>
    tpu.vector_store %arg7[%swap3A_63], %swap3A_66 {strides = array<i32>} : memref<512xf32, #tpu.memory_space<vmem>>, vector<16xf32>,
    %swap3A_67 = arith.constant 256 : index
    %swap3A_68 = tpu.vector_load %arg7[%swap3A_67] {strides = array<i32>} : memref<512xf32, #tpu.memory_space<vmem>>, vector<16xf32>,
    %swap3A_69 = vector.shape_cast %swap3A_68 : vector<16xf32> to vector<16xf32>
    %swap3A_70 = vector.shape_cast %broadcast_in_dim3A_3 : vector<16xf32> to vector<16xf32>
    tpu.vector_store %arg7[%swap3A_67], %swap3A_70 {strides = array<i32>} : memref<512xf32, #tpu.memory_space<vmem>>, vector<16xf32>,
    %swap3A_71 = arith.constant 272 : index
    %swap3A_72 = tpu.vector_load %arg7[%swap3A_71] {strides = array<i32>} : memref<512xf32, #tpu.memory_space<vmem>>, vector<16xf32>,
    %swap3A_73 = vector.shape_cast %swap3A_72 : vector<16xf32> to vector<16xf32>
    %swap3A_74 = vector.shape_cast %broadcast_in_dim3A_3 : vector<16xf32> to vector<16xf32>
    tpu.vector_store %arg7[%swap3A_71], %swap3A_74 {strides = array<i32>} : memref<512xf32, #tpu.memory_space<vmem>>, vector<16xf32>,
    %swap3A_75 = arith.constant 288 : index
    %swap3A_76 = tpu.vector_load %arg7[%swap3A_75] {strides = array<i32>} : memref<512xf32, #tpu.memory_space<vmem>>, vector<16xf32>,
    %swap3A_77 = vector.shape_cast %swap3A_76 : vector<16xf32> to vector<16xf32>
    %swap3A_78 = vector.shape_cast %broadcast_in_dim3A_3 : vector<16xf32> to vector<16xf32>
    tpu.vector_store %arg7[%swap3A_75], %swap3A_78 {strides = array<i32>} : memref<512xf32, #tpu.memory_space<vmem>>, vector<16xf32>,
    %swap3A_79 = arith.constant 304 : index
    %swap3A_80 = tpu.vector_load %arg7[%swap3A_79] {strides = array<i32>} : memref<512xf32, #tpu.memory_space<vmem>>, vector<16xf32>,
    %swap3A_81 = vector.shape_cast %swap3A_80 : vector<16xf32> to vector<16xf32>
    %swap3A_82 = vector.shape_cast %broadcast_in_dim3A_3 : vector<16xf32> to vector<16xf32>
    tpu.vector_store %arg7[%swap3A_79], %swap3A_82 {strides = array<i32>} : memref<512xf32, #tpu.memory_space<vmem>>, vector<16xf32>,
    %swap3A_83 = arith.constant 320 : index
    %swap3A_84 = tpu.vector_load %arg7[%swap3A_83] {strides = array<i32>} : memref<512xf32, #tpu.memory_space<vmem>>, vector<16xf32>,
    %swap3A_85 = vector.shape_cast %swap3A_84 : vector<16xf32> to vector<16xf32>
    %swap3A_86 = vector.shape_cast %broadcast_in_dim3A_3 : vector<16xf32> to vector<16xf32>
    tpu.vector_store %arg7[%swap3A_83], %swap3A_86 {strides = array<i32>} : memref<512xf32, #tpu.memory_space<vmem>>, vector<16xf32>,
    %swap3A_87 = arith.constant 336 : index
    %swap3A_88 = tpu.vector_load %arg7[%swap3A_87] {strides = array<i32>} : memref<512xf32, #tpu.memory_space<vmem>>, vector<16xf32>,
    %swap3A_89 = vector.shape_cast %swap3A_88 : vector<16xf32> to vector<16xf32>
    %swap3A_90 = vector.shape_cast %broadcast_in_dim3A_3 : vector<16xf32> to vector<16xf32>
    tpu.vector_store %arg7[%swap3A_87], %swap3A_90 {strides = array<i32>} : memref<512xf32, #tpu.memory_space<vmem>>, vector<16xf32>,
    %swap3A_91 = arith.constant 352 : index
    %swap3A_92 = tpu.vector_load %arg7[%swap3A_91] {strides = array<i32>} : memref<512xf32, #tpu.memory_space<vmem>>, vector<16xf32>,
    %swap3A_93 = vector.shape_cast %swap3A_92 : vector<16xf32> to vector<16xf32>
    %swap3A_94 = vector.shape_cast %broadcast_in_dim3A_3 : vector<16xf32> to vector<16xf32>
    tpu.vector_store %arg7[%swap3A_91], %swap3A_94 {strides = array<i32>} : memref<512xf32, #tpu.memory_space<vmem>>, vector<16xf32>,
    %swap3A_95 = arith.constant 368 : index
    %swap3A_96 = tpu.vector_load %arg7[%swap3A_95] {strides = array<i32>} : memref<512xf32, #tpu.memory_space<vmem>>, vector<16xf32>,
    %swap3A_97 = vector.shape_cast %swap3A_96 : vector<16xf32> to vector<16xf32>
    %swap3A_98 = vector.shape_cast %broadcast_in_dim3A_3 : vector<16xf32> to vector<16xf32>
    tpu.vector_store %arg7[%swap3A_95], %swap3A_98 {strides = array<i32>} : memref<512xf32, #tpu.memory_space<vmem>>, vector<16xf32>,
    %swap3A_99 = arith.constant 384 : index
    %swap3A_100 = tpu.vector_load %arg7[%swap3A_99] {strides = array<i32>} : memref<512xf32, #tpu.memory_space<vmem>>, vector<16xf32>,
    %swap3A_101 = vector.shape_cast %swap3A_100 : vector<16xf32> to vector<16xf32>
    %swap3A_102 = vector.shape_cast %broadcast_in_dim3A_3 : vector<16xf32> to vector<16xf32>
    tpu.vector_store %arg7[%swap3A_99], %swap3A_102 {strides = array<i32>} : memref<512xf32, #tpu.memory_space<vmem>>, vector<16xf32>,
    %swap3A_103 = arith.constant 400 : index
    %swap3A_104 = tpu.vector_load %arg7[%swap3A_103] {strides = array<i32>} : memref<512xf32, #tpu.memory_space<vmem>>, vector<16xf32>,
    %swap3A_105 = vector.shape_cast %swap3A_104 : vector<16xf32> to vector<16xf32>
    %swap3A_106 = vector.shape_cast %broadcast_in_dim3A_3 : vector<16xf32> to vector<16xf32>
    tpu.vector_store %arg7[%swap3A_103], %swap3A_106 {strides = array<i32>} : memref<512xf32, #tpu.memory_space<vmem>>, vector<16xf32>,
    %swap3A_107 = arith.constant 416 : index
    %swap3A_108 = tpu.vector_load %arg7[%swap3A_107] {strides = array<i32>} : memref<512xf32, #tpu.memory_space<vmem>>, vector<16xf32>,
    %swap3A_109 = vector.shape_cast %swap3A_108 : vector<16xf32> to vector<16xf32>
    %swap3A_110 = vector.shape_cast %broadcast_in_dim3A_3 : vector<16xf32> to vector<16xf32>
    tpu.vector_store %arg7[%swap3A_107], %swap3A_110 {strides = array<i32>} : memref<512xf32, #tpu.memory_space<vmem>>, vector<16xf32>,
    %swap3A_111 = arith.constant 432 : index
    %swap3A_112 = tpu.vector_load %arg7[%swap3A_111] {strides = array<i32>} : memref<512xf32, #tpu.memory_space<vmem>>, vector<16xf32>,
    %swap3A_113 = vector.shape_cast %swap3A_112 : vector<16xf32> to vector<16xf32>
    %swap3A_114 = vector.shape_cast %broadcast_in_dim3A_3 : vector<16xf32> to vector<16xf32>
    tpu.vector_store %arg7[%swap3A_111], %swap3A_114 {strides = array<i32>} : memref<512xf32, #tpu.memory_space<vmem>>, vector<16xf32>,
    %swap3A_115 = arith.constant 448 : index
    %swap3A_116 = tpu.vector_load %arg7[%swap3A_115] {strides = array<i32>} : memref<512xf32, #tpu.memory_space<vmem>>, vector<16xf32>,
    %swap3A_117 = vector.shape_cast %swap3A_116 : vector<16xf32> to vector<16xf32>
    %swap3A_118 = vector.shape_cast %broadcast_in_dim3A_3 : vector<16xf32> to vector<16xf32>
    tpu.vector_store %arg7[%swap3A_115], %swap3A_118 {strides = array<i32>} : memref<512xf32, #tpu.memory_space<vmem>>, vector<16xf32>,
    %swap3A_119 = arith.constant 464 : index
    %swap3A_120 = tpu.vector_load %arg7[%swap3A_119] {strides = array<i32>} : memref<512xf32, #tpu.memory_space<vmem>>, vector<16xf32>,
    %swap3A_121 = vector.shape_cast %swap3A_120 : vector<16xf32> to vector<16xf32>
    %swap3A_122 = vector.shape_cast %broadcast_in_dim3A_3 : vector<16xf32> to vector<16xf32>
    tpu.vector_store %arg7[%swap3A_119], %swap3A_122 {strides = array<i32>} : memref<512xf32, #tpu.memory_space<vmem>>, vector<16xf32>,
    %swap3A_123 = arith.constant 480 : index
    %swap3A_124 = tpu.vector_load %arg7[%swap3A_123] {strides = array<i32>} : memref<512xf32, #tpu.memory_space<vmem>>, vector<16xf32>,
    %swap3A_125 = vector.shape_cast %swap3A_124 : vector<16xf32> to vector<16xf32>
    %swap3A_126 = vector.shape_cast %broadcast_in_dim3A_3 : vector<16xf32> to vector<16xf32>
    tpu.vector_store %arg7[%swap3A_123], %swap3A_126 {strides = array<i32>} : memref<512xf32, #tpu.memory_space<vmem>>, vector<16xf32>,
    %swap3A_127 = arith.constant 496 : index
    %swap3A_128 = tpu.vector_load %arg7[%swap3A_127] {strides = array<i32>} : memref<512xf32, #tpu.memory_space<vmem>>, vector<16xf32>,
    %swap3A_129 = vector.shape_cast %swap3A_128 : vector<16xf32> to vector<16xf32>
    %swap3A_130 = vector.shape_cast %broadcast_in_dim3A_3 : vector<16xf32> to vector<16xf32>
    tpu.vector_store %arg7[%swap3A_127], %swap3A_130 {strides = array<i32>} : memref<512xf32, #tpu.memory_space<vmem>>, vector<16xf32>,
    %dma_start3A = tpu.memref_slice %arg4[%mul3A_2] : memref<16384xf32, #tpu.memory_space<hbm>> -> memref<512xf32, #tpu.memory_space<hbm>>
    %dma_start3A_131 = tpu.memref_slice %arg4[%mul3A_2] : memref<16384xf32, #tpu.memory_space<hbm>> -> memref<512xf32, #tpu.memory_space<hbm>>
    tpu.enqueue_dma source(%arg7 : memref<512xf32, #tpu.memory_space<vmem>>) target(%dma_start3A_131 : memref<512xf32, #tpu.memory_space<hbm>>) target_semaphore(%arg25 : memref<!tpu.dma_semaphore, #tpu.memory_space<semaphore_mem>>)
    %add3A_132 = arith.constant 0 : i32
    %add3A_133 = arith.addi %mul3A_2, %add3A_132 : i32
    %dma_start3A_134 = arith.constant 0 : i32
    %dma_start3A_135 = arith.constant 0 : i32
    %dma_start3A_136 = arith.constant 0 : i32
    %dma_start3A_137 = tpu.memref_slice %arg5[%dma_start3A_134, %dma_start3A_135, %dma_start3A_136] : memref<8x2x2048xf32, #tpu.memory_space<vmem>> -> memref<1x2x2048xf32, #tpu.memory_space<vmem>>
    %dma_start3A_138 = tpu.memref_squeeze %dma_start3A_137 : memref<1x2x2048xf32, #tpu.memory_space<vmem>> -> memref<2x2048xf32, #tpu.memory_space<vmem>>
    %dma_start3A_139 = arith.constant 0 : i32
    %dma_start3A_140 = tpu.memref_slice %arg2[%add3A_133, %dma_start3A_139] : memref<16384x2048xf32, #tpu.memory_space<hbm>> -> memref<2x2048xf32, #tpu.memory_space<hbm>>
    %dma_start3A_141 = arith.constant 0 : i32
    %dma_start3A_142 = arith.constant 0 : i32
    %dma_start3A_143 = tpu.memref_slice %arg5[%dma_start3A_134, %dma_start3A_141, %dma_start3A_142] : memref<8x2x2048xf32, #tpu.memory_space<vmem>> -> memref<1x2x2048xf32, #tpu.memory_space<vmem>>
    %dma_start3A_144 = tpu.memref_squeeze %dma_start3A_143 : memref<1x2x2048xf32, #tpu.memory_space<vmem>> -> memref<2x2048xf32, #tpu.memory_space<vmem>>
    %dma_start3A_145 = arith.constant 0 : i32
    %dma_start3A_146 = tpu.memref_slice %arg2[%add3A_133, %dma_start3A_145] : memref<16384x2048xf32, #tpu.memory_space<hbm>> -> memref<2x2048xf32, #tpu.memory_space<hbm>>
    tpu.enqueue_dma source(%dma_start3A_146 : memref<2x2048xf32, #tpu.memory_space<hbm>>) target(%dma_start3A_144 : memref<2x2048xf32, #tpu.memory_space<vmem>>) target_semaphore(%arg9 : memref<!tpu.dma_semaphore, #tpu.memory_space<semaphore_mem>>)
    %add3A_147 = arith.constant 2 : i32
    %add3A_148 = arith.addi %mul3A_2, %add3A_147 : i32
    %dma_start3A_149 = arith.constant 1 : i32
    %dma_start3A_150 = arith.constant 0 : i32
    %dma_start3A_151 = arith.constant 0 : i32
    %dma_start3A_152 = tpu.memref_slice %arg5[%dma_start3A_149, %dma_start3A_150, %dma_start3A_151] : memref<8x2x2048xf32, #tpu.memory_space<vmem>> -> memref<1x2x2048xf32, #tpu.memory_space<vmem>>
    %dma_start3A_153 = tpu.memref_squeeze %dma_start3A_152 : memref<1x2x2048xf32, #tpu.memory_space<vmem>> -> memref<2x2048xf32, #tpu.memory_space<vmem>>
    %dma_start3A_154 = arith.constant 0 : i32
    %dma_start3A_155 = tpu.memref_slice %arg2[%add3A_148, %dma_start3A_154] : memref<16384x2048xf32, #tpu.memory_space<hbm>> -> memref<2x2048xf32, #tpu.memory_space<hbm>>
    %dma_start3A_156 = arith.constant 0 : i32
    %dma_start3A_157 = arith.constant 0 : i32
    %dma_start3A_158 = tpu.memref_slice %arg5[%dma_start3A_149, %dma_start3A_156, %dma_start3A_157] : memref<8x2x2048xf32, #tpu.memory_space<vmem>> -> memref<1x2x2048xf32, #tpu.memory_space<vmem>>
    %dma_start3A_159 = tpu.memref_squeeze %dma_start3A_158 : memref<1x2x2048xf32, #tpu.memory_space<vmem>> -> memref<2x2048xf32, #tpu.memory_space<vmem>>
    %dma_start3A_160 = arith.constant 0 : i32
    %dma_start3A_161 = tpu.memref_slice %arg2[%add3A_148, %dma_start3A_160] : memref<16384x2048xf32, #tpu.memory_space<hbm>> -> memref<2x2048xf32, #tpu.memory_space<hbm>>
    tpu.enqueue_dma source(%dma_start3A_161 : memref<2x2048xf32, #tpu.memory_space<hbm>>) target(%dma_start3A_159 : memref<2x2048xf32, #tpu.memory_space<vmem>>) target_semaphore(%arg10 : memref<!tpu.dma_semaphore, #tpu.memory_space<semaphore_mem>>)
    %add3A_162 = arith.constant 4 : i32
    %add3A_163 = arith.addi %mul3A_2, %add3A_162 : i32
    %dma_start3A_164 = arith.constant 2 : i32
    %dma_start3A_165 = arith.constant 0 : i32
    %dma_start3A_166 = arith.constant 0 : i32
    %dma_start3A_167 = tpu.memref_slice %arg5[%dma_start3A_164, %dma_start3A_165, %dma_start3A_166] : memref<8x2x2048xf32, #tpu.memory_space<vmem>> -> memref<1x2x2048xf32, #tpu.memory_space<vmem>>
    %dma_start3A_168 = tpu.memref_squeeze %dma_start3A_167 : memref<1x2x2048xf32, #tpu.memory_space<vmem>> -> memref<2x2048xf32, #tpu.memory_space<vmem>>
    %dma_start3A_169 = arith.constant 0 : i32
    %dma_start3A_170 = tpu.memref_slice %arg2[%add3A_163, %dma_start3A_169] : memref<16384x2048xf32, #tpu.memory_space<hbm>> -> memref<2x2048xf32, #tpu.memory_space<hbm>>
    %dma_start3A_171 = arith.constant 0 : i32
    %dma_start3A_172 = arith.constant 0 : i32
    %dma_start3A_173 = tpu.memref_slice %arg5[%dma_start3A_164, %dma_start3A_171, %dma_start3A_172] : memref<8x2x2048xf32, #tpu.memory_space<vmem>> -> memref<1x2x2048xf32, #tpu.memory_space<vmem>>
    %dma_start3A_174 = tpu.memref_squeeze %dma_start3A_173 : memref<1x2x2048xf32, #tpu.memory_space<vmem>> -> memref<2x2048xf32, #tpu.memory_space<vmem>>
    %dma_start3A_175 = arith.constant 0 : i32
    %dma_start3A_176 = tpu.memref_slice %arg2[%add3A_163, %dma_start3A_175] : memref<16384x2048xf32, #tpu.memory_space<hbm>> -> memref<2x2048xf32, #tpu.memory_space<hbm>>
    tpu.enqueue_dma source(%dma_start3A_176 : memref<2x2048xf32, #tpu.memory_space<hbm>>) target(%dma_start3A_174 : memref<2x2048xf32, #tpu.memory_space<vmem>>) target_semaphore(%arg11 : memref<!tpu.dma_semaphore, #tpu.memory_space<semaphore_mem>>)
    %add3A_177 = arith.constant 6 : i32
    %add3A_178 = arith.addi %mul3A_2, %add3A_177 : i32
    %dma_start3A_179 = arith.constant 3 : i32
    %dma_start3A_180 = arith.constant 0 : i32
    %dma_start3A_181 = arith.constant 0 : i32
    %dma_start3A_182 = tpu.memref_slice %arg5[%dma_start3A_179, %dma_start3A_180, %dma_start3A_181] : memref<8x2x2048xf32, #tpu.memory_space<vmem>> -> memref<1x2x2048xf32, #tpu.memory_space<vmem>>
    %dma_start3A_183 = tpu.memref_squeeze %dma_start3A_182 : memref<1x2x2048xf32, #tpu.memory_space<vmem>> -> memref<2x2048xf32, #tpu.memory_space<vmem>>
    %dma_start3A_184 = arith.constant 0 : i32
    %dma_start3A_185 = tpu.memref_slice %arg2[%add3A_178, %dma_start3A_184] : memref<16384x2048xf32, #tpu.memory_space<hbm>> -> memref<2x2048xf32, #tpu.memory_space<hbm>>
    %dma_start3A_186 = arith.constant 0 : i32
    %dma_start3A_187 = arith.constant 0 : i32
    %dma_start3A_188 = tpu.memref_slice %arg5[%dma_start3A_179, %dma_start3A_186, %dma_start3A_187] : memref<8x2x2048xf32, #tpu.memory_space<vmem>> -> memref<1x2x2048xf32, #tpu.memory_space<vmem>>
    %dma_start3A_189 = tpu.memref_squeeze %dma_start3A_188 : memref<1x2x2048xf32, #tpu.memory_space<vmem>> -> memref<2x2048xf32, #tpu.memory_space<vmem>>
    %dma_start3A_190 = arith.constant 0 : i32
    %dma_start3A_191 = tpu.memref_slice %arg2[%add3A_178, %dma_start3A_190] : memref<16384x2048xf32, #tpu.memory_space<hbm>> -> memref<2x2048xf32, #tpu.memory_space<hbm>>
    tpu.enqueue_dma source(%dma_start3A_191 : memref<2x2048xf32, #tpu.memory_space<hbm>>) target(%dma_start3A_189 : memref<2x2048xf32, #tpu.memory_space<vmem>>) target_semaphore(%arg12 : memref<!tpu.dma_semaphore, #tpu.memory_space<semaphore_mem>>)
    %add3A_192 = arith.constant 8 : i32
    %add3A_193 = arith.addi %mul3A_2, %add3A_192 : i32
    %dma_start3A_194 = arith.constant 4 : i32
    %dma_start3A_195 = arith.constant 0 : i32
    %dma_start3A_196 = arith.constant 0 : i32
    %dma_start3A_197 = tpu.memref_slice %arg5[%dma_start3A_194, %dma_start3A_195, %dma_start3A_196] : memref<8x2x2048xf32, #tpu.memory_space<vmem>> -> memref<1x2x2048xf32, #tpu.memory_space<vmem>>
    %dma_start3A_198 = tpu.memref_squeeze %dma_start3A_197 : memref<1x2x2048xf32, #tpu.memory_space<vmem>> -> memref<2x2048xf32, #tpu.memory_space<vmem>>
    %dma_start3A_199 = arith.constant 0 : i32
    %dma_start3A_200 = tpu.memref_slice %arg2[%add3A_193, %dma_start3A_199] : memref<16384x2048xf32, #tpu.memory_space<hbm>> -> memref<2x2048xf32, #tpu.memory_space<hbm>>
    %dma_start3A_201 = arith.constant 0 : i32
    %dma_start3A_202 = arith.constant 0 : i32
    %dma_start3A_203 = tpu.memref_slice %arg5[%dma_start3A_194, %dma_start3A_201, %dma_start3A_202] : memref<8x2x2048xf32, #tpu.memory_space<vmem>> -> memref<1x2x2048xf32, #tpu.memory_space<vmem>>
    %dma_start3A_204 = tpu.memref_squeeze %dma_start3A_203 : memref<1x2x2048xf32, #tpu.memory_space<vmem>> -> memref<2x2048xf32, #tpu.memory_space<vmem>>
    %dma_start3A_205 = arith.constant 0 : i32
    %dma_start3A_206 = tpu.memref_slice %arg2[%add3A_193, %dma_start3A_205] : memref<16384x2048xf32, #tpu.memory_space<hbm>> -> memref<2x2048xf32, #tpu.memory_space<hbm>>
    tpu.enqueue_dma source(%dma_start3A_206 : memref<2x2048xf32, #tpu.memory_space<hbm>>) target(%dma_start3A_204 : memref<2x2048xf32, #tpu.memory_space<vmem>>) target_semaphore(%arg13 : memref<!tpu.dma_semaphore, #tpu.memory_space<semaphore_mem>>)
    %add3A_207 = arith.constant 10 : i32
    %add3A_208 = arith.addi %mul3A_2, %add3A_207 : i32
    %dma_start3A_209 = arith.constant 5 : i32
    %dma_start3A_210 = arith.constant 0 : i32
    %dma_start3A_211 = arith.constant 0 : i32
    %dma_start3A_212 = tpu.memref_slice %arg5[%dma_start3A_209, %dma_start3A_210, %dma_start3A_211] : memref<8x2x2048xf32, #tpu.memory_space<vmem>> -> memref<1x2x2048xf32, #tpu.memory_space<vmem>>
    %dma_start3A_213 = tpu.memref_squeeze %dma_start3A_212 : memref<1x2x2048xf32, #tpu.memory_space<vmem>> -> memref<2x2048xf32, #tpu.memory_space<vmem>>
    %dma_start3A_214 = arith.constant 0 : i32
    %dma_start3A_215 = tpu.memref_slice %arg2[%add3A_208, %dma_start3A_214] : memref<16384x2048xf32, #tpu.memory_space<hbm>> -> memref<2x2048xf32, #tpu.memory_space<hbm>>
    %dma_start3A_216 = arith.constant 0 : i32
    %dma_start3A_217 = arith.constant 0 : i32
    %dma_start3A_218 = tpu.memref_slice %arg5[%dma_start3A_209, %dma_start3A_216, %dma_start3A_217] : memref<8x2x2048xf32, #tpu.memory_space<vmem>> -> memref<1x2x2048xf32, #tpu.memory_space<vmem>>
    %dma_start3A_219 = tpu.memref_squeeze %dma_start3A_218 : memref<1x2x2048xf32, #tpu.memory_space<vmem>> -> memref<2x2048xf32, #tpu.memory_space<vmem>>
    %dma_start3A_220 = arith.constant 0 : i32
    %dma_start3A_221 = tpu.memref_slice %arg2[%add3A_208, %dma_start3A_220] : memref<16384x2048xf32, #tpu.memory_space<hbm>> -> memref<2x2048xf32, #tpu.memory_space<hbm>>
    tpu.enqueue_dma source(%dma_start3A_221 : memref<2x2048xf32, #tpu.memory_space<hbm>>) target(%dma_start3A_219 : memref<2x2048xf32, #tpu.memory_space<vmem>>) target_semaphore(%arg14 : memref<!tpu.dma_semaphore, #tpu.memory_space<semaphore_mem>>)
    %add3A_222 = arith.constant 12 : i32
    %add3A_223 = arith.addi %mul3A_2, %add3A_222 : i32
    %dma_start3A_224 = arith.constant 6 : i32
    %dma_start3A_225 = arith.constant 0 : i32
    %dma_start3A_226 = arith.constant 0 : i32
    %dma_start3A_227 = tpu.memref_slice %arg5[%dma_start3A_224, %dma_start3A_225, %dma_start3A_226] : memref<8x2x2048xf32, #tpu.memory_space<vmem>> -> memref<1x2x2048xf32, #tpu.memory_space<vmem>>
    %dma_start3A_228 = tpu.memref_squeeze %dma_start3A_227 : memref<1x2x2048xf32, #tpu.memory_space<vmem>> -> memref<2x2048xf32, #tpu.memory_space<vmem>>
    %dma_start3A_229 = arith.constant 0 : i32
    %dma_start3A_230 = tpu.memref_slice %arg2[%add3A_223, %dma_start3A_229] : memref<16384x2048xf32, #tpu.memory_space<hbm>> -> memref<2x2048xf32, #tpu.memory_space<hbm>>
    %dma_start3A_231 = arith.constant 0 : i32
    %dma_start3A_232 = arith.constant 0 : i32
    %dma_start3A_233 = tpu.memref_slice %arg5[%dma_start3A_224, %dma_start3A_231, %dma_start3A_232] : memref<8x2x2048xf32, #tpu.memory_space<vmem>> -> memref<1x2x2048xf32, #tpu.memory_space<vmem>>
    %dma_start3A_234 = tpu.memref_squeeze %dma_start3A_233 : memref<1x2x2048xf32, #tpu.memory_space<vmem>> -> memref<2x2048xf32, #tpu.memory_space<vmem>>
    %dma_start3A_235 = arith.constant 0 : i32
    %dma_start3A_236 = tpu.memref_slice %arg2[%add3A_223, %dma_start3A_235] : memref<16384x2048xf32, #tpu.memory_space<hbm>> -> memref<2x2048xf32, #tpu.memory_space<hbm>>
    tpu.enqueue_dma source(%dma_start3A_236 : memref<2x2048xf32, #tpu.memory_space<hbm>>) target(%dma_start3A_234 : memref<2x2048xf32, #tpu.memory_space<vmem>>) target_semaphore(%arg15 : memref<!tpu.dma_semaphore, #tpu.memory_space<semaphore_mem>>)
    %scan3A = arith.constant 0 : i32
    %scan3A_237 = arith.constant 32 : i32
    %scan3A_238 = arith.addi %scan3A, %scan3A_237 : i32
    %scan3A_239 = arith.constant 1 : i32
    scf.for %scan3A_338 = %scan3A to %scan3A_238 step %scan3A_239  : i32 {
      %mul3A_339 = arith.constant 8 : i32
      %mul3A_340 = arith.muli %scan3A_338, %mul3A_339 : i32
      %add3A_341 = arith.constant 0 : i32
      %add3A_342 = arith.addi %add3A_341, %mul3A_340 : i32
      %add3A_343 = arith.constant 0 : i32
      %add3A_344 = arith.addi %add3A_342, %add3A_343 : i32
      %add3A_345 = arith.constant 8 : i32
      %add3A_346 = arith.addi %add3A_344, %add3A_345 : i32
      %sub3A = arith.constant 1 : i32
      %sub3A_347 = arith.subi %add3A_346, %sub3A : i32
      %lt3A = arith.constant 256 : i32
      %lt3A_348 = arith.cmpi slt, %sub3A_347, %lt3A : i32
      %convert_element_type3A = arith.extui %lt3A_348 : i1 to i32
      %cond3A = arith.constant 0 : i32
      %cond3A_349 = arith.cmpi ne, %convert_element_type3A, %cond3A : i32
      scf.if %cond3A_349 {
        %add3A_745 = arith.constant 8 : i32
        %add3A_746 = arith.addi %add3A_344, %add3A_745 : i32
        %sub3A_747 = arith.constant 1 : i32
        %sub3A_748 = arith.subi %add3A_746, %sub3A_747 : i32
        %mul3A_749 = arith.constant 2 : i32
        %mul3A_750 = arith.muli %sub3A_748, %mul3A_749 : i32
        %add3A_751 = arith.addi %mul3A_2, %mul3A_750 : i32
        %dma_start3A_752 = arith.constant 7 : i32
        %dma_start3A_753 = arith.constant 0 : i32
        %dma_start3A_754 = arith.constant 0 : i32
        %dma_start3A_755 = tpu.memref_slice %arg5[%dma_start3A_752, %dma_start3A_753, %dma_start3A_754] : memref<8x2x2048xf32, #tpu.memory_space<vmem>> -> memref<1x2x2048xf32, #tpu.memory_space<vmem>>
        %dma_start3A_756 = tpu.memref_squeeze %dma_start3A_755 : memref<1x2x2048xf32, #tpu.memory_space<vmem>> -> memref<2x2048xf32, #tpu.memory_space<vmem>>
        %dma_start3A_757 = arith.constant 0 : i32
        %dma_start3A_758 = tpu.memref_slice %arg2[%add3A_751, %dma_start3A_757] : memref<16384x2048xf32, #tpu.memory_space<hbm>> -> memref<2x2048xf32, #tpu.memory_space<hbm>>
        %dma_start3A_759 = arith.constant 0 : i32
        %dma_start3A_760 = arith.constant 0 : i32
        %dma_start3A_761 = tpu.memref_slice %arg5[%dma_start3A_752, %dma_start3A_759, %dma_start3A_760] : memref<8x2x2048xf32, #tpu.memory_space<vmem>> -> memref<1x2x2048xf32, #tpu.memory_space<vmem>>
        %dma_start3A_762 = tpu.memref_squeeze %dma_start3A_761 : memref<1x2x2048xf32, #tpu.memory_space<vmem>> -> memref<2x2048xf32, #tpu.memory_space<vmem>>
        %dma_start3A_763 = arith.constant 0 : i32
        %dma_start3A_764 = tpu.memref_slice %arg2[%add3A_751, %dma_start3A_763] : memref<16384x2048xf32, #tpu.memory_space<hbm>> -> memref<2x2048xf32, #tpu.memory_space<hbm>>
        tpu.enqueue_dma source(%dma_start3A_764 : memref<2x2048xf32, #tpu.memory_space<hbm>>) target(%dma_start3A_762 : memref<2x2048xf32, #tpu.memory_space<vmem>>) target_semaphore(%arg16 : memref<!tpu.dma_semaphore, #tpu.memory_space<semaphore_mem>>)
      } else {
      }
      %mul3A_350 = arith.constant 2 : i32
      %mul3A_351 = arith.muli %add3A_344, %mul3A_350 : i32
      %add3A_352 = arith.addi %mul3A_2, %mul3A_351 : i32
      %dma_wait3A_353 = arith.constant 0 : i32
      %dma_wait3A_354 = arith.constant 0 : i32
      %dma_wait3A_355 = arith.constant 0 : i32
      %dma_wait3A_356 = tpu.memref_slice %arg5[%dma_wait3A_353, %dma_wait3A_354, %dma_wait3A_355] : memref<8x2x2048xf32, #tpu.memory_space<vmem>> -> memref<1x2x2048xf32, #tpu.memory_space<vmem>>
      %dma_wait3A_357 = tpu.memref_squeeze %dma_wait3A_356 : memref<1x2x2048xf32, #tpu.memory_space<vmem>> -> memref<2x2048xf32, #tpu.memory_space<vmem>>
      %dma_wait3A_358 = arith.constant 0 : i32
      %dma_wait3A_359 = tpu.memref_slice %arg2[%add3A_352, %dma_wait3A_358] : memref<16384x2048xf32, #tpu.memory_space<hbm>> -> memref<2x2048xf32, #tpu.memory_space<hbm>>
      %dma_wait3A_360 = arith.constant 0 : i32
      %dma_wait3A_361 = arith.constant 0 : i32
      %dma_wait3A_362 = tpu.memref_slice %arg5[%dma_wait3A_353, %dma_wait3A_360, %dma_wait3A_361] : memref<8x2x2048xf32, #tpu.memory_space<vmem>> -> memref<1x2x2048xf32, #tpu.memory_space<vmem>>
      %dma_wait3A_363 = tpu.memref_squeeze %dma_wait3A_362 : memref<1x2x2048xf32, #tpu.memory_space<vmem>> -> memref<2x2048xf32, #tpu.memory_space<vmem>>
      %dma_wait3A_364 = arith.constant 0 : i32
      %dma_wait3A_365 = tpu.memref_slice %arg2[%add3A_352, %dma_wait3A_364] : memref<16384x2048xf32, #tpu.memory_space<hbm>> -> memref<2x2048xf32, #tpu.memory_space<hbm>>
      tpu.wait_dma2 semaphore(%arg9 : memref<!tpu.dma_semaphore, #tpu.memory_space<semaphore_mem>>) src(%dma_wait3A_365 : memref<2x2048xf32, #tpu.memory_space<hbm>>) dst(%dma_wait3A_363 : memref<2x2048xf32, #tpu.memory_space<vmem>>)
      %ge3A = arith.constant 8 : i32
      %ge3A_366 = arith.cmpi sge, %add3A_344, %ge3A : i32
      %convert_element_type3A_367 = arith.extui %ge3A_366 : i1 to i32
      %cond3A_368 = arith.constant 0 : i32
      %cond3A_369 = arith.cmpi ne, %convert_element_type3A_367, %cond3A_368 : i32
      scf.if %cond3A_369 {
        %mul3A_745 = arith.constant 2 : i32
        %mul3A_746 = arith.muli %add3A_344, %mul3A_745 : i32
        %add3A_747 = arith.addi %mul3A_2, %mul3A_746 : i32
        %dma_wait3A_748 = arith.constant 0 : i32
        %dma_wait3A_749 = arith.constant 0 : i32
        %dma_wait3A_750 = arith.constant 0 : i32
        %dma_wait3A_751 = tpu.memref_slice %arg6[%dma_wait3A_748, %dma_wait3A_749, %dma_wait3A_750] : memref<8x2x2048xf32, #tpu.memory_space<vmem>> -> memref<1x2x2048xf32, #tpu.memory_space<vmem>>
        %dma_wait3A_752 = tpu.memref_squeeze %dma_wait3A_751 : memref<1x2x2048xf32, #tpu.memory_space<vmem>> -> memref<2x2048xf32, #tpu.memory_space<vmem>>
        %dma_wait3A_753 = arith.constant 0 : i32
        %dma_wait3A_754 = tpu.memref_slice %arg3[%add3A_747, %dma_wait3A_753] : memref<16384x2048xf32, #tpu.memory_space<hbm>> -> memref<2x2048xf32, #tpu.memory_space<hbm>>
        %dma_wait3A_755 = arith.constant 0 : i32
        %dma_wait3A_756 = tpu.memref_slice %arg3[%add3A_747, %dma_wait3A_755] : memref<16384x2048xf32, #tpu.memory_space<hbm>> -> memref<2x2048xf32, #tpu.memory_space<hbm>>
        %dma_wait3A_757 = arith.constant 0 : i32
        %dma_wait3A_758 = arith.constant 0 : i32
        %dma_wait3A_759 = tpu.memref_slice %arg6[%dma_wait3A_748, %dma_wait3A_757, %dma_wait3A_758] : memref<8x2x2048xf32, #tpu.memory_space<vmem>> -> memref<1x2x2048xf32, #tpu.memory_space<vmem>>
        %dma_wait3A_760 = tpu.memref_squeeze %dma_wait3A_759 : memref<1x2x2048xf32, #tpu.memory_space<vmem>> -> memref<2x2048xf32, #tpu.memory_space<vmem>>
        tpu.wait_dma2 semaphore(%arg17 : memref<!tpu.dma_semaphore, #tpu.memory_space<semaphore_mem>>) src(%dma_wait3A_760 : memref<2x2048xf32, #tpu.memory_space<vmem>>) dst(%dma_wait3A_756 : memref<2x2048xf32, #tpu.memory_space<hbm>>)
      } else {
      }
      %scan3A_370 = arith.constant 0 : i32
      %scan3A_371 = arith.constant 2 : i32
      %scan3A_372 = arith.addi %scan3A_370, %scan3A_371 : i32
      %scan3A_373 = arith.constant 1 : i32
      scf.for %scan3A_745 = %scan3A_370 to %scan3A_372 step %scan3A_373  : i32 {
        %mul3A_746 = arith.constant 1 : i32
        %mul3A_747 = arith.muli %scan3A_745, %mul3A_746 : i32
        %add3A_748 = arith.constant 0 : i32
        %add3A_749 = arith.addi %add3A_748, %mul3A_747 : i32
        %parallel_loop3A = arith.constant 0 : i32
        %parallel_loop3A_750 = arith.constant 128 : i32
        %parallel_loop3A_751 = arith.constant 1 : i32
        scf.for %parallel_loop3A_752 = %parallel_loop3A to %parallel_loop3A_750 step %parallel_loop3A_751  : i32 {
          %parallel_loop3A_753 = arith.constant 16 : i32
          %parallel_loop3A_754 = arith.muli %parallel_loop3A_753, %parallel_loop3A_752 : i32
          %parallel_loop3A_755 = arith.constant 2032 : i32
          %parallel_loop3A_756 = arith.subi %parallel_loop3A_755, %parallel_loop3A_754 : i32
          %parallel_loop3A_757 = arith.constant 0 : i32
          %parallel_loop3A_758 = arith.index_cast %parallel_loop3A_757 : i32 to index
          %parallel_loop3A_759 = arith.index_cast %add3A_749 : i32 to index
          %parallel_loop3A_760 = arith.index_cast %parallel_loop3A_756 : i32 to index
          %parallel_loop3A_761 = tpu.vector_load %arg5[%parallel_loop3A_758, %parallel_loop3A_759, %parallel_loop3A_760] {strides = array<i32>} : memref<8x2x2048xf32, #tpu.memory_space<vmem>>, vector<1x1x16xf32>,
          %parallel_loop3A_762 = vector.shape_cast %parallel_loop3A_761 : vector<1x1x16xf32> to vector<16xf32>
          %parallel_loop3A_763 = arith.constant 15 : i32
          %parallel_loop3A_764 = vector.broadcast %parallel_loop3A_763 : i32 to vector<16xi32>
          %parallel_loop3A_765 = tpu.iota {dimensions = array<i32: 0>} : vector<16xi32>
          %parallel_loop3A_766 = arith.subi %parallel_loop3A_764, %parallel_loop3A_765 : vector<16xi32>
          %parallel_loop3A_767 = tpu.dynamic_gather %parallel_loop3A_762[%parallel_loop3A_766] in [0] : vector<16xf32>, vector<16xi32> -> vector<16xf32>
          %parallel_loop3A_768 = arith.constant 16 : i32
          %parallel_loop3A_769 = arith.muli %parallel_loop3A_768, %parallel_loop3A_752 : i32
          %parallel_loop3A_770 = arith.constant 0 : i32
          %parallel_loop3A_771 = arith.index_cast %parallel_loop3A_770 : i32 to index
          %parallel_loop3A_772 = arith.index_cast %add3A_749 : i32 to index
          %parallel_loop3A_773 = arith.index_cast %parallel_loop3A_769 : i32 to index
          %parallel_loop3A_774 = tpu.vector_load %arg6[%parallel_loop3A_771, %parallel_loop3A_772, %parallel_loop3A_773] {strides = array<i32>} : memref<8x2x2048xf32, #tpu.memory_space<vmem>>, vector<1x1x16xf32>,
          %parallel_loop3A_775 = vector.shape_cast %parallel_loop3A_774 : vector<1x1x16xf32> to vector<16xf32>
          %parallel_loop3A_776 = vector.shape_cast %parallel_loop3A_767 : vector<16xf32> to vector<1x1x16xf32>
          tpu.vector_store %arg6[%parallel_loop3A_771, %parallel_loop3A_772, %parallel_loop3A_773], %parallel_loop3A_776 {strides = array<i32>} : memref<8x2x2048xf32, #tpu.memory_space<vmem>>, vector<1x1x16xf32>,
        } {sc.loop_unroll_factor = 8 : i64, sc.parallel_access}
      }
      %scan3A_374 = arith.constant 2 : i32
      %mul3A_375 = arith.constant 2 : i32
      %mul3A_376 = arith.muli %add3A_344, %mul3A_375 : i32
      %add3A_377 = arith.addi %mul3A_2, %mul3A_376 : i32
      %dma_start3A_378 = arith.constant 0 : i32
      %dma_start3A_379 = arith.constant 0 : i32
      %dma_start3A_380 = arith.constant 0 : i32
      %dma_start3A_381 = tpu.memref_slice %arg6[%dma_start3A_378, %dma_start3A_379, %dma_start3A_380] : memref<8x2x2048xf32, #tpu.memory_space<vmem>> -> memref<1x2x2048xf32, #tpu.memory_space<vmem>>
      %dma_start3A_382 = tpu.memref_squeeze %dma_start3A_381 : memref<1x2x2048xf32, #tpu.memory_space<vmem>> -> memref<2x2048xf32, #tpu.memory_space<vmem>>
      %dma_start3A_383 = arith.constant 0 : i32
      %dma_start3A_384 = tpu.memref_slice %arg3[%add3A_377, %dma_start3A_383] : memref<16384x2048xf32, #tpu.memory_space<hbm>> -> memref<2x2048xf32, #tpu.memory_space<hbm>>
      %dma_start3A_385 = arith.constant 0 : i32
      %dma_start3A_386 = tpu.memref_slice %arg3[%add3A_377, %dma_start3A_385] : memref<16384x2048xf32, #tpu.memory_space<hbm>> -> memref<2x2048xf32, #tpu.memory_space<hbm>>
      %dma_start3A_387 = arith.constant 0 : i32
      %dma_start3A_388 = arith.constant 0 : i32
      %dma_start3A_389 = tpu.memref_slice %arg6[%dma_start3A_378, %dma_start3A_387, %dma_start3A_388] : memref<8x2x2048xf32, #tpu.memory_space<vmem>> -> memref<1x2x2048xf32, #tpu.memory_space<vmem>>
      %dma_start3A_390 = tpu.memref_squeeze %dma_start3A_389 : memref<1x2x2048xf32, #tpu.memory_space<vmem>> -> memref<2x2048xf32, #tpu.memory_space<vmem>>
      tpu.enqueue_dma source(%dma_start3A_390 : memref<2x2048xf32, #tpu.memory_space<vmem>>) target(%dma_start3A_386 : memref<2x2048xf32, #tpu.memory_space<hbm>>) target_semaphore(%arg17 : memref<!tpu.dma_semaphore, #tpu.memory_space<semaphore_mem>>)
      %add3A_391 = arith.constant 1 : i32
      %add3A_392 = arith.addi %add3A_342, %add3A_391 : i32
      %add3A_393 = arith.constant 8 : i32
      %add3A_394 = arith.addi %add3A_392, %add3A_393 : i32
      %sub3A_395 = arith.constant 1 : i32
      %sub3A_396 = arith.subi %add3A_394, %sub3A_395 : i32
      %lt3A_397 = arith.constant 256 : i32
      %lt3A_398 = arith.cmpi slt, %sub3A_396, %lt3A_397 : i32
      %convert_element_type3A_399 = arith.extui %lt3A_398 : i1 to i32
      %cond3A_400 = arith.constant 0 : i32
      %cond3A_401 = arith.cmpi ne, %convert_element_type3A_399, %cond3A_400 : i32
      scf.if %cond3A_401 {
        %add3A_745 = arith.constant 8 : i32
        %add3A_746 = arith.addi %add3A_392, %add3A_745 : i32
        %sub3A_747 = arith.constant 1 : i32
        %sub3A_748 = arith.subi %add3A_746, %sub3A_747 : i32
        %mul3A_749 = arith.constant 2 : i32
        %mul3A_750 = arith.muli %sub3A_748, %mul3A_749 : i32
        %add3A_751 = arith.addi %mul3A_2, %mul3A_750 : i32
        %dma_start3A_752 = arith.constant 0 : i32
        %dma_start3A_753 = arith.constant 0 : i32
        %dma_start3A_754 = arith.constant 0 : i32
        %dma_start3A_755 = tpu.memref_slice %arg5[%dma_start3A_752, %dma_start3A_753, %dma_start3A_754] : memref<8x2x2048xf32, #tpu.memory_space<vmem>> -> memref<1x2x2048xf32, #tpu.memory_space<vmem>>
        %dma_start3A_756 = tpu.memref_squeeze %dma_start3A_755 : memref<1x2x2048xf32, #tpu.memory_space<vmem>> -> memref<2x2048xf32, #tpu.memory_space<vmem>>
        %dma_start3A_757 = arith.constant 0 : i32
        %dma_start3A_758 = tpu.memref_slice %arg2[%add3A_751, %dma_start3A_757] : memref<16384x2048xf32, #tpu.memory_space<hbm>> -> memref<2x2048xf32, #tpu.memory_space<hbm>>
        %dma_start3A_759 = arith.constant 0 : i32
        %dma_start3A_760 = arith.constant 0 : i32
        %dma_start3A_761 = tpu.memref_slice %arg5[%dma_start3A_752, %dma_start3A_759, %dma_start3A_760] : memref<8x2x2048xf32, #tpu.memory_space<vmem>> -> memref<1x2x2048xf32, #tpu.memory_space<vmem>>
        %dma_start3A_762 = tpu.memref_squeeze %dma_start3A_761 : memref<1x2x2048xf32, #tpu.memory_space<vmem>> -> memref<2x2048xf32, #tpu.memory_space<vmem>>
        %dma_start3A_763 = arith.constant 0 : i32
        %dma_start3A_764 = tpu.memref_slice %arg2[%add3A_751, %dma_start3A_763] : memref<16384x2048xf32, #tpu.memory_space<hbm>> -> memref<2x2048xf32, #tpu.memory_space<hbm>>
        tpu.enqueue_dma source(%dma_start3A_764 : memref<2x2048xf32, #tpu.memory_space<hbm>>) target(%dma_start3A_762 : memref<2x2048xf32, #tpu.memory_space<vmem>>) target_semaphore(%arg9 : memref<!tpu.dma_semaphore, #tpu.memory_space<semaphore_mem>>)
      } else {
      }
      %mul3A_402 = arith.constant 2 : i32
      %mul3A_403 = arith.muli %add3A_392, %mul3A_402 : i32
      %add3A_404 = arith.addi %mul3A_2, %mul3A_403 : i32
      %dma_wait3A_405 = arith.constant 1 : i32
      %dma_wait3A_406 = arith.constant 0 : i32
      %dma_wait3A_407 = arith.constant 0 : i32
      %dma_wait3A_408 = tpu.memref_slice %arg5[%dma_wait3A_405, %dma_wait3A_406, %dma_wait3A_407] : memref<8x2x2048xf32, #tpu.memory_space<vmem>> -> memref<1x2x2048xf32, #tpu.memory_space<vmem>>
      %dma_wait3A_409 = tpu.memref_squeeze %dma_wait3A_408 : memref<1x2x2048xf32, #tpu.memory_space<vmem>> -> memref<2x2048xf32, #tpu.memory_space<vmem>>
      %dma_wait3A_410 = arith.constant 0 : i32
      %dma_wait3A_411 = tpu.memref_slice %arg2[%add3A_404, %dma_wait3A_410] : memref<16384x2048xf32, #tpu.memory_space<hbm>> -> memref<2x2048xf32, #tpu.memory_space<hbm>>
      %dma_wait3A_412 = arith.constant 0 : i32
      %dma_wait3A_413 = arith.constant 0 : i32
      %dma_wait3A_414 = tpu.memref_slice %arg5[%dma_wait3A_405, %dma_wait3A_412, %dma_wait3A_413] : memref<8x2x2048xf32, #tpu.memory_space<vmem>> -> memref<1x2x2048xf32, #tpu.memory_space<vmem>>
      %dma_wait3A_415 = tpu.memref_squeeze %dma_wait3A_414 : memref<1x2x2048xf32, #tpu.memory_space<vmem>> -> memref<2x2048xf32, #tpu.memory_space<vmem>>
      %dma_wait3A_416 = arith.constant 0 : i32
      %dma_wait3A_417 = tpu.memref_slice %arg2[%add3A_404, %dma_wait3A_416] : memref<16384x2048xf32, #tpu.memory_space<hbm>> -> memref<2x2048xf32, #tpu.memory_space<hbm>>
      tpu.wait_dma2 semaphore(%arg10 : memref<!tpu.dma_semaphore, #tpu.memory_space<semaphore_mem>>) src(%dma_wait3A_417 : memref<2x2048xf32, #tpu.memory_space<hbm>>) dst(%dma_wait3A_415 : memref<2x2048xf32, #tpu.memory_space<vmem>>)
      %ge3A_418 = arith.constant 8 : i32
      %ge3A_419 = arith.cmpi sge, %add3A_392, %ge3A_418 : i32
      %convert_element_type3A_420 = arith.extui %ge3A_419 : i1 to i32
      %cond3A_421 = arith.constant 0 : i32
      %cond3A_422 = arith.cmpi ne, %convert_element_type3A_420, %cond3A_421 : i32
      scf.if %cond3A_422 {
        %mul3A_745 = arith.constant 2 : i32
        %mul3A_746 = arith.muli %add3A_392, %mul3A_745 : i32
        %add3A_747 = arith.addi %mul3A_2, %mul3A_746 : i32
        %dma_wait3A_748 = arith.constant 1 : i32
        %dma_wait3A_749 = arith.constant 0 : i32
        %dma_wait3A_750 = tpu.memref_slice %arg3[%add3A_747, %dma_wait3A_749] : memref<16384x2048xf32, #tpu.memory_space<hbm>> -> memref<2x2048xf32, #tpu.memory_space<hbm>>
        %dma_wait3A_751 = arith.constant 0 : i32
        %dma_wait3A_752 = arith.constant 0 : i32
        %dma_wait3A_753 = tpu.memref_slice %arg8[%arg1, %dma_wait3A_748, %dma_wait3A_751, %dma_wait3A_752] : memref<16x8x2x2048xf32, #tpu.memory_space<vmem_shared>> -> memref<1x1x2x2048xf32, #tpu.memory_space<vmem_shared>>
        %dma_wait3A_754 = tpu.memref_squeeze %dma_wait3A_753 : memref<1x1x2x2048xf32, #tpu.memory_space<vmem_shared>> -> memref<2x2048xf32, #tpu.memory_space<vmem_shared>>
        tpu.wait_dma2 semaphore(%arg18 : memref<!tpu.dma_semaphore, #tpu.memory_space<semaphore_mem>>) src(%dma_wait3A_754 : memref<2x2048xf32, #tpu.memory_space<vmem_shared>>) dst(%dma_wait3A_750 : memref<2x2048xf32, #tpu.memory_space<hbm>>)
      } else {
      }
      %scan3A_423 = arith.constant 0 : i32
      %scan3A_424 = arith.constant 2 : i32
      %scan3A_425 = arith.addi %scan3A_423, %scan3A_424 : i32
      %scan3A_426 = arith.constant 1 : i32
      scf.for %scan3A_745 = %scan3A_423 to %scan3A_425 step %scan3A_426  : i32 {
        %mul3A_746 = arith.constant 1 : i32
        %mul3A_747 = arith.muli %scan3A_745, %mul3A_746 : i32
        %add3A_748 = arith.constant 0 : i32
        %add3A_749 = arith.addi %add3A_748, %mul3A_747 : i32
        %parallel_loop3A = arith.constant 0 : i32
        %parallel_loop3A_750 = arith.constant 128 : i32
        %parallel_loop3A_751 = arith.constant 1 : i32
        scf.for %parallel_loop3A_752 = %parallel_loop3A to %parallel_loop3A_750 step %parallel_loop3A_751  : i32 {
          %parallel_loop3A_753 = arith.constant 16 : i32
          %parallel_loop3A_754 = arith.muli %parallel_loop3A_753, %parallel_loop3A_752 : i32
          %parallel_loop3A_755 = arith.constant 2032 : i32
          %parallel_loop3A_756 = arith.subi %parallel_loop3A_755, %parallel_loop3A_754 : i32
          %parallel_loop3A_757 = arith.constant 1 : i32
          %parallel_loop3A_758 = arith.index_cast %parallel_loop3A_757 : i32 to index
          %parallel_loop3A_759 = arith.index_cast %add3A_749 : i32 to index
          %parallel_loop3A_760 = arith.index_cast %parallel_loop3A_756 : i32 to index
          %parallel_loop3A_761 = tpu.vector_load %arg5[%parallel_loop3A_758, %parallel_loop3A_759, %parallel_loop3A_760] {strides = array<i32>} : memref<8x2x2048xf32, #tpu.memory_space<vmem>>, vector<1x1x16xf32>,
          %parallel_loop3A_762 = vector.shape_cast %parallel_loop3A_761 : vector<1x1x16xf32> to vector<16xf32>
          %parallel_loop3A_763 = arith.constant 15 : i32
          %parallel_loop3A_764 = vector.broadcast %parallel_loop3A_763 : i32 to vector<16xi32>
          %parallel_loop3A_765 = tpu.iota {dimensions = array<i32: 0>} : vector<16xi32>
          %parallel_loop3A_766 = arith.subi %parallel_loop3A_764, %parallel_loop3A_765 : vector<16xi32>
          %parallel_loop3A_767 = tpu.dynamic_gather %parallel_loop3A_762[%parallel_loop3A_766] in [0] : vector<16xf32>, vector<16xi32> -> vector<16xf32>
          %parallel_loop3A_768 = arith.constant 16 : i32
          %parallel_loop3A_769 = arith.muli %parallel_loop3A_768, %parallel_loop3A_752 : i32
          %parallel_loop3A_770 = arith.constant 1 : i32
          %parallel_loop3A_771 = arith.index_cast %parallel_loop3A_770 : i32 to index
          %parallel_loop3A_772 = arith.index_cast %add3A_749 : i32 to index
          %parallel_loop3A_773 = arith.index_cast %parallel_loop3A_769 : i32 to index
          %parallel_loop3A_774 = tpu.vector_load %arg6[%parallel_loop3A_771, %parallel_loop3A_772, %parallel_loop3A_773] {strides = array<i32>} : memref<8x2x2048xf32, #tpu.memory_space<vmem>>, vector<1x1x16xf32>,
          %parallel_loop3A_775 = vector.shape_cast %parallel_loop3A_774 : vector<1x1x16xf32> to vector<16xf32>
          %parallel_loop3A_776 = vector.shape_cast %parallel_loop3A_767 : vector<16xf32> to vector<1x1x16xf32>
          tpu.vector_store %arg6[%parallel_loop3A_771, %parallel_loop3A_772, %parallel_loop3A_773], %parallel_loop3A_776 {strides = array<i32>} : memref<8x2x2048xf32, #tpu.memory_space<vmem>>, vector<1x1x16xf32>,
        } {sc.loop_unroll_factor = 8 : i64, sc.parallel_access}
      }
      %scan3A_427 = arith.constant 2 : i32
      %run_scoped3A = arith.constant 1 : i32
      %run_scoped3A_428 = arith.constant 1 : i32
      "tpu.region"() ({
        %run_scoped3A_745 = tpu.sem_alloc : memref<!tpu.dma_semaphore, #tpu.memory_space<semaphore_mem>>
        %dma_start3A_746 = arith.constant 0 : i32
        %dma_start3A_747 = arith.constant 0 : i32
        %dma_start3A_748 = tpu.memref_slice %arg6[%run_scoped3A, %dma_start3A_746, %dma_start3A_747] : memref<8x2x2048xf32, #tpu.memory_space<vmem>> -> memref<1x2x2048xf32, #tpu.memory_space<vmem>>
        %dma_start3A_749 = tpu.memref_squeeze %dma_start3A_748 : memref<1x2x2048xf32, #tpu.memory_space<vmem>> -> memref<2x2048xf32, #tpu.memory_space<vmem>>
        %dma_start3A_750 = arith.constant 0 : i32
        %dma_start3A_751 = arith.constant 0 : i32
        %dma_start3A_752 = tpu.memref_slice %arg8[%arg1, %run_scoped3A_428, %dma_start3A_750, %dma_start3A_751] : memref<16x8x2x2048xf32, #tpu.memory_space<vmem_shared>> -> memref<1x1x2x2048xf32, #tpu.memory_space<vmem_shared>>
        %dma_start3A_753 = tpu.memref_squeeze %dma_start3A_752 : memref<1x1x2x2048xf32, #tpu.memory_space<vmem_shared>> -> memref<2x2048xf32, #tpu.memory_space<vmem_shared>>
        %dma_start3A_754 = arith.constant 0 : i32
        %dma_start3A_755 = arith.constant 0 : i32
        %dma_start3A_756 = tpu.memref_slice %arg8[%arg1, %run_scoped3A_428, %dma_start3A_754, %dma_start3A_755] : memref<16x8x2x2048xf32, #tpu.memory_space<vmem_shared>> -> memref<1x1x2x2048xf32, #tpu.memory_space<vmem_shared>>
        %dma_start3A_757 = tpu.memref_squeeze %dma_start3A_756 : memref<1x1x2x2048xf32, #tpu.memory_space<vmem_shared>> -> memref<2x2048xf32, #tpu.memory_space<vmem_shared>>
        %dma_start3A_758 = arith.constant 0 : i32
        %dma_start3A_759 = arith.constant 0 : i32
        %dma_start3A_760 = tpu.memref_slice %arg6[%run_scoped3A, %dma_start3A_758, %dma_start3A_759] : memref<8x2x2048xf32, #tpu.memory_space<vmem>> -> memref<1x2x2048xf32, #tpu.memory_space<vmem>>
        %dma_start3A_761 = tpu.memref_squeeze %dma_start3A_760 : memref<1x2x2048xf32, #tpu.memory_space<vmem>> -> memref<2x2048xf32, #tpu.memory_space<vmem>>
        tpu.enqueue_dma source(%dma_start3A_761 : memref<2x2048xf32, #tpu.memory_space<vmem>>) target(%dma_start3A_757 : memref<2x2048xf32, #tpu.memory_space<vmem_shared>>) target_semaphore(%run_scoped3A_745 : memref<!tpu.dma_semaphore, #tpu.memory_space<semaphore_mem>>)
        %dma_wait3A_762 = arith.constant 0 : i32
        %dma_wait3A_763 = arith.constant 0 : i32
        %dma_wait3A_764 = tpu.memref_slice %arg6[%run_scoped3A, %dma_wait3A_762, %dma_wait3A_763] : memref<8x2x2048xf32, #tpu.memory_space<vmem>> -> memref<1x2x2048xf32, #tpu.memory_space<vmem>>
        %dma_wait3A_765 = tpu.memref_squeeze %dma_wait3A_764 : memref<1x2x2048xf32, #tpu.memory_space<vmem>> -> memref<2x2048xf32, #tpu.memory_space<vmem>>
        %dma_wait3A_766 = arith.constant 0 : i32
        %dma_wait3A_767 = arith.constant 0 : i32
        %dma_wait3A_768 = tpu.memref_slice %arg8[%arg1, %run_scoped3A_428, %dma_wait3A_766, %dma_wait3A_767] : memref<16x8x2x2048xf32, #tpu.memory_space<vmem_shared>> -> memref<1x1x2x2048xf32, #tpu.memory_space<vmem_shared>>
        %dma_wait3A_769 = tpu.memref_squeeze %dma_wait3A_768 : memref<1x1x2x2048xf32, #tpu.memory_space<vmem_shared>> -> memref<2x2048xf32, #tpu.memory_space<vmem_shared>>
        %dma_wait3A_770 = arith.constant 0 : i32
        %dma_wait3A_771 = arith.constant 0 : i32
        %dma_wait3A_772 = tpu.memref_slice %arg8[%arg1, %run_scoped3A_428, %dma_wait3A_770, %dma_wait3A_771] : memref<16x8x2x2048xf32, #tpu.memory_space<vmem_shared>> -> memref<1x1x2x2048xf32, #tpu.memory_space<vmem_shared>>
        %dma_wait3A_773 = tpu.memref_squeeze %dma_wait3A_772 : memref<1x1x2x2048xf32, #tpu.memory_space<vmem_shared>> -> memref<2x2048xf32, #tpu.memory_space<vmem_shared>>
        %dma_wait3A_774 = arith.constant 0 : i32
        %dma_wait3A_775 = arith.constant 0 : i32
        %dma_wait3A_776 = tpu.memref_slice %arg6[%run_scoped3A, %dma_wait3A_774, %dma_wait3A_775] : memref<8x2x2048xf32, #tpu.memory_space<vmem>> -> memref<1x2x2048xf32, #tpu.memory_space<vmem>>
        %dma_wait3A_777 = tpu.memref_squeeze %dma_wait3A_776 : memref<1x2x2048xf32, #tpu.memory_space<vmem>> -> memref<2x2048xf32, #tpu.memory_space<vmem>>
        tpu.wait_dma2 semaphore(%run_scoped3A_745 : memref<!tpu.dma_semaphore, #tpu.memory_space<semaphore_mem>>) src(%dma_wait3A_777 : memref<2x2048xf32, #tpu.memory_space<vmem>>) dst(%dma_wait3A_773 : memref<2x2048xf32, #tpu.memory_space<vmem_shared>>)
        tpu.yield
      }) : () -> ()
      %mul3A_429 = arith.constant 2 : i32
      %mul3A_430 = arith.muli %add3A_392, %mul3A_429 : i32
      %add3A_431 = arith.addi %mul3A_2, %mul3A_430 : i32
      %dma_start3A_432 = arith.constant 1 : i32
      %dma_start3A_433 = arith.constant 0 : i32
      %dma_start3A_434 = tpu.memref_slice %arg3[%add3A_431, %dma_start3A_433] : memref<16384x2048xf32, #tpu.memory_space<hbm>> -> memref<2x2048xf32, #tpu.memory_space<hbm>>
      %dma_start3A_435 = arith.constant 0 : i32
      %dma_start3A_436 = arith.constant 0 : i32
      %dma_start3A_437 = tpu.memref_slice %arg8[%arg1, %dma_start3A_432, %dma_start3A_435, %dma_start3A_436] : memref<16x8x2x2048xf32, #tpu.memory_space<vmem_shared>> -> memref<1x1x2x2048xf32, #tpu.memory_space<vmem_shared>>
      %dma_start3A_438 = tpu.memref_squeeze %dma_start3A_437 : memref<1x1x2x2048xf32, #tpu.memory_space<vmem_shared>> -> memref<2x2048xf32, #tpu.memory_space<vmem_shared>>
      tpu.enqueue_dma source(%dma_start3A_438 : memref<2x2048xf32, #tpu.memory_space<vmem_shared>>) target(%dma_start3A_434 : memref<2x2048xf32, #tpu.memory_space<hbm>>) target_semaphore(%arg18 : memref<!tpu.dma_semaphore, #tpu.memory_space<semaphore_mem>>)
      %add3A_439 = arith.constant 2 : i32
      %add3A_440 = arith.addi %add3A_342, %add3A_439 : i32
      %add3A_441 = arith.constant 8 : i32
      %add3A_442 = arith.addi %add3A_440, %add3A_441 : i32
      %sub3A_443 = arith.constant 1 : i32
      %sub3A_444 = arith.subi %add3A_442, %sub3A_443 : i32
      %lt3A_445 = arith.constant 256 : i32
      %lt3A_446 = arith.cmpi slt, %sub3A_444, %lt3A_445 : i32
      %convert_element_type3A_447 = arith.extui %lt3A_446 : i1 to i32
      %cond3A_448 = arith.constant 0 : i32
      %cond3A_449 = arith.cmpi ne, %convert_element_type3A_447, %cond3A_448 : i32
      scf.if %cond3A_449 {
        %add3A_745 = arith.constant 8 : i32
        %add3A_746 = arith.addi %add3A_440, %add3A_745 : i32
        %sub3A_747 = arith.constant 1 : i32
        %sub3A_748 = arith.subi %add3A_746, %sub3A_747 : i32
        %mul3A_749 = arith.constant 2 : i32
        %mul3A_750 = arith.muli %sub3A_748, %mul3A_749 : i32
        %add3A_751 = arith.addi %mul3A_2, %mul3A_750 : i32
        %dma_start3A_752 = arith.constant 1 : i32
        %dma_start3A_753 = arith.constant 0 : i32
        %dma_start3A_754 = arith.constant 0 : i32
        %dma_start3A_755 = tpu.memref_slice %arg5[%dma_start3A_752, %dma_start3A_753, %dma_start3A_754] : memref<8x2x2048xf32, #tpu.memory_space<vmem>> -> memref<1x2x2048xf32, #tpu.memory_space<vmem>>
        %dma_start3A_756 = tpu.memref_squeeze %dma_start3A_755 : memref<1x2x2048xf32, #tpu.memory_space<vmem>> -> memref<2x2048xf32, #tpu.memory_space<vmem>>
        %dma_start3A_757 = arith.constant 0 : i32
        %dma_start3A_758 = tpu.memref_slice %arg2[%add3A_751, %dma_start3A_757] : memref<16384x2048xf32, #tpu.memory_space<hbm>> -> memref<2x2048xf32, #tpu.memory_space<hbm>>
        %dma_start3A_759 = arith.constant 0 : i32
        %dma_start3A_760 = arith.constant 0 : i32
        %dma_start3A_761 = tpu.memref_slice %arg5[%dma_start3A_752, %dma_start3A_759, %dma_start3A_760] : memref<8x2x2048xf32, #tpu.memory_space<vmem>> -> memref<1x2x2048xf32, #tpu.memory_space<vmem>>
        %dma_start3A_762 = tpu.memref_squeeze %dma_start3A_761 : memref<1x2x2048xf32, #tpu.memory_space<vmem>> -> memref<2x2048xf32, #tpu.memory_space<vmem>>
        %dma_start3A_763 = arith.constant 0 : i32
        %dma_start3A_764 = tpu.memref_slice %arg2[%add3A_751, %dma_start3A_763] : memref<16384x2048xf32, #tpu.memory_space<hbm>> -> memref<2x2048xf32, #tpu.memory_space<hbm>>
        tpu.enqueue_dma source(%dma_start3A_764 : memref<2x2048xf32, #tpu.memory_space<hbm>>) target(%dma_start3A_762 : memref<2x2048xf32, #tpu.memory_space<vmem>>) target_semaphore(%arg10 : memref<!tpu.dma_semaphore, #tpu.memory_space<semaphore_mem>>)
      } else {
      }
      %mul3A_450 = arith.constant 2 : i32
      %mul3A_451 = arith.muli %add3A_440, %mul3A_450 : i32
      %add3A_452 = arith.addi %mul3A_2, %mul3A_451 : i32
      %dma_wait3A_453 = arith.constant 2 : i32
      %dma_wait3A_454 = arith.constant 0 : i32
      %dma_wait3A_455 = arith.constant 0 : i32
      %dma_wait3A_456 = tpu.memref_slice %arg5[%dma_wait3A_453, %dma_wait3A_454, %dma_wait3A_455] : memref<8x2x2048xf32, #tpu.memory_space<vmem>> -> memref<1x2x2048xf32, #tpu.memory_space<vmem>>
      %dma_wait3A_457 = tpu.memref_squeeze %dma_wait3A_456 : memref<1x2x2048xf32, #tpu.memory_space<vmem>> -> memref<2x2048xf32, #tpu.memory_space<vmem>>
      %dma_wait3A_458 = arith.constant 0 : i32
      %dma_wait3A_459 = tpu.memref_slice %arg2[%add3A_452, %dma_wait3A_458] : memref<16384x2048xf32, #tpu.memory_space<hbm>> -> memref<2x2048xf32, #tpu.memory_space<hbm>>
      %dma_wait3A_460 = arith.constant 0 : i32
      %dma_wait3A_461 = arith.constant 0 : i32
      %dma_wait3A_462 = tpu.memref_slice %arg5[%dma_wait3A_453, %dma_wait3A_460, %dma_wait3A_461] : memref<8x2x2048xf32, #tpu.memory_space<vmem>> -> memref<1x2x2048xf32, #tpu.memory_space<vmem>>
      %dma_wait3A_463 = tpu.memref_squeeze %dma_wait3A_462 : memref<1x2x2048xf32, #tpu.memory_space<vmem>> -> memref<2x2048xf32, #tpu.memory_space<vmem>>
      %dma_wait3A_464 = arith.constant 0 : i32
      %dma_wait3A_465 = tpu.memref_slice %arg2[%add3A_452, %dma_wait3A_464] : memref<16384x2048xf32, #tpu.memory_space<hbm>> -> memref<2x2048xf32, #tpu.memory_space<hbm>>
      tpu.wait_dma2 semaphore(%arg11 : memref<!tpu.dma_semaphore, #tpu.memory_space<semaphore_mem>>) src(%dma_wait3A_465 : memref<2x2048xf32, #tpu.memory_space<hbm>>) dst(%dma_wait3A_463 : memref<2x2048xf32, #tpu.memory_space<vmem>>)
      %ge3A_466 = arith.constant 8 : i32
      %ge3A_467 = arith.cmpi sge, %add3A_440, %ge3A_466 : i32
      %convert_element_type3A_468 = arith.extui %ge3A_467 : i1 to i32
      %cond3A_469 = arith.constant 0 : i32
      %cond3A_470 = arith.cmpi ne, %convert_element_type3A_468, %cond3A_469 : i32
      scf.if %cond3A_470 {
        %mul3A_745 = arith.constant 2 : i32
        %mul3A_746 = arith.muli %add3A_440, %mul3A_745 : i32
        %add3A_747 = arith.addi %mul3A_2, %mul3A_746 : i32
        %dma_wait3A_748 = arith.constant 2 : i32
        %dma_wait3A_749 = arith.constant 0 : i32
        %dma_wait3A_750 = arith.constant 0 : i32
        %dma_wait3A_751 = tpu.memref_slice %arg6[%dma_wait3A_748, %dma_wait3A_749, %dma_wait3A_750] : memref<8x2x2048xf32, #tpu.memory_space<vmem>> -> memref<1x2x2048xf32, #tpu.memory_space<vmem>>
        %dma_wait3A_752 = tpu.memref_squeeze %dma_wait3A_751 : memref<1x2x2048xf32, #tpu.memory_space<vmem>> -> memref<2x2048xf32, #tpu.memory_space<vmem>>
        %dma_wait3A_753 = arith.constant 0 : i32
        %dma_wait3A_754 = tpu.memref_slice %arg3[%add3A_747, %dma_wait3A_753] : memref<16384x2048xf32, #tpu.memory_space<hbm>> -> memref<2x2048xf32, #tpu.memory_space<hbm>>
        %dma_wait3A_755 = arith.constant 0 : i32
        %dma_wait3A_756 = tpu.memref_slice %arg3[%add3A_747, %dma_wait3A_755] : memref<16384x2048xf32, #tpu.memory_space<hbm>> -> memref<2x2048xf32, #tpu.memory_space<hbm>>
        %dma_wait3A_757 = arith.constant 0 : i32
        %dma_wait3A_758 = arith.constant 0 : i32
        %dma_wait3A_759 = tpu.memref_slice %arg6[%dma_wait3A_748, %dma_wait3A_757, %dma_wait3A_758] : memref<8x2x2048xf32, #tpu.memory_space<vmem>> -> memref<1x2x2048xf32, #tpu.memory_space<vmem>>
        %dma_wait3A_760 = tpu.memref_squeeze %dma_wait3A_759 : memref<1x2x2048xf32, #tpu.memory_space<vmem>> -> memref<2x2048xf32, #tpu.memory_space<vmem>>
        tpu.wait_dma2 semaphore(%arg19 : memref<!tpu.dma_semaphore, #tpu.memory_space<semaphore_mem>>) src(%dma_wait3A_760 : memref<2x2048xf32, #tpu.memory_space<vmem>>) dst(%dma_wait3A_756 : memref<2x2048xf32, #tpu.memory_space<hbm>>)
      } else {
      }
      %scan3A_471 = arith.constant 0 : i32
      %scan3A_472 = arith.constant 2 : i32
      %scan3A_473 = arith.addi %scan3A_471, %scan3A_472 : i32
      %scan3A_474 = arith.constant 1 : i32
      scf.for %scan3A_745 = %scan3A_471 to %scan3A_473 step %scan3A_474  : i32 {
        %mul3A_746 = arith.constant 1 : i32
        %mul3A_747 = arith.muli %scan3A_745, %mul3A_746 : i32
        %add3A_748 = arith.constant 0 : i32
        %add3A_749 = arith.addi %add3A_748, %mul3A_747 : i32
        %parallel_loop3A = arith.constant 0 : i32
        %parallel_loop3A_750 = arith.constant 128 : i32
        %parallel_loop3A_751 = arith.constant 1 : i32
        scf.for %parallel_loop3A_752 = %parallel_loop3A to %parallel_loop3A_750 step %parallel_loop3A_751  : i32 {
          %parallel_loop3A_753 = arith.constant 16 : i32
          %parallel_loop3A_754 = arith.muli %parallel_loop3A_753, %parallel_loop3A_752 : i32
          %parallel_loop3A_755 = arith.constant 2032 : i32
          %parallel_loop3A_756 = arith.subi %parallel_loop3A_755, %parallel_loop3A_754 : i32
          %parallel_loop3A_757 = arith.constant 2 : i32
          %parallel_loop3A_758 = arith.index_cast %parallel_loop3A_757 : i32 to index
          %parallel_loop3A_759 = arith.index_cast %add3A_749 : i32 to index
          %parallel_loop3A_760 = arith.index_cast %parallel_loop3A_756 : i32 to index
          %parallel_loop3A_761 = tpu.vector_load %arg5[%parallel_loop3A_758, %parallel_loop3A_759, %parallel_loop3A_760] {strides = array<i32>} : memref<8x2x2048xf32, #tpu.memory_space<vmem>>, vector<1x1x16xf32>,
          %parallel_loop3A_762 = vector.shape_cast %parallel_loop3A_761 : vector<1x1x16xf32> to vector<16xf32>
          %parallel_loop3A_763 = arith.constant 15 : i32
          %parallel_loop3A_764 = vector.broadcast %parallel_loop3A_763 : i32 to vector<16xi32>
          %parallel_loop3A_765 = tpu.iota {dimensions = array<i32: 0>} : vector<16xi32>
          %parallel_loop3A_766 = arith.subi %parallel_loop3A_764, %parallel_loop3A_765 : vector<16xi32>
          %parallel_loop3A_767 = tpu.dynamic_gather %parallel_loop3A_762[%parallel_loop3A_766] in [0] : vector<16xf32>, vector<16xi32> -> vector<16xf32>
          %parallel_loop3A_768 = arith.constant 16 : i32
          %parallel_loop3A_769 = arith.muli %parallel_loop3A_768, %parallel_loop3A_752 : i32
          %parallel_loop3A_770 = arith.constant 2 : i32
          %parallel_loop3A_771 = arith.index_cast %parallel_loop3A_770 : i32 to index
          %parallel_loop3A_772 = arith.index_cast %add3A_749 : i32 to index
          %parallel_loop3A_773 = arith.index_cast %parallel_loop3A_769 : i32 to index
          %parallel_loop3A_774 = tpu.vector_load %arg6[%parallel_loop3A_771, %parallel_loop3A_772, %parallel_loop3A_773] {strides = array<i32>} : memref<8x2x2048xf32, #tpu.memory_space<vmem>>, vector<1x1x16xf32>,
          %parallel_loop3A_775 = vector.shape_cast %parallel_loop3A_774 : vector<1x1x16xf32> to vector<16xf32>
          %parallel_loop3A_776 = vector.shape_cast %parallel_loop3A_767 : vector<16xf32> to vector<1x1x16xf32>
          tpu.vector_store %arg6[%parallel_loop3A_771, %parallel_loop3A_772, %parallel_loop3A_773], %parallel_loop3A_776 {strides = array<i32>} : memref<8x2x2048xf32, #tpu.memory_space<vmem>>, vector<1x1x16xf32>,
        } {sc.loop_unroll_factor = 8 : i64, sc.parallel_access}
      }
      %scan3A_475 = arith.constant 2 : i32
      %mul3A_476 = arith.constant 2 : i32
      %mul3A_477 = arith.muli %add3A_440, %mul3A_476 : i32
      %add3A_478 = arith.addi %mul3A_2, %mul3A_477 : i32
      %dma_start3A_479 = arith.constant 2 : i32
      %dma_start3A_480 = arith.constant 0 : i32
      %dma_start3A_481 = arith.constant 0 : i32
      %dma_start3A_482 = tpu.memref_slice %arg6[%dma_start3A_479, %dma_start3A_480, %dma_start3A_481] : memref<8x2x2048xf32, #tpu.memory_space<vmem>> -> memref<1x2x2048xf32, #tpu.memory_space<vmem>>
      %dma_start3A_483 = tpu.memref_squeeze %dma_start3A_482 : memref<1x2x2048xf32, #tpu.memory_space<vmem>> -> memref<2x2048xf32, #tpu.memory_space<vmem>>
      %dma_start3A_484 = arith.constant 0 : i32
      %dma_start3A_485 = tpu.memref_slice %arg3[%add3A_478, %dma_start3A_484] : memref<16384x2048xf32, #tpu.memory_space<hbm>> -> memref<2x2048xf32, #tpu.memory_space<hbm>>
      %dma_start3A_486 = arith.constant 0 : i32
      %dma_start3A_487 = tpu.memref_slice %arg3[%add3A_478, %dma_start3A_486] : memref<16384x2048xf32, #tpu.memory_space<hbm>> -> memref<2x2048xf32, #tpu.memory_space<hbm>>
      %dma_start3A_488 = arith.constant 0 : i32
      %dma_start3A_489 = arith.constant 0 : i32
      %dma_start3A_490 = tpu.memref_slice %arg6[%dma_start3A_479, %dma_start3A_488, %dma_start3A_489] : memref<8x2x2048xf32, #tpu.memory_space<vmem>> -> memref<1x2x2048xf32, #tpu.memory_space<vmem>>
      %dma_start3A_491 = tpu.memref_squeeze %dma_start3A_490 : memref<1x2x2048xf32, #tpu.memory_space<vmem>> -> memref<2x2048xf32, #tpu.memory_space<vmem>>
      tpu.enqueue_dma source(%dma_start3A_491 : memref<2x2048xf32, #tpu.memory_space<vmem>>) target(%dma_start3A_487 : memref<2x2048xf32, #tpu.memory_space<hbm>>) target_semaphore(%arg19 : memref<!tpu.dma_semaphore, #tpu.memory_space<semaphore_mem>>)
      %add3A_492 = arith.constant 3 : i32
      %add3A_493 = arith.addi %add3A_342, %add3A_492 : i32
      %add3A_494 = arith.constant 8 : i32
      %add3A_495 = arith.addi %add3A_493, %add3A_494 : i32
      %sub3A_496 = arith.constant 1 : i32
      %sub3A_497 = arith.subi %add3A_495, %sub3A_496 : i32
      %lt3A_498 = arith.constant 256 : i32
      %lt3A_499 = arith.cmpi slt, %sub3A_497, %lt3A_498 : i32
      %convert_element_type3A_500 = arith.extui %lt3A_499 : i1 to i32
      %cond3A_501 = arith.constant 0 : i32
      %cond3A_502 = arith.cmpi ne, %convert_element_type3A_500, %cond3A_501 : i32
      scf.if %cond3A_502 {
        %add3A_745 = arith.constant 8 : i32
        %add3A_746 = arith.addi %add3A_493, %add3A_745 : i32
        %sub3A_747 = arith.constant 1 : i32
        %sub3A_748 = arith.subi %add3A_746, %sub3A_747 : i32
        %mul3A_749 = arith.constant 2 : i32
        %mul3A_750 = arith.muli %sub3A_748, %mul3A_749 : i32
        %add3A_751 = arith.addi %mul3A_2, %mul3A_750 : i32
        %dma_start3A_752 = arith.constant 2 : i32
        %dma_start3A_753 = arith.constant 0 : i32
        %dma_start3A_754 = arith.constant 0 : i32
        %dma_start3A_755 = tpu.memref_slice %arg5[%dma_start3A_752, %dma_start3A_753, %dma_start3A_754] : memref<8x2x2048xf32, #tpu.memory_space<vmem>> -> memref<1x2x2048xf32, #tpu.memory_space<vmem>>
        %dma_start3A_756 = tpu.memref_squeeze %dma_start3A_755 : memref<1x2x2048xf32, #tpu.memory_space<vmem>> -> memref<2x2048xf32, #tpu.memory_space<vmem>>
        %dma_start3A_757 = arith.constant 0 : i32
        %dma_start3A_758 = tpu.memref_slice %arg2[%add3A_751, %dma_start3A_757] : memref<16384x2048xf32, #tpu.memory_space<hbm>> -> memref<2x2048xf32, #tpu.memory_space<hbm>>
        %dma_start3A_759 = arith.constant 0 : i32
        %dma_start3A_760 = arith.constant 0 : i32
        %dma_start3A_761 = tpu.memref_slice %arg5[%dma_start3A_752, %dma_start3A_759, %dma_start3A_760] : memref<8x2x2048xf32, #tpu.memory_space<vmem>> -> memref<1x2x2048xf32, #tpu.memory_space<vmem>>
        %dma_start3A_762 = tpu.memref_squeeze %dma_start3A_761 : memref<1x2x2048xf32, #tpu.memory_space<vmem>> -> memref<2x2048xf32, #tpu.memory_space<vmem>>
        %dma_start3A_763 = arith.constant 0 : i32
        %dma_start3A_764 = tpu.memref_slice %arg2[%add3A_751, %dma_start3A_763] : memref<16384x2048xf32, #tpu.memory_space<hbm>> -> memref<2x2048xf32, #tpu.memory_space<hbm>>
        tpu.enqueue_dma source(%dma_start3A_764 : memref<2x2048xf32, #tpu.memory_space<hbm>>) target(%dma_start3A_762 : memref<2x2048xf32, #tpu.memory_space<vmem>>) target_semaphore(%arg11 : memref<!tpu.dma_semaphore, #tpu.memory_space<semaphore_mem>>)
      } else {
      }
      %mul3A_503 = arith.constant 2 : i32
      %mul3A_504 = arith.muli %add3A_493, %mul3A_503 : i32
      %add3A_505 = arith.addi %mul3A_2, %mul3A_504 : i32
      %dma_wait3A_506 = arith.constant 3 : i32
      %dma_wait3A_507 = arith.constant 0 : i32
      %dma_wait3A_508 = arith.constant 0 : i32
      %dma_wait3A_509 = tpu.memref_slice %arg5[%dma_wait3A_506, %dma_wait3A_507, %dma_wait3A_508] : memref<8x2x2048xf32, #tpu.memory_space<vmem>> -> memref<1x2x2048xf32, #tpu.memory_space<vmem>>
      %dma_wait3A_510 = tpu.memref_squeeze %dma_wait3A_509 : memref<1x2x2048xf32, #tpu.memory_space<vmem>> -> memref<2x2048xf32, #tpu.memory_space<vmem>>
      %dma_wait3A_511 = arith.constant 0 : i32
      %dma_wait3A_512 = tpu.memref_slice %arg2[%add3A_505, %dma_wait3A_511] : memref<16384x2048xf32, #tpu.memory_space<hbm>> -> memref<2x2048xf32, #tpu.memory_space<hbm>>
      %dma_wait3A_513 = arith.constant 0 : i32
      %dma_wait3A_514 = arith.constant 0 : i32
      %dma_wait3A_515 = tpu.memref_slice %arg5[%dma_wait3A_506, %dma_wait3A_513, %dma_wait3A_514] : memref<8x2x2048xf32, #tpu.memory_space<vmem>> -> memref<1x2x2048xf32, #tpu.memory_space<vmem>>
      %dma_wait3A_516 = tpu.memref_squeeze %dma_wait3A_515 : memref<1x2x2048xf32, #tpu.memory_space<vmem>> -> memref<2x2048xf32, #tpu.memory_space<vmem>>
      %dma_wait3A_517 = arith.constant 0 : i32
      %dma_wait3A_518 = tpu.memref_slice %arg2[%add3A_505, %dma_wait3A_517] : memref<16384x2048xf32, #tpu.memory_space<hbm>> -> memref<2x2048xf32, #tpu.memory_space<hbm>>
      tpu.wait_dma2 semaphore(%arg12 : memref<!tpu.dma_semaphore, #tpu.memory_space<semaphore_mem>>) src(%dma_wait3A_518 : memref<2x2048xf32, #tpu.memory_space<hbm>>) dst(%dma_wait3A_516 : memref<2x2048xf32, #tpu.memory_space<vmem>>)
      %ge3A_519 = arith.constant 8 : i32
      %ge3A_520 = arith.cmpi sge, %add3A_493, %ge3A_519 : i32
      %convert_element_type3A_521 = arith.extui %ge3A_520 : i1 to i32
      %cond3A_522 = arith.constant 0 : i32
      %cond3A_523 = arith.cmpi ne, %convert_element_type3A_521, %cond3A_522 : i32
      scf.if %cond3A_523 {
        %mul3A_745 = arith.constant 2 : i32
        %mul3A_746 = arith.muli %add3A_493, %mul3A_745 : i32
        %add3A_747 = arith.addi %mul3A_2, %mul3A_746 : i32
        %dma_wait3A_748 = arith.constant 3 : i32
        %dma_wait3A_749 = arith.constant 0 : i32
        %dma_wait3A_750 = tpu.memref_slice %arg3[%add3A_747, %dma_wait3A_749] : memref<16384x2048xf32, #tpu.memory_space<hbm>> -> memref<2x2048xf32, #tpu.memory_space<hbm>>
        %dma_wait3A_751 = arith.constant 0 : i32
        %dma_wait3A_752 = arith.constant 0 : i32
        %dma_wait3A_753 = tpu.memref_slice %arg8[%arg1, %dma_wait3A_748, %dma_wait3A_751, %dma_wait3A_752] : memref<16x8x2x2048xf32, #tpu.memory_space<vmem_shared>> -> memref<1x1x2x2048xf32, #tpu.memory_space<vmem_shared>>
        %dma_wait3A_754 = tpu.memref_squeeze %dma_wait3A_753 : memref<1x1x2x2048xf32, #tpu.memory_space<vmem_shared>> -> memref<2x2048xf32, #tpu.memory_space<vmem_shared>>
        tpu.wait_dma2 semaphore(%arg20 : memref<!tpu.dma_semaphore, #tpu.memory_space<semaphore_mem>>) src(%dma_wait3A_754 : memref<2x2048xf32, #tpu.memory_space<vmem_shared>>) dst(%dma_wait3A_750 : memref<2x2048xf32, #tpu.memory_space<hbm>>)
      } else {
      }
      %scan3A_524 = arith.constant 0 : i32
      %scan3A_525 = arith.constant 2 : i32
      %scan3A_526 = arith.addi %scan3A_524, %scan3A_525 : i32
      %scan3A_527 = arith.constant 1 : i32
      scf.for %scan3A_745 = %scan3A_524 to %scan3A_526 step %scan3A_527  : i32 {
        %mul3A_746 = arith.constant 1 : i32
        %mul3A_747 = arith.muli %scan3A_745, %mul3A_746 : i32
        %add3A_748 = arith.constant 0 : i32
        %add3A_749 = arith.addi %add3A_748, %mul3A_747 : i32
        %parallel_loop3A = arith.constant 0 : i32
        %parallel_loop3A_750 = arith.constant 128 : i32
        %parallel_loop3A_751 = arith.constant 1 : i32
        scf.for %parallel_loop3A_752 = %parallel_loop3A to %parallel_loop3A_750 step %parallel_loop3A_751  : i32 {
          %parallel_loop3A_753 = arith.constant 16 : i32
          %parallel_loop3A_754 = arith.muli %parallel_loop3A_753, %parallel_loop3A_752 : i32
          %parallel_loop3A_755 = arith.constant 2032 : i32
          %parallel_loop3A_756 = arith.subi %parallel_loop3A_755, %parallel_loop3A_754 : i32
          %parallel_loop3A_757 = arith.constant 3 : i32
          %parallel_loop3A_758 = arith.index_cast %parallel_loop3A_757 : i32 to index
          %parallel_loop3A_759 = arith.index_cast %add3A_749 : i32 to index
          %parallel_loop3A_760 = arith.index_cast %parallel_loop3A_756 : i32 to index
          %parallel_loop3A_761 = tpu.vector_load %arg5[%parallel_loop3A_758, %parallel_loop3A_759, %parallel_loop3A_760] {strides = array<i32>} : memref<8x2x2048xf32, #tpu.memory_space<vmem>>, vector<1x1x16xf32>,
          %parallel_loop3A_762 = vector.shape_cast %parallel_loop3A_761 : vector<1x1x16xf32> to vector<16xf32>
          %parallel_loop3A_763 = arith.constant 15 : i32
          %parallel_loop3A_764 = vector.broadcast %parallel_loop3A_763 : i32 to vector<16xi32>
          %parallel_loop3A_765 = tpu.iota {dimensions = array<i32: 0>} : vector<16xi32>
          %parallel_loop3A_766 = arith.subi %parallel_loop3A_764, %parallel_loop3A_765 : vector<16xi32>
          %parallel_loop3A_767 = tpu.dynamic_gather %parallel_loop3A_762[%parallel_loop3A_766] in [0] : vector<16xf32>, vector<16xi32> -> vector<16xf32>
          %parallel_loop3A_768 = arith.constant 16 : i32
          %parallel_loop3A_769 = arith.muli %parallel_loop3A_768, %parallel_loop3A_752 : i32
          %parallel_loop3A_770 = arith.constant 3 : i32
          %parallel_loop3A_771 = arith.index_cast %parallel_loop3A_770 : i32 to index
          %parallel_loop3A_772 = arith.index_cast %add3A_749 : i32 to index
          %parallel_loop3A_773 = arith.index_cast %parallel_loop3A_769 : i32 to index
          %parallel_loop3A_774 = tpu.vector_load %arg6[%parallel_loop3A_771, %parallel_loop3A_772, %parallel_loop3A_773] {strides = array<i32>} : memref<8x2x2048xf32, #tpu.memory_space<vmem>>, vector<1x1x16xf32>,
          %parallel_loop3A_775 = vector.shape_cast %parallel_loop3A_774 : vector<1x1x16xf32> to vector<16xf32>
          %parallel_loop3A_776 = vector.shape_cast %parallel_loop3A_767 : vector<16xf32> to vector<1x1x16xf32>
          tpu.vector_store %arg6[%parallel_loop3A_771, %parallel_loop3A_772, %parallel_loop3A_773], %parallel_loop3A_776 {strides = array<i32>} : memref<8x2x2048xf32, #tpu.memory_space<vmem>>, vector<1x1x16xf32>,
        } {sc.loop_unroll_factor = 8 : i64, sc.parallel_access}
      }
      %scan3A_528 = arith.constant 2 : i32
      %run_scoped3A_529 = arith.constant 3 : i32
      %run_scoped3A_530 = arith.constant 3 : i32
      "tpu.region"() ({
        %run_scoped3A_745 = tpu.sem_alloc : memref<!tpu.dma_semaphore, #tpu.memory_space<semaphore_mem>>
        %dma_start3A_746 = arith.constant 0 : i32
        %dma_start3A_747 = arith.constant 0 : i32
        %dma_start3A_748 = tpu.memref_slice %arg6[%run_scoped3A_529, %dma_start3A_746, %dma_start3A_747] : memref<8x2x2048xf32, #tpu.memory_space<vmem>> -> memref<1x2x2048xf32, #tpu.memory_space<vmem>>
        %dma_start3A_749 = tpu.memref_squeeze %dma_start3A_748 : memref<1x2x2048xf32, #tpu.memory_space<vmem>> -> memref<2x2048xf32, #tpu.memory_space<vmem>>
        %dma_start3A_750 = arith.constant 0 : i32
        %dma_start3A_751 = arith.constant 0 : i32
        %dma_start3A_752 = tpu.memref_slice %arg8[%arg1, %run_scoped3A_530, %dma_start3A_750, %dma_start3A_751] : memref<16x8x2x2048xf32, #tpu.memory_space<vmem_shared>> -> memref<1x1x2x2048xf32, #tpu.memory_space<vmem_shared>>
        %dma_start3A_753 = tpu.memref_squeeze %dma_start3A_752 : memref<1x1x2x2048xf32, #tpu.memory_space<vmem_shared>> -> memref<2x2048xf32, #tpu.memory_space<vmem_shared>>
        %dma_start3A_754 = arith.constant 0 : i32
        %dma_start3A_755 = arith.constant 0 : i32
        %dma_start3A_756 = tpu.memref_slice %arg8[%arg1, %run_scoped3A_530, %dma_start3A_754, %dma_start3A_755] : memref<16x8x2x2048xf32, #tpu.memory_space<vmem_shared>> -> memref<1x1x2x2048xf32, #tpu.memory_space<vmem_shared>>
        %dma_start3A_757 = tpu.memref_squeeze %dma_start3A_756 : memref<1x1x2x2048xf32, #tpu.memory_space<vmem_shared>> -> memref<2x2048xf32, #tpu.memory_space<vmem_shared>>
        %dma_start3A_758 = arith.constant 0 : i32
        %dma_start3A_759 = arith.constant 0 : i32
        %dma_start3A_760 = tpu.memref_slice %arg6[%run_scoped3A_529, %dma_start3A_758, %dma_start3A_759] : memref<8x2x2048xf32, #tpu.memory_space<vmem>> -> memref<1x2x2048xf32, #tpu.memory_space<vmem>>
        %dma_start3A_761 = tpu.memref_squeeze %dma_start3A_760 : memref<1x2x2048xf32, #tpu.memory_space<vmem>> -> memref<2x2048xf32, #tpu.memory_space<vmem>>
        tpu.enqueue_dma source(%dma_start3A_761 : memref<2x2048xf32, #tpu.memory_space<vmem>>) target(%dma_start3A_757 : memref<2x2048xf32, #tpu.memory_space<vmem_shared>>) target_semaphore(%run_scoped3A_745 : memref<!tpu.dma_semaphore, #tpu.memory_space<semaphore_mem>>)
        %dma_wait3A_762 = arith.constant 0 : i32
        %dma_wait3A_763 = arith.constant 0 : i32
        %dma_wait3A_764 = tpu.memref_slice %arg6[%run_scoped3A_529, %dma_wait3A_762, %dma_wait3A_763] : memref<8x2x2048xf32, #tpu.memory_space<vmem>> -> memref<1x2x2048xf32, #tpu.memory_space<vmem>>
        %dma_wait3A_765 = tpu.memref_squeeze %dma_wait3A_764 : memref<1x2x2048xf32, #tpu.memory_space<vmem>> -> memref<2x2048xf32, #tpu.memory_space<vmem>>
        %dma_wait3A_766 = arith.constant 0 : i32
        %dma_wait3A_767 = arith.constant 0 : i32
        %dma_wait3A_768 = tpu.memref_slice %arg8[%arg1, %run_scoped3A_530, %dma_wait3A_766, %dma_wait3A_767] : memref<16x8x2x2048xf32, #tpu.memory_space<vmem_shared>> -> memref<1x1x2x2048xf32, #tpu.memory_space<vmem_shared>>
        %dma_wait3A_769 = tpu.memref_squeeze %dma_wait3A_768 : memref<1x1x2x2048xf32, #tpu.memory_space<vmem_shared>> -> memref<2x2048xf32, #tpu.memory_space<vmem_shared>>
        %dma_wait3A_770 = arith.constant 0 : i32
        %dma_wait3A_771 = arith.constant 0 : i32
        %dma_wait3A_772 = tpu.memref_slice %arg8[%arg1, %run_scoped3A_530, %dma_wait3A_770, %dma_wait3A_771] : memref<16x8x2x2048xf32, #tpu.memory_space<vmem_shared>> -> memref<1x1x2x2048xf32, #tpu.memory_space<vmem_shared>>
        %dma_wait3A_773 = tpu.memref_squeeze %dma_wait3A_772 : memref<1x1x2x2048xf32, #tpu.memory_space<vmem_shared>> -> memref<2x2048xf32, #tpu.memory_space<vmem_shared>>
        %dma_wait3A_774 = arith.constant 0 : i32
        %dma_wait3A_775 = arith.constant 0 : i32
        %dma_wait3A_776 = tpu.memref_slice %arg6[%run_scoped3A_529, %dma_wait3A_774, %dma_wait3A_775] : memref<8x2x2048xf32, #tpu.memory_space<vmem>> -> memref<1x2x2048xf32, #tpu.memory_space<vmem>>
        %dma_wait3A_777 = tpu.memref_squeeze %dma_wait3A_776 : memref<1x2x2048xf32, #tpu.memory_space<vmem>> -> memref<2x2048xf32, #tpu.memory_space<vmem>>
        tpu.wait_dma2 semaphore(%run_scoped3A_745 : memref<!tpu.dma_semaphore, #tpu.memory_space<semaphore_mem>>) src(%dma_wait3A_777 : memref<2x2048xf32, #tpu.memory_space<vmem>>) dst(%dma_wait3A_773 : memref<2x2048xf32, #tpu.memory_space<vmem_shared>>)
        tpu.yield
      }) : () -> ()
      %mul3A_531 = arith.constant 2 : i32
      %mul3A_532 = arith.muli %add3A_493, %mul3A_531 : i32
      %add3A_533 = arith.addi %mul3A_2, %mul3A_532 : i32
      %dma_start3A_534 = arith.constant 3 : i32
      %dma_start3A_535 = arith.constant 0 : i32
      %dma_start3A_536 = tpu.memref_slice %arg3[%add3A_533, %dma_start3A_535] : memref<16384x2048xf32, #tpu.memory_space<hbm>> -> memref<2x2048xf32, #tpu.memory_space<hbm>>
      %dma_start3A_537 = arith.constant 0 : i32
      %dma_start3A_538 = arith.constant 0 : i32
      %dma_start3A_539 = tpu.memref_slice %arg8[%arg1, %dma_start3A_534, %dma_start3A_537, %dma_start3A_538] : memref<16x8x2x2048xf32, #tpu.memory_space<vmem_shared>> -> memref<1x1x2x2048xf32, #tpu.memory_space<vmem_shared>>
      %dma_start3A_540 = tpu.memref_squeeze %dma_start3A_539 : memref<1x1x2x2048xf32, #tpu.memory_space<vmem_shared>> -> memref<2x2048xf32, #tpu.memory_space<vmem_shared>>
      tpu.enqueue_dma source(%dma_start3A_540 : memref<2x2048xf32, #tpu.memory_space<vmem_shared>>) target(%dma_start3A_536 : memref<2x2048xf32, #tpu.memory_space<hbm>>) target_semaphore(%arg20 : memref<!tpu.dma_semaphore, #tpu.memory_space<semaphore_mem>>)
      %add3A_541 = arith.constant 4 : i32
      %add3A_542 = arith.addi %add3A_342, %add3A_541 : i32
      %add3A_543 = arith.constant 8 : i32
      %add3A_544 = arith.addi %add3A_542, %add3A_543 : i32
      %sub3A_545 = arith.constant 1 : i32
      %sub3A_546 = arith.subi %add3A_544, %sub3A_545 : i32
      %lt3A_547 = arith.constant 256 : i32
      %lt3A_548 = arith.cmpi slt, %sub3A_546, %lt3A_547 : i32
      %convert_element_type3A_549 = arith.extui %lt3A_548 : i1 to i32
      %cond3A_550 = arith.constant 0 : i32
      %cond3A_551 = arith.cmpi ne, %convert_element_type3A_549, %cond3A_550 : i32
      scf.if %cond3A_551 {
        %add3A_745 = arith.constant 8 : i32
        %add3A_746 = arith.addi %add3A_542, %add3A_745 : i32
        %sub3A_747 = arith.constant 1 : i32
        %sub3A_748 = arith.subi %add3A_746, %sub3A_747 : i32
        %mul3A_749 = arith.constant 2 : i32
        %mul3A_750 = arith.muli %sub3A_748, %mul3A_749 : i32
        %add3A_751 = arith.addi %mul3A_2, %mul3A_750 : i32
        %dma_start3A_752 = arith.constant 3 : i32
        %dma_start3A_753 = arith.constant 0 : i32
        %dma_start3A_754 = arith.constant 0 : i32
        %dma_start3A_755 = tpu.memref_slice %arg5[%dma_start3A_752, %dma_start3A_753, %dma_start3A_754] : memref<8x2x2048xf32, #tpu.memory_space<vmem>> -> memref<1x2x2048xf32, #tpu.memory_space<vmem>>
        %dma_start3A_756 = tpu.memref_squeeze %dma_start3A_755 : memref<1x2x2048xf32, #tpu.memory_space<vmem>> -> memref<2x2048xf32, #tpu.memory_space<vmem>>
        %dma_start3A_757 = arith.constant 0 : i32
        %dma_start3A_758 = tpu.memref_slice %arg2[%add3A_751, %dma_start3A_757] : memref<16384x2048xf32, #tpu.memory_space<hbm>> -> memref<2x2048xf32, #tpu.memory_space<hbm>>
        %dma_start3A_759 = arith.constant 0 : i32
        %dma_start3A_760 = arith.constant 0 : i32
        %dma_start3A_761 = tpu.memref_slice %arg5[%dma_start3A_752, %dma_start3A_759, %dma_start3A_760] : memref<8x2x2048xf32, #tpu.memory_space<vmem>> -> memref<1x2x2048xf32, #tpu.memory_space<vmem>>
        %dma_start3A_762 = tpu.memref_squeeze %dma_start3A_761 : memref<1x2x2048xf32, #tpu.memory_space<vmem>> -> memref<2x2048xf32, #tpu.memory_space<vmem>>
        %dma_start3A_763 = arith.constant 0 : i32
        %dma_start3A_764 = tpu.memref_slice %arg2[%add3A_751, %dma_start3A_763] : memref<16384x2048xf32, #tpu.memory_space<hbm>> -> memref<2x2048xf32, #tpu.memory_space<hbm>>
        tpu.enqueue_dma source(%dma_start3A_764 : memref<2x2048xf32, #tpu.memory_space<hbm>>) target(%dma_start3A_762 : memref<2x2048xf32, #tpu.memory_space<vmem>>) target_semaphore(%arg12 : memref<!tpu.dma_semaphore, #tpu.memory_space<semaphore_mem>>)
      } else {
      }
      %mul3A_552 = arith.constant 2 : i32
      %mul3A_553 = arith.muli %add3A_542, %mul3A_552 : i32
      %add3A_554 = arith.addi %mul3A_2, %mul3A_553 : i32
      %dma_wait3A_555 = arith.constant 4 : i32
      %dma_wait3A_556 = arith.constant 0 : i32
      %dma_wait3A_557 = arith.constant 0 : i32
      %dma_wait3A_558 = tpu.memref_slice %arg5[%dma_wait3A_555, %dma_wait3A_556, %dma_wait3A_557] : memref<8x2x2048xf32, #tpu.memory_space<vmem>> -> memref<1x2x2048xf32, #tpu.memory_space<vmem>>
      %dma_wait3A_559 = tpu.memref_squeeze %dma_wait3A_558 : memref<1x2x2048xf32, #tpu.memory_space<vmem>> -> memref<2x2048xf32, #tpu.memory_space<vmem>>
      %dma_wait3A_560 = arith.constant 0 : i32
      %dma_wait3A_561 = tpu.memref_slice %arg2[%add3A_554, %dma_wait3A_560] : memref<16384x2048xf32, #tpu.memory_space<hbm>> -> memref<2x2048xf32, #tpu.memory_space<hbm>>
      %dma_wait3A_562 = arith.constant 0 : i32
      %dma_wait3A_563 = arith.constant 0 : i32
      %dma_wait3A_564 = tpu.memref_slice %arg5[%dma_wait3A_555, %dma_wait3A_562, %dma_wait3A_563] : memref<8x2x2048xf32, #tpu.memory_space<vmem>> -> memref<1x2x2048xf32, #tpu.memory_space<vmem>>
      %dma_wait3A_565 = tpu.memref_squeeze %dma_wait3A_564 : memref<1x2x2048xf32, #tpu.memory_space<vmem>> -> memref<2x2048xf32, #tpu.memory_space<vmem>>
      %dma_wait3A_566 = arith.constant 0 : i32
      %dma_wait3A_567 = tpu.memref_slice %arg2[%add3A_554, %dma_wait3A_566] : memref<16384x2048xf32, #tpu.memory_space<hbm>> -> memref<2x2048xf32, #tpu.memory_space<hbm>>
      tpu.wait_dma2 semaphore(%arg13 : memref<!tpu.dma_semaphore, #tpu.memory_space<semaphore_mem>>) src(%dma_wait3A_567 : memref<2x2048xf32, #tpu.memory_space<hbm>>) dst(%dma_wait3A_565 : memref<2x2048xf32, #tpu.memory_space<vmem>>)
      %ge3A_568 = arith.constant 8 : i32
      %ge3A_569 = arith.cmpi sge, %add3A_542, %ge3A_568 : i32
      %convert_element_type3A_570 = arith.extui %ge3A_569 : i1 to i32
      %cond3A_571 = arith.constant 0 : i32
      %cond3A_572 = arith.cmpi ne, %convert_element_type3A_570, %cond3A_571 : i32
      scf.if %cond3A_572 {
        %mul3A_745 = arith.constant 2 : i32
        %mul3A_746 = arith.muli %add3A_542, %mul3A_745 : i32
        %add3A_747 = arith.addi %mul3A_2, %mul3A_746 : i32
        %dma_wait3A_748 = arith.constant 4 : i32
        %dma_wait3A_749 = arith.constant 0 : i32
        %dma_wait3A_750 = arith.constant 0 : i32
        %dma_wait3A_751 = tpu.memref_slice %arg6[%dma_wait3A_748, %dma_wait3A_749, %dma_wait3A_750] : memref<8x2x2048xf32, #tpu.memory_space<vmem>> -> memref<1x2x2048xf32, #tpu.memory_space<vmem>>
        %dma_wait3A_752 = tpu.memref_squeeze %dma_wait3A_751 : memref<1x2x2048xf32, #tpu.memory_space<vmem>> -> memref<2x2048xf32, #tpu.memory_space<vmem>>
        %dma_wait3A_753 = arith.constant 0 : i32
        %dma_wait3A_754 = tpu.memref_slice %arg3[%add3A_747, %dma_wait3A_753] : memref<16384x2048xf32, #tpu.memory_space<hbm>> -> memref<2x2048xf32, #tpu.memory_space<hbm>>
        %dma_wait3A_755 = arith.constant 0 : i32
        %dma_wait3A_756 = tpu.memref_slice %arg3[%add3A_747, %dma_wait3A_755] : memref<16384x2048xf32, #tpu.memory_space<hbm>> -> memref<2x2048xf32, #tpu.memory_space<hbm>>
        %dma_wait3A_757 = arith.constant 0 : i32
        %dma_wait3A_758 = arith.constant 0 : i32
        %dma_wait3A_759 = tpu.memref_slice %arg6[%dma_wait3A_748, %dma_wait3A_757, %dma_wait3A_758] : memref<8x2x2048xf32, #tpu.memory_space<vmem>> -> memref<1x2x2048xf32, #tpu.memory_space<vmem>>
        %dma_wait3A_760 = tpu.memref_squeeze %dma_wait3A_759 : memref<1x2x2048xf32, #tpu.memory_space<vmem>> -> memref<2x2048xf32, #tpu.memory_space<vmem>>
        tpu.wait_dma2 semaphore(%arg21 : memref<!tpu.dma_semaphore, #tpu.memory_space<semaphore_mem>>) src(%dma_wait3A_760 : memref<2x2048xf32, #tpu.memory_space<vmem>>) dst(%dma_wait3A_756 : memref<2x2048xf32, #tpu.memory_space<hbm>>)
      } else {
      }
      %scan3A_573 = arith.constant 0 : i32
      %scan3A_574 = arith.constant 2 : i32
      %scan3A_575 = arith.addi %scan3A_573, %scan3A_574 : i32
      %scan3A_576 = arith.constant 1 : i32
      scf.for %scan3A_745 = %scan3A_573 to %scan3A_575 step %scan3A_576  : i32 {
        %mul3A_746 = arith.constant 1 : i32
        %mul3A_747 = arith.muli %scan3A_745, %mul3A_746 : i32
        %add3A_748 = arith.constant 0 : i32
        %add3A_749 = arith.addi %add3A_748, %mul3A_747 : i32
        %parallel_loop3A = arith.constant 0 : i32
        %parallel_loop3A_750 = arith.constant 128 : i32
        %parallel_loop3A_751 = arith.constant 1 : i32
        scf.for %parallel_loop3A_752 = %parallel_loop3A to %parallel_loop3A_750 step %parallel_loop3A_751  : i32 {
          %parallel_loop3A_753 = arith.constant 16 : i32
          %parallel_loop3A_754 = arith.muli %parallel_loop3A_753, %parallel_loop3A_752 : i32
          %parallel_loop3A_755 = arith.constant 2032 : i32
          %parallel_loop3A_756 = arith.subi %parallel_loop3A_755, %parallel_loop3A_754 : i32
          %parallel_loop3A_757 = arith.constant 4 : i32
          %parallel_loop3A_758 = arith.index_cast %parallel_loop3A_757 : i32 to index
          %parallel_loop3A_759 = arith.index_cast %add3A_749 : i32 to index
          %parallel_loop3A_760 = arith.index_cast %parallel_loop3A_756 : i32 to index
          %parallel_loop3A_761 = tpu.vector_load %arg5[%parallel_loop3A_758, %parallel_loop3A_759, %parallel_loop3A_760] {strides = array<i32>} : memref<8x2x2048xf32, #tpu.memory_space<vmem>>, vector<1x1x16xf32>,
          %parallel_loop3A_762 = vector.shape_cast %parallel_loop3A_761 : vector<1x1x16xf32> to vector<16xf32>
          %parallel_loop3A_763 = arith.constant 15 : i32
          %parallel_loop3A_764 = vector.broadcast %parallel_loop3A_763 : i32 to vector<16xi32>
          %parallel_loop3A_765 = tpu.iota {dimensions = array<i32: 0>} : vector<16xi32>
          %parallel_loop3A_766 = arith.subi %parallel_loop3A_764, %parallel_loop3A_765 : vector<16xi32>
          %parallel_loop3A_767 = tpu.dynamic_gather %parallel_loop3A_762[%parallel_loop3A_766] in [0] : vector<16xf32>, vector<16xi32> -> vector<16xf32>
          %parallel_loop3A_768 = arith.constant 16 : i32
          %parallel_loop3A_769 = arith.muli %parallel_loop3A_768, %parallel_loop3A_752 : i32
          %parallel_loop3A_770 = arith.constant 4 : i32
          %parallel_loop3A_771 = arith.index_cast %parallel_loop3A_770 : i32 to index
          %parallel_loop3A_772 = arith.index_cast %add3A_749 : i32 to index
          %parallel_loop3A_773 = arith.index_cast %parallel_loop3A_769 : i32 to index
          %parallel_loop3A_774 = tpu.vector_load %arg6[%parallel_loop3A_771, %parallel_loop3A_772, %parallel_loop3A_773] {strides = array<i32>} : memref<8x2x2048xf32, #tpu.memory_space<vmem>>, vector<1x1x16xf32>,
          %parallel_loop3A_775 = vector.shape_cast %parallel_loop3A_774 : vector<1x1x16xf32> to vector<16xf32>
          %parallel_loop3A_776 = vector.shape_cast %parallel_loop3A_767 : vector<16xf32> to vector<1x1x16xf32>
          tpu.vector_store %arg6[%parallel_loop3A_771, %parallel_loop3A_772, %parallel_loop3A_773], %parallel_loop3A_776 {strides = array<i32>} : memref<8x2x2048xf32, #tpu.memory_space<vmem>>, vector<1x1x16xf32>,
        } {sc.loop_unroll_factor = 8 : i64, sc.parallel_access}
      }
      %scan3A_577 = arith.constant 2 : i32
      %mul3A_578 = arith.constant 2 : i32
      %mul3A_579 = arith.muli %add3A_542, %mul3A_578 : i32
      %add3A_580 = arith.addi %mul3A_2, %mul3A_579 : i32
      %dma_start3A_581 = arith.constant 4 : i32
      %dma_start3A_582 = arith.constant 0 : i32
      %dma_start3A_583 = arith.constant 0 : i32
      %dma_start3A_584 = tpu.memref_slice %arg6[%dma_start3A_581, %dma_start3A_582, %dma_start3A_583] : memref<8x2x2048xf32, #tpu.memory_space<vmem>> -> memref<1x2x2048xf32, #tpu.memory_space<vmem>>
      %dma_start3A_585 = tpu.memref_squeeze %dma_start3A_584 : memref<1x2x2048xf32, #tpu.memory_space<vmem>> -> memref<2x2048xf32, #tpu.memory_space<vmem>>
      %dma_start3A_586 = arith.constant 0 : i32
      %dma_start3A_587 = tpu.memref_slice %arg3[%add3A_580, %dma_start3A_586] : memref<16384x2048xf32, #tpu.memory_space<hbm>> -> memref<2x2048xf32, #tpu.memory_space<hbm>>
      %dma_start3A_588 = arith.constant 0 : i32
      %dma_start3A_589 = tpu.memref_slice %arg3[%add3A_580, %dma_start3A_588] : memref<16384x2048xf32, #tpu.memory_space<hbm>> -> memref<2x2048xf32, #tpu.memory_space<hbm>>
      %dma_start3A_590 = arith.constant 0 : i32
      %dma_start3A_591 = arith.constant 0 : i32
      %dma_start3A_592 = tpu.memref_slice %arg6[%dma_start3A_581, %dma_start3A_590, %dma_start3A_591] : memref<8x2x2048xf32, #tpu.memory_space<vmem>> -> memref<1x2x2048xf32, #tpu.memory_space<vmem>>
      %dma_start3A_593 = tpu.memref_squeeze %dma_start3A_592 : memref<1x2x2048xf32, #tpu.memory_space<vmem>> -> memref<2x2048xf32, #tpu.memory_space<vmem>>
      tpu.enqueue_dma source(%dma_start3A_593 : memref<2x2048xf32, #tpu.memory_space<vmem>>) target(%dma_start3A_589 : memref<2x2048xf32, #tpu.memory_space<hbm>>) target_semaphore(%arg21 : memref<!tpu.dma_semaphore, #tpu.memory_space<semaphore_mem>>)
      %add3A_594 = arith.constant 5 : i32
      %add3A_595 = arith.addi %add3A_342, %add3A_594 : i32
      %add3A_596 = arith.constant 8 : i32
      %add3A_597 = arith.addi %add3A_595, %add3A_596 : i32
      %sub3A_598 = arith.constant 1 : i32
      %sub3A_599 = arith.subi %add3A_597, %sub3A_598 : i32
      %lt3A_600 = arith.constant 256 : i32
      %lt3A_601 = arith.cmpi slt, %sub3A_599, %lt3A_600 : i32
      %convert_element_type3A_602 = arith.extui %lt3A_601 : i1 to i32
      %cond3A_603 = arith.constant 0 : i32
      %cond3A_604 = arith.cmpi ne, %convert_element_type3A_602, %cond3A_603 : i32
      scf.if %cond3A_604 {
        %add3A_745 = arith.constant 8 : i32
        %add3A_746 = arith.addi %add3A_595, %add3A_745 : i32
        %sub3A_747 = arith.constant 1 : i32
        %sub3A_748 = arith.subi %add3A_746, %sub3A_747 : i32
        %mul3A_749 = arith.constant 2 : i32
        %mul3A_750 = arith.muli %sub3A_748, %mul3A_749 : i32
        %add3A_751 = arith.addi %mul3A_2, %mul3A_750 : i32
        %dma_start3A_752 = arith.constant 4 : i32
        %dma_start3A_753 = arith.constant 0 : i32
        %dma_start3A_754 = arith.constant 0 : i32
        %dma_start3A_755 = tpu.memref_slice %arg5[%dma_start3A_752, %dma_start3A_753, %dma_start3A_754] : memref<8x2x2048xf32, #tpu.memory_space<vmem>> -> memref<1x2x2048xf32, #tpu.memory_space<vmem>>
        %dma_start3A_756 = tpu.memref_squeeze %dma_start3A_755 : memref<1x2x2048xf32, #tpu.memory_space<vmem>> -> memref<2x2048xf32, #tpu.memory_space<vmem>>
        %dma_start3A_757 = arith.constant 0 : i32
        %dma_start3A_758 = tpu.memref_slice %arg2[%add3A_751, %dma_start3A_757] : memref<16384x2048xf32, #tpu.memory_space<hbm>> -> memref<2x2048xf32, #tpu.memory_space<hbm>>
        %dma_start3A_759 = arith.constant 0 : i32
        %dma_start3A_760 = arith.constant 0 : i32
        %dma_start3A_761 = tpu.memref_slice %arg5[%dma_start3A_752, %dma_start3A_759, %dma_start3A_760] : memref<8x2x2048xf32, #tpu.memory_space<vmem>> -> memref<1x2x2048xf32, #tpu.memory_space<vmem>>
        %dma_start3A_762 = tpu.memref_squeeze %dma_start3A_761 : memref<1x2x2048xf32, #tpu.memory_space<vmem>> -> memref<2x2048xf32, #tpu.memory_space<vmem>>
        %dma_start3A_763 = arith.constant 0 : i32
        %dma_start3A_764 = tpu.memref_slice %arg2[%add3A_751, %dma_start3A_763] : memref<16384x2048xf32, #tpu.memory_space<hbm>> -> memref<2x2048xf32, #tpu.memory_space<hbm>>
        tpu.enqueue_dma source(%dma_start3A_764 : memref<2x2048xf32, #tpu.memory_space<hbm>>) target(%dma_start3A_762 : memref<2x2048xf32, #tpu.memory_space<vmem>>) target_semaphore(%arg13 : memref<!tpu.dma_semaphore, #tpu.memory_space<semaphore_mem>>)
      } else {
      }
      %mul3A_605 = arith.constant 2 : i32
      %mul3A_606 = arith.muli %add3A_595, %mul3A_605 : i32
      %add3A_607 = arith.addi %mul3A_2, %mul3A_606 : i32
      %dma_wait3A_608 = arith.constant 5 : i32
      %dma_wait3A_609 = arith.constant 0 : i32
      %dma_wait3A_610 = arith.constant 0 : i32
      %dma_wait3A_611 = tpu.memref_slice %arg5[%dma_wait3A_608, %dma_wait3A_609, %dma_wait3A_610] : memref<8x2x2048xf32, #tpu.memory_space<vmem>> -> memref<1x2x2048xf32, #tpu.memory_space<vmem>>
      %dma_wait3A_612 = tpu.memref_squeeze %dma_wait3A_611 : memref<1x2x2048xf32, #tpu.memory_space<vmem>> -> memref<2x2048xf32, #tpu.memory_space<vmem>>
      %dma_wait3A_613 = arith.constant 0 : i32
      %dma_wait3A_614 = tpu.memref_slice %arg2[%add3A_607, %dma_wait3A_613] : memref<16384x2048xf32, #tpu.memory_space<hbm>> -> memref<2x2048xf32, #tpu.memory_space<hbm>>
      %dma_wait3A_615 = arith.constant 0 : i32
      %dma_wait3A_616 = arith.constant 0 : i32
      %dma_wait3A_617 = tpu.memref_slice %arg5[%dma_wait3A_608, %dma_wait3A_615, %dma_wait3A_616] : memref<8x2x2048xf32, #tpu.memory_space<vmem>> -> memref<1x2x2048xf32, #tpu.memory_space<vmem>>
      %dma_wait3A_618 = tpu.memref_squeeze %dma_wait3A_617 : memref<1x2x2048xf32, #tpu.memory_space<vmem>> -> memref<2x2048xf32, #tpu.memory_space<vmem>>
      %dma_wait3A_619 = arith.constant 0 : i32
      %dma_wait3A_620 = tpu.memref_slice %arg2[%add3A_607, %dma_wait3A_619] : memref<16384x2048xf32, #tpu.memory_space<hbm>> -> memref<2x2048xf32, #tpu.memory_space<hbm>>
      tpu.wait_dma2 semaphore(%arg14 : memref<!tpu.dma_semaphore, #tpu.memory_space<semaphore_mem>>) src(%dma_wait3A_620 : memref<2x2048xf32, #tpu.memory_space<hbm>>) dst(%dma_wait3A_618 : memref<2x2048xf32, #tpu.memory_space<vmem>>)
      %ge3A_621 = arith.constant 8 : i32
      %ge3A_622 = arith.cmpi sge, %add3A_595, %ge3A_621 : i32
      %convert_element_type3A_623 = arith.extui %ge3A_622 : i1 to i32
      %cond3A_624 = arith.constant 0 : i32
      %cond3A_625 = arith.cmpi ne, %convert_element_type3A_623, %cond3A_624 : i32
      scf.if %cond3A_625 {
        %mul3A_745 = arith.constant 2 : i32
        %mul3A_746 = arith.muli %add3A_595, %mul3A_745 : i32
        %add3A_747 = arith.addi %mul3A_2, %mul3A_746 : i32
        %dma_wait3A_748 = arith.constant 5 : i32
        %dma_wait3A_749 = arith.constant 0 : i32
        %dma_wait3A_750 = tpu.memref_slice %arg3[%add3A_747, %dma_wait3A_749] : memref<16384x2048xf32, #tpu.memory_space<hbm>> -> memref<2x2048xf32, #tpu.memory_space<hbm>>
        %dma_wait3A_751 = arith.constant 0 : i32
        %dma_wait3A_752 = arith.constant 0 : i32
        %dma_wait3A_753 = tpu.memref_slice %arg8[%arg1, %dma_wait3A_748, %dma_wait3A_751, %dma_wait3A_752] : memref<16x8x2x2048xf32, #tpu.memory_space<vmem_shared>> -> memref<1x1x2x2048xf32, #tpu.memory_space<vmem_shared>>
        %dma_wait3A_754 = tpu.memref_squeeze %dma_wait3A_753 : memref<1x1x2x2048xf32, #tpu.memory_space<vmem_shared>> -> memref<2x2048xf32, #tpu.memory_space<vmem_shared>>
        tpu.wait_dma2 semaphore(%arg22 : memref<!tpu.dma_semaphore, #tpu.memory_space<semaphore_mem>>) src(%dma_wait3A_754 : memref<2x2048xf32, #tpu.memory_space<vmem_shared>>) dst(%dma_wait3A_750 : memref<2x2048xf32, #tpu.memory_space<hbm>>)
      } else {
      }
      %scan3A_626 = arith.constant 0 : i32
      %scan3A_627 = arith.constant 2 : i32
      %scan3A_628 = arith.addi %scan3A_626, %scan3A_627 : i32
      %scan3A_629 = arith.constant 1 : i32
      scf.for %scan3A_745 = %scan3A_626 to %scan3A_628 step %scan3A_629  : i32 {
        %mul3A_746 = arith.constant 1 : i32
        %mul3A_747 = arith.muli %scan3A_745, %mul3A_746 : i32
        %add3A_748 = arith.constant 0 : i32
        %add3A_749 = arith.addi %add3A_748, %mul3A_747 : i32
        %parallel_loop3A = arith.constant 0 : i32
        %parallel_loop3A_750 = arith.constant 128 : i32
        %parallel_loop3A_751 = arith.constant 1 : i32
        scf.for %parallel_loop3A_752 = %parallel_loop3A to %parallel_loop3A_750 step %parallel_loop3A_751  : i32 {
          %parallel_loop3A_753 = arith.constant 16 : i32
          %parallel_loop3A_754 = arith.muli %parallel_loop3A_753, %parallel_loop3A_752 : i32
          %parallel_loop3A_755 = arith.constant 2032 : i32
          %parallel_loop3A_756 = arith.subi %parallel_loop3A_755, %parallel_loop3A_754 : i32
          %parallel_loop3A_757 = arith.constant 5 : i32
          %parallel_loop3A_758 = arith.index_cast %parallel_loop3A_757 : i32 to index
          %parallel_loop3A_759 = arith.index_cast %add3A_749 : i32 to index
          %parallel_loop3A_760 = arith.index_cast %parallel_loop3A_756 : i32 to index
          %parallel_loop3A_761 = tpu.vector_load %arg5[%parallel_loop3A_758, %parallel_loop3A_759, %parallel_loop3A_760] {strides = array<i32>} : memref<8x2x2048xf32, #tpu.memory_space<vmem>>, vector<1x1x16xf32>,
          %parallel_loop3A_762 = vector.shape_cast %parallel_loop3A_761 : vector<1x1x16xf32> to vector<16xf32>
          %parallel_loop3A_763 = arith.constant 15 : i32
          %parallel_loop3A_764 = vector.broadcast %parallel_loop3A_763 : i32 to vector<16xi32>
          %parallel_loop3A_765 = tpu.iota {dimensions = array<i32: 0>} : vector<16xi32>
          %parallel_loop3A_766 = arith.subi %parallel_loop3A_764, %parallel_loop3A_765 : vector<16xi32>
          %parallel_loop3A_767 = tpu.dynamic_gather %parallel_loop3A_762[%parallel_loop3A_766] in [0] : vector<16xf32>, vector<16xi32> -> vector<16xf32>
          %parallel_loop3A_768 = arith.constant 16 : i32
          %parallel_loop3A_769 = arith.muli %parallel_loop3A_768, %parallel_loop3A_752 : i32
          %parallel_loop3A_770 = arith.constant 5 : i32
          %parallel_loop3A_771 = arith.index_cast %parallel_loop3A_770 : i32 to index
          %parallel_loop3A_772 = arith.index_cast %add3A_749 : i32 to index
          %parallel_loop3A_773 = arith.index_cast %parallel_loop3A_769 : i32 to index
          %parallel_loop3A_774 = tpu.vector_load %arg6[%parallel_loop3A_771, %parallel_loop3A_772, %parallel_loop3A_773] {strides = array<i32>} : memref<8x2x2048xf32, #tpu.memory_space<vmem>>, vector<1x1x16xf32>,
          %parallel_loop3A_775 = vector.shape_cast %parallel_loop3A_774 : vector<1x1x16xf32> to vector<16xf32>
          %parallel_loop3A_776 = vector.shape_cast %parallel_loop3A_767 : vector<16xf32> to vector<1x1x16xf32>
          tpu.vector_store %arg6[%parallel_loop3A_771, %parallel_loop3A_772, %parallel_loop3A_773], %parallel_loop3A_776 {strides = array<i32>} : memref<8x2x2048xf32, #tpu.memory_space<vmem>>, vector<1x1x16xf32>,
        } {sc.loop_unroll_factor = 8 : i64, sc.parallel_access}
      }
      %scan3A_630 = arith.constant 2 : i32
      %run_scoped3A_631 = arith.constant 5 : i32
      %run_scoped3A_632 = arith.constant 5 : i32
      "tpu.region"() ({
        %run_scoped3A_745 = tpu.sem_alloc : memref<!tpu.dma_semaphore, #tpu.memory_space<semaphore_mem>>
        %dma_start3A_746 = arith.constant 0 : i32
        %dma_start3A_747 = arith.constant 0 : i32
        %dma_start3A_748 = tpu.memref_slice %arg6[%run_scoped3A_631, %dma_start3A_746, %dma_start3A_747] : memref<8x2x2048xf32, #tpu.memory_space<vmem>> -> memref<1x2x2048xf32, #tpu.memory_space<vmem>>
        %dma_start3A_749 = tpu.memref_squeeze %dma_start3A_748 : memref<1x2x2048xf32, #tpu.memory_space<vmem>> -> memref<2x2048xf32, #tpu.memory_space<vmem>>
        %dma_start3A_750 = arith.constant 0 : i32
        %dma_start3A_751 = arith.constant 0 : i32
        %dma_start3A_752 = tpu.memref_slice %arg8[%arg1, %run_scoped3A_632, %dma_start3A_750, %dma_start3A_751] : memref<16x8x2x2048xf32, #tpu.memory_space<vmem_shared>> -> memref<1x1x2x2048xf32, #tpu.memory_space<vmem_shared>>
        %dma_start3A_753 = tpu.memref_squeeze %dma_start3A_752 : memref<1x1x2x2048xf32, #tpu.memory_space<vmem_shared>> -> memref<2x2048xf32, #tpu.memory_space<vmem_shared>>
        %dma_start3A_754 = arith.constant 0 : i32
        %dma_start3A_755 = arith.constant 0 : i32
        %dma_start3A_756 = tpu.memref_slice %arg8[%arg1, %run_scoped3A_632, %dma_start3A_754, %dma_start3A_755] : memref<16x8x2x2048xf32, #tpu.memory_space<vmem_shared>> -> memref<1x1x2x2048xf32, #tpu.memory_space<vmem_shared>>
        %dma_start3A_757 = tpu.memref_squeeze %dma_start3A_756 : memref<1x1x2x2048xf32, #tpu.memory_space<vmem_shared>> -> memref<2x2048xf32, #tpu.memory_space<vmem_shared>>
        %dma_start3A_758 = arith.constant 0 : i32
        %dma_start3A_759 = arith.constant 0 : i32
        %dma_start3A_760 = tpu.memref_slice %arg6[%run_scoped3A_631, %dma_start3A_758, %dma_start3A_759] : memref<8x2x2048xf32, #tpu.memory_space<vmem>> -> memref<1x2x2048xf32, #tpu.memory_space<vmem>>
        %dma_start3A_761 = tpu.memref_squeeze %dma_start3A_760 : memref<1x2x2048xf32, #tpu.memory_space<vmem>> -> memref<2x2048xf32, #tpu.memory_space<vmem>>
        tpu.enqueue_dma source(%dma_start3A_761 : memref<2x2048xf32, #tpu.memory_space<vmem>>) target(%dma_start3A_757 : memref<2x2048xf32, #tpu.memory_space<vmem_shared>>) target_semaphore(%run_scoped3A_745 : memref<!tpu.dma_semaphore, #tpu.memory_space<semaphore_mem>>)
        %dma_wait3A_762 = arith.constant 0 : i32
        %dma_wait3A_763 = arith.constant 0 : i32
        %dma_wait3A_764 = tpu.memref_slice %arg6[%run_scoped3A_631, %dma_wait3A_762, %dma_wait3A_763] : memref<8x2x2048xf32, #tpu.memory_space<vmem>> -> memref<1x2x2048xf32, #tpu.memory_space<vmem>>
        %dma_wait3A_765 = tpu.memref_squeeze %dma_wait3A_764 : memref<1x2x2048xf32, #tpu.memory_space<vmem>> -> memref<2x2048xf32, #tpu.memory_space<vmem>>
        %dma_wait3A_766 = arith.constant 0 : i32
        %dma_wait3A_767 = arith.constant 0 : i32
        %dma_wait3A_768 = tpu.memref_slice %arg8[%arg1, %run_scoped3A_632, %dma_wait3A_766, %dma_wait3A_767] : memref<16x8x2x2048xf32, #tpu.memory_space<vmem_shared>> -> memref<1x1x2x2048xf32, #tpu.memory_space<vmem_shared>>
        %dma_wait3A_769 = tpu.memref_squeeze %dma_wait3A_768 : memref<1x1x2x2048xf32, #tpu.memory_space<vmem_shared>> -> memref<2x2048xf32, #tpu.memory_space<vmem_shared>>
        %dma_wait3A_770 = arith.constant 0 : i32
        %dma_wait3A_771 = arith.constant 0 : i32
        %dma_wait3A_772 = tpu.memref_slice %arg8[%arg1, %run_scoped3A_632, %dma_wait3A_770, %dma_wait3A_771] : memref<16x8x2x2048xf32, #tpu.memory_space<vmem_shared>> -> memref<1x1x2x2048xf32, #tpu.memory_space<vmem_shared>>
        %dma_wait3A_773 = tpu.memref_squeeze %dma_wait3A_772 : memref<1x1x2x2048xf32, #tpu.memory_space<vmem_shared>> -> memref<2x2048xf32, #tpu.memory_space<vmem_shared>>
        %dma_wait3A_774 = arith.constant 0 : i32
        %dma_wait3A_775 = arith.constant 0 : i32
        %dma_wait3A_776 = tpu.memref_slice %arg6[%run_scoped3A_631, %dma_wait3A_774, %dma_wait3A_775] : memref<8x2x2048xf32, #tpu.memory_space<vmem>> -> memref<1x2x2048xf32, #tpu.memory_space<vmem>>
        %dma_wait3A_777 = tpu.memref_squeeze %dma_wait3A_776 : memref<1x2x2048xf32, #tpu.memory_space<vmem>> -> memref<2x2048xf32, #tpu.memory_space<vmem>>
        tpu.wait_dma2 semaphore(%run_scoped3A_745 : memref<!tpu.dma_semaphore, #tpu.memory_space<semaphore_mem>>) src(%dma_wait3A_777 : memref<2x2048xf32, #tpu.memory_space<vmem>>) dst(%dma_wait3A_773 : memref<2x2048xf32, #tpu.memory_space<vmem_shared>>)
        tpu.yield
      }) : () -> ()
      %mul3A_633 = arith.constant 2 : i32
      %mul3A_634 = arith.muli %add3A_595, %mul3A_633 : i32
      %add3A_635 = arith.addi %mul3A_2, %mul3A_634 : i32
      %dma_start3A_636 = arith.constant 5 : i32
      %dma_start3A_637 = arith.constant 0 : i32
      %dma_start3A_638 = tpu.memref_slice %arg3[%add3A_635, %dma_start3A_637] : memref<16384x2048xf32, #tpu.memory_space<hbm>> -> memref<2x2048xf32, #tpu.memory_space<hbm>>
      %dma_start3A_639 = arith.constant 0 : i32
      %dma_start3A_640 = arith.constant 0 : i32
      %dma_start3A_641 = tpu.memref_slice %arg8[%arg1, %dma_start3A_636, %dma_start3A_639, %dma_start3A_640] : memref<16x8x2x2048xf32, #tpu.memory_space<vmem_shared>> -> memref<1x1x2x2048xf32, #tpu.memory_space<vmem_shared>>
      %dma_start3A_642 = tpu.memref_squeeze %dma_start3A_641 : memref<1x1x2x2048xf32, #tpu.memory_space<vmem_shared>> -> memref<2x2048xf32, #tpu.memory_space<vmem_shared>>
      tpu.enqueue_dma source(%dma_start3A_642 : memref<2x2048xf32, #tpu.memory_space<vmem_shared>>) target(%dma_start3A_638 : memref<2x2048xf32, #tpu.memory_space<hbm>>) target_semaphore(%arg22 : memref<!tpu.dma_semaphore, #tpu.memory_space<semaphore_mem>>)
      %add3A_643 = arith.constant 6 : i32
      %add3A_644 = arith.addi %add3A_342, %add3A_643 : i32
      %add3A_645 = arith.constant 8 : i32
      %add3A_646 = arith.addi %add3A_644, %add3A_645 : i32
      %sub3A_647 = arith.constant 1 : i32
      %sub3A_648 = arith.subi %add3A_646, %sub3A_647 : i32
      %lt3A_649 = arith.constant 256 : i32
      %lt3A_650 = arith.cmpi slt, %sub3A_648, %lt3A_649 : i32
      %convert_element_type3A_651 = arith.extui %lt3A_650 : i1 to i32
      %cond3A_652 = arith.constant 0 : i32
      %cond3A_653 = arith.cmpi ne, %convert_element_type3A_651, %cond3A_652 : i32
      scf.if %cond3A_653 {
        %add3A_745 = arith.constant 8 : i32
        %add3A_746 = arith.addi %add3A_644, %add3A_745 : i32
        %sub3A_747 = arith.constant 1 : i32
        %sub3A_748 = arith.subi %add3A_746, %sub3A_747 : i32
        %mul3A_749 = arith.constant 2 : i32
        %mul3A_750 = arith.muli %sub3A_748, %mul3A_749 : i32
        %add3A_751 = arith.addi %mul3A_2, %mul3A_750 : i32
        %dma_start3A_752 = arith.constant 5 : i32
        %dma_start3A_753 = arith.constant 0 : i32
        %dma_start3A_754 = arith.constant 0 : i32
        %dma_start3A_755 = tpu.memref_slice %arg5[%dma_start3A_752, %dma_start3A_753, %dma_start3A_754] : memref<8x2x2048xf32, #tpu.memory_space<vmem>> -> memref<1x2x2048xf32, #tpu.memory_space<vmem>>
        %dma_start3A_756 = tpu.memref_squeeze %dma_start3A_755 : memref<1x2x2048xf32, #tpu.memory_space<vmem>> -> memref<2x2048xf32, #tpu.memory_space<vmem>>
        %dma_start3A_757 = arith.constant 0 : i32
        %dma_start3A_758 = tpu.memref_slice %arg2[%add3A_751, %dma_start3A_757] : memref<16384x2048xf32, #tpu.memory_space<hbm>> -> memref<2x2048xf32, #tpu.memory_space<hbm>>
        %dma_start3A_759 = arith.constant 0 : i32
        %dma_start3A_760 = arith.constant 0 : i32
        %dma_start3A_761 = tpu.memref_slice %arg5[%dma_start3A_752, %dma_start3A_759, %dma_start3A_760] : memref<8x2x2048xf32, #tpu.memory_space<vmem>> -> memref<1x2x2048xf32, #tpu.memory_space<vmem>>
        %dma_start3A_762 = tpu.memref_squeeze %dma_start3A_761 : memref<1x2x2048xf32, #tpu.memory_space<vmem>> -> memref<2x2048xf32, #tpu.memory_space<vmem>>
        %dma_start3A_763 = arith.constant 0 : i32
        %dma_start3A_764 = tpu.memref_slice %arg2[%add3A_751, %dma_start3A_763] : memref<16384x2048xf32, #tpu.memory_space<hbm>> -> memref<2x2048xf32, #tpu.memory_space<hbm>>
        tpu.enqueue_dma source(%dma_start3A_764 : memref<2x2048xf32, #tpu.memory_space<hbm>>) target(%dma_start3A_762 : memref<2x2048xf32, #tpu.memory_space<vmem>>) target_semaphore(%arg14 : memref<!tpu.dma_semaphore, #tpu.memory_space<semaphore_mem>>)
      } else {
      }
      %mul3A_654 = arith.constant 2 : i32
      %mul3A_655 = arith.muli %add3A_644, %mul3A_654 : i32
      %add3A_656 = arith.addi %mul3A_2, %mul3A_655 : i32
      %dma_wait3A_657 = arith.constant 6 : i32
      %dma_wait3A_658 = arith.constant 0 : i32
      %dma_wait3A_659 = arith.constant 0 : i32
      %dma_wait3A_660 = tpu.memref_slice %arg5[%dma_wait3A_657, %dma_wait3A_658, %dma_wait3A_659] : memref<8x2x2048xf32, #tpu.memory_space<vmem>> -> memref<1x2x2048xf32, #tpu.memory_space<vmem>>
      %dma_wait3A_661 = tpu.memref_squeeze %dma_wait3A_660 : memref<1x2x2048xf32, #tpu.memory_space<vmem>> -> memref<2x2048xf32, #tpu.memory_space<vmem>>
      %dma_wait3A_662 = arith.constant 0 : i32
      %dma_wait3A_663 = tpu.memref_slice %arg2[%add3A_656, %dma_wait3A_662] : memref<16384x2048xf32, #tpu.memory_space<hbm>> -> memref<2x2048xf32, #tpu.memory_space<hbm>>
      %dma_wait3A_664 = arith.constant 0 : i32
      %dma_wait3A_665 = arith.constant 0 : i32
      %dma_wait3A_666 = tpu.memref_slice %arg5[%dma_wait3A_657, %dma_wait3A_664, %dma_wait3A_665] : memref<8x2x2048xf32, #tpu.memory_space<vmem>> -> memref<1x2x2048xf32, #tpu.memory_space<vmem>>
      %dma_wait3A_667 = tpu.memref_squeeze %dma_wait3A_666 : memref<1x2x2048xf32, #tpu.memory_space<vmem>> -> memref<2x2048xf32, #tpu.memory_space<vmem>>
      %dma_wait3A_668 = arith.constant 0 : i32
      %dma_wait3A_669 = tpu.memref_slice %arg2[%add3A_656, %dma_wait3A_668] : memref<16384x2048xf32, #tpu.memory_space<hbm>> -> memref<2x2048xf32, #tpu.memory_space<hbm>>
      tpu.wait_dma2 semaphore(%arg15 : memref<!tpu.dma_semaphore, #tpu.memory_space<semaphore_mem>>) src(%dma_wait3A_669 : memref<2x2048xf32, #tpu.memory_space<hbm>>) dst(%dma_wait3A_667 : memref<2x2048xf32, #tpu.memory_space<vmem>>)
      %ge3A_670 = arith.constant 8 : i32
      %ge3A_671 = arith.cmpi sge, %add3A_644, %ge3A_670 : i32
      %convert_element_type3A_672 = arith.extui %ge3A_671 : i1 to i32
      %cond3A_673 = arith.constant 0 : i32
      %cond3A_674 = arith.cmpi ne, %convert_element_type3A_672, %cond3A_673 : i32
      scf.if %cond3A_674 {
        %mul3A_745 = arith.constant 2 : i32
        %mul3A_746 = arith.muli %add3A_644, %mul3A_745 : i32
        %add3A_747 = arith.addi %mul3A_2, %mul3A_746 : i32
        %dma_wait3A_748 = arith.constant 6 : i32
        %dma_wait3A_749 = arith.constant 0 : i32
        %dma_wait3A_750 = arith.constant 0 : i32
        %dma_wait3A_751 = tpu.memref_slice %arg6[%dma_wait3A_748, %dma_wait3A_749, %dma_wait3A_750] : memref<8x2x2048xf32, #tpu.memory_space<vmem>> -> memref<1x2x2048xf32, #tpu.memory_space<vmem>>
        %dma_wait3A_752 = tpu.memref_squeeze %dma_wait3A_751 : memref<1x2x2048xf32, #tpu.memory_space<vmem>> -> memref<2x2048xf32, #tpu.memory_space<vmem>>
        %dma_wait3A_753 = arith.constant 0 : i32
        %dma_wait3A_754 = tpu.memref_slice %arg3[%add3A_747, %dma_wait3A_753] : memref<16384x2048xf32, #tpu.memory_space<hbm>> -> memref<2x2048xf32, #tpu.memory_space<hbm>>
        %dma_wait3A_755 = arith.constant 0 : i32
        %dma_wait3A_756 = tpu.memref_slice %arg3[%add3A_747, %dma_wait3A_755] : memref<16384x2048xf32, #tpu.memory_space<hbm>> -> memref<2x2048xf32, #tpu.memory_space<hbm>>
        %dma_wait3A_757 = arith.constant 0 : i32
        %dma_wait3A_758 = arith.constant 0 : i32
        %dma_wait3A_759 = tpu.memref_slice %arg6[%dma_wait3A_748, %dma_wait3A_757, %dma_wait3A_758] : memref<8x2x2048xf32, #tpu.memory_space<vmem>> -> memref<1x2x2048xf32, #tpu.memory_space<vmem>>
        %dma_wait3A_760 = tpu.memref_squeeze %dma_wait3A_759 : memref<1x2x2048xf32, #tpu.memory_space<vmem>> -> memref<2x2048xf32, #tpu.memory_space<vmem>>
        tpu.wait_dma2 semaphore(%arg23 : memref<!tpu.dma_semaphore, #tpu.memory_space<semaphore_mem>>) src(%dma_wait3A_760 : memref<2x2048xf32, #tpu.memory_space<vmem>>) dst(%dma_wait3A_756 : memref<2x2048xf32, #tpu.memory_space<hbm>>)
      } else {
      }
      %scan3A_675 = arith.constant 0 : i32
      %scan3A_676 = arith.constant 2 : i32
      %scan3A_677 = arith.addi %scan3A_675, %scan3A_676 : i32
      %scan3A_678 = arith.constant 1 : i32
      scf.for %scan3A_745 = %scan3A_675 to %scan3A_677 step %scan3A_678  : i32 {
        %mul3A_746 = arith.constant 1 : i32
        %mul3A_747 = arith.muli %scan3A_745, %mul3A_746 : i32
        %add3A_748 = arith.constant 0 : i32
        %add3A_749 = arith.addi %add3A_748, %mul3A_747 : i32
        %parallel_loop3A = arith.constant 0 : i32
        %parallel_loop3A_750 = arith.constant 128 : i32
        %parallel_loop3A_751 = arith.constant 1 : i32
        scf.for %parallel_loop3A_752 = %parallel_loop3A to %parallel_loop3A_750 step %parallel_loop3A_751  : i32 {
          %parallel_loop3A_753 = arith.constant 16 : i32
          %parallel_loop3A_754 = arith.muli %parallel_loop3A_753, %parallel_loop3A_752 : i32
          %parallel_loop3A_755 = arith.constant 2032 : i32
          %parallel_loop3A_756 = arith.subi %parallel_loop3A_755, %parallel_loop3A_754 : i32
          %parallel_loop3A_757 = arith.constant 6 : i32
          %parallel_loop3A_758 = arith.index_cast %parallel_loop3A_757 : i32 to index
          %parallel_loop3A_759 = arith.index_cast %add3A_749 : i32 to index
          %parallel_loop3A_760 = arith.index_cast %parallel_loop3A_756 : i32 to index
          %parallel_loop3A_761 = tpu.vector_load %arg5[%parallel_loop3A_758, %parallel_loop3A_759, %parallel_loop3A_760] {strides = array<i32>} : memref<8x2x2048xf32, #tpu.memory_space<vmem>>, vector<1x1x16xf32>,
          %parallel_loop3A_762 = vector.shape_cast %parallel_loop3A_761 : vector<1x1x16xf32> to vector<16xf32>
          %parallel_loop3A_763 = arith.constant 15 : i32
          %parallel_loop3A_764 = vector.broadcast %parallel_loop3A_763 : i32 to vector<16xi32>
          %parallel_loop3A_765 = tpu.iota {dimensions = array<i32: 0>} : vector<16xi32>
          %parallel_loop3A_766 = arith.subi %parallel_loop3A_764, %parallel_loop3A_765 : vector<16xi32>
          %parallel_loop3A_767 = tpu.dynamic_gather %parallel_loop3A_762[%parallel_loop3A_766] in [0] : vector<16xf32>, vector<16xi32> -> vector<16xf32>
          %parallel_loop3A_768 = arith.constant 16 : i32
          %parallel_loop3A_769 = arith.muli %parallel_loop3A_768, %parallel_loop3A_752 : i32
          %parallel_loop3A_770 = arith.constant 6 : i32
          %parallel_loop3A_771 = arith.index_cast %parallel_loop3A_770 : i32 to index
          %parallel_loop3A_772 = arith.index_cast %add3A_749 : i32 to index
          %parallel_loop3A_773 = arith.index_cast %parallel_loop3A_769 : i32 to index
          %parallel_loop3A_774 = tpu.vector_load %arg6[%parallel_loop3A_771, %parallel_loop3A_772, %parallel_loop3A_773] {strides = array<i32>} : memref<8x2x2048xf32, #tpu.memory_space<vmem>>, vector<1x1x16xf32>,
          %parallel_loop3A_775 = vector.shape_cast %parallel_loop3A_774 : vector<1x1x16xf32> to vector<16xf32>
          %parallel_loop3A_776 = vector.shape_cast %parallel_loop3A_767 : vector<16xf32> to vector<1x1x16xf32>
          tpu.vector_store %arg6[%parallel_loop3A_771, %parallel_loop3A_772, %parallel_loop3A_773], %parallel_loop3A_776 {strides = array<i32>} : memref<8x2x2048xf32, #tpu.memory_space<vmem>>, vector<1x1x16xf32>,
        } {sc.loop_unroll_factor = 8 : i64, sc.parallel_access}
      }
      %scan3A_679 = arith.constant 2 : i32
      %mul3A_680 = arith.constant 2 : i32
      %mul3A_681 = arith.muli %add3A_644, %mul3A_680 : i32
      %add3A_682 = arith.addi %mul3A_2, %mul3A_681 : i32
      %dma_start3A_683 = arith.constant 6 : i32
      %dma_start3A_684 = arith.constant 0 : i32
      %dma_start3A_685 = arith.constant 0 : i32
      %dma_start3A_686 = tpu.memref_slice %arg6[%dma_start3A_683, %dma_start3A_684, %dma_start3A_685] : memref<8x2x2048xf32, #tpu.memory_space<vmem>> -> memref<1x2x2048xf32, #tpu.memory_space<vmem>>
      %dma_start3A_687 = tpu.memref_squeeze %dma_start3A_686 : memref<1x2x2048xf32, #tpu.memory_space<vmem>> -> memref<2x2048xf32, #tpu.memory_space<vmem>>
      %dma_start3A_688 = arith.constant 0 : i32
      %dma_start3A_689 = tpu.memref_slice %arg3[%add3A_682, %dma_start3A_688] : memref<16384x2048xf32, #tpu.memory_space<hbm>> -> memref<2x2048xf32, #tpu.memory_space<hbm>>
      %dma_start3A_690 = arith.constant 0 : i32
      %dma_start3A_691 = tpu.memref_slice %arg3[%add3A_682, %dma_start3A_690] : memref<16384x2048xf32, #tpu.memory_space<hbm>> -> memref<2x2048xf32, #tpu.memory_space<hbm>>
      %dma_start3A_692 = arith.constant 0 : i32
      %dma_start3A_693 = arith.constant 0 : i32
      %dma_start3A_694 = tpu.memref_slice %arg6[%dma_start3A_683, %dma_start3A_692, %dma_start3A_693] : memref<8x2x2048xf32, #tpu.memory_space<vmem>> -> memref<1x2x2048xf32, #tpu.memory_space<vmem>>
      %dma_start3A_695 = tpu.memref_squeeze %dma_start3A_694 : memref<1x2x2048xf32, #tpu.memory_space<vmem>> -> memref<2x2048xf32, #tpu.memory_space<vmem>>
      tpu.enqueue_dma source(%dma_start3A_695 : memref<2x2048xf32, #tpu.memory_space<vmem>>) target(%dma_start3A_691 : memref<2x2048xf32, #tpu.memory_space<hbm>>) target_semaphore(%arg23 : memref<!tpu.dma_semaphore, #tpu.memory_space<semaphore_mem>>)
      %add3A_696 = arith.constant 7 : i32
      %add3A_697 = arith.addi %add3A_342, %add3A_696 : i32
      %add3A_698 = arith.constant 8 : i32
      %add3A_699 = arith.addi %add3A_697, %add3A_698 : i32
      %sub3A_700 = arith.constant 1 : i32
      %sub3A_701 = arith.subi %add3A_699, %sub3A_700 : i32
      %lt3A_702 = arith.constant 256 : i32
      %lt3A_703 = arith.cmpi slt, %sub3A_701, %lt3A_702 : i32
      %convert_element_type3A_704 = arith.extui %lt3A_703 : i1 to i32
      %cond3A_705 = arith.constant 0 : i32
      %cond3A_706 = arith.cmpi ne, %convert_element_type3A_704, %cond3A_705 : i32
      scf.if %cond3A_706 {
        %add3A_745 = arith.constant 8 : i32
        %add3A_746 = arith.addi %add3A_697, %add3A_745 : i32
        %sub3A_747 = arith.constant 1 : i32
        %sub3A_748 = arith.subi %add3A_746, %sub3A_747 : i32
        %mul3A_749 = arith.constant 2 : i32
        %mul3A_750 = arith.muli %sub3A_748, %mul3A_749 : i32
        %add3A_751 = arith.addi %mul3A_2, %mul3A_750 : i32
        %dma_start3A_752 = arith.constant 6 : i32
        %dma_start3A_753 = arith.constant 0 : i32
        %dma_start3A_754 = arith.constant 0 : i32
        %dma_start3A_755 = tpu.memref_slice %arg5[%dma_start3A_752, %dma_start3A_753, %dma_start3A_754] : memref<8x2x2048xf32, #tpu.memory_space<vmem>> -> memref<1x2x2048xf32, #tpu.memory_space<vmem>>
        %dma_start3A_756 = tpu.memref_squeeze %dma_start3A_755 : memref<1x2x2048xf32, #tpu.memory_space<vmem>> -> memref<2x2048xf32, #tpu.memory_space<vmem>>
        %dma_start3A_757 = arith.constant 0 : i32
        %dma_start3A_758 = tpu.memref_slice %arg2[%add3A_751, %dma_start3A_757] : memref<16384x2048xf32, #tpu.memory_space<hbm>> -> memref<2x2048xf32, #tpu.memory_space<hbm>>
        %dma_start3A_759 = arith.constant 0 : i32
        %dma_start3A_760 = arith.constant 0 : i32
        %dma_start3A_761 = tpu.memref_slice %arg5[%dma_start3A_752, %dma_start3A_759, %dma_start3A_760] : memref<8x2x2048xf32, #tpu.memory_space<vmem>> -> memref<1x2x2048xf32, #tpu.memory_space<vmem>>
        %dma_start3A_762 = tpu.memref_squeeze %dma_start3A_761 : memref<1x2x2048xf32, #tpu.memory_space<vmem>> -> memref<2x2048xf32, #tpu.memory_space<vmem>>
        %dma_start3A_763 = arith.constant 0 : i32
        %dma_start3A_764 = tpu.memref_slice %arg2[%add3A_751, %dma_start3A_763] : memref<16384x2048xf32, #tpu.memory_space<hbm>> -> memref<2x2048xf32, #tpu.memory_space<hbm>>
        tpu.enqueue_dma source(%dma_start3A_764 : memref<2x2048xf32, #tpu.memory_space<hbm>>) target(%dma_start3A_762 : memref<2x2048xf32, #tpu.memory_space<vmem>>) target_semaphore(%arg15 : memref<!tpu.dma_semaphore, #tpu.memory_space<semaphore_mem>>)
      } else {
      }
      %mul3A_707 = arith.constant 2 : i32
      %mul3A_708 = arith.muli %add3A_697, %mul3A_707 : i32
      %add3A_709 = arith.addi %mul3A_2, %mul3A_708 : i32
      %dma_wait3A_710 = arith.constant 7 : i32
      %dma_wait3A_711 = arith.constant 0 : i32
      %dma_wait3A_712 = arith.constant 0 : i32
      %dma_wait3A_713 = tpu.memref_slice %arg5[%dma_wait3A_710, %dma_wait3A_711, %dma_wait3A_712] : memref<8x2x2048xf32, #tpu.memory_space<vmem>> -> memref<1x2x2048xf32, #tpu.memory_space<vmem>>
      %dma_wait3A_714 = tpu.memref_squeeze %dma_wait3A_713 : memref<1x2x2048xf32, #tpu.memory_space<vmem>> -> memref<2x2048xf32, #tpu.memory_space<vmem>>
      %dma_wait3A_715 = arith.constant 0 : i32
      %dma_wait3A_716 = tpu.memref_slice %arg2[%add3A_709, %dma_wait3A_715] : memref<16384x2048xf32, #tpu.memory_space<hbm>> -> memref<2x2048xf32, #tpu.memory_space<hbm>>
      %dma_wait3A_717 = arith.constant 0 : i32
      %dma_wait3A_718 = arith.constant 0 : i32
      %dma_wait3A_719 = tpu.memref_slice %arg5[%dma_wait3A_710, %dma_wait3A_717, %dma_wait3A_718] : memref<8x2x2048xf32, #tpu.memory_space<vmem>> -> memref<1x2x2048xf32, #tpu.memory_space<vmem>>
      %dma_wait3A_720 = tpu.memref_squeeze %dma_wait3A_719 : memref<1x2x2048xf32, #tpu.memory_space<vmem>> -> memref<2x2048xf32, #tpu.memory_space<vmem>>
      %dma_wait3A_721 = arith.constant 0 : i32
      %dma_wait3A_722 = tpu.memref_slice %arg2[%add3A_709, %dma_wait3A_721] : memref<16384x2048xf32, #tpu.memory_space<hbm>> -> memref<2x2048xf32, #tpu.memory_space<hbm>>
      tpu.wait_dma2 semaphore(%arg16 : memref<!tpu.dma_semaphore, #tpu.memory_space<semaphore_mem>>) src(%dma_wait3A_722 : memref<2x2048xf32, #tpu.memory_space<hbm>>) dst(%dma_wait3A_720 : memref<2x2048xf32, #tpu.memory_space<vmem>>)
      %ge3A_723 = arith.constant 8 : i32
      %ge3A_724 = arith.cmpi sge, %add3A_697, %ge3A_723 : i32
      %convert_element_type3A_725 = arith.extui %ge3A_724 : i1 to i32
      %cond3A_726 = arith.constant 0 : i32
      %cond3A_727 = arith.cmpi ne, %convert_element_type3A_725, %cond3A_726 : i32
      scf.if %cond3A_727 {
        %mul3A_745 = arith.constant 2 : i32
        %mul3A_746 = arith.muli %add3A_697, %mul3A_745 : i32
        %add3A_747 = arith.addi %mul3A_2, %mul3A_746 : i32
        %dma_wait3A_748 = arith.constant 7 : i32
        %dma_wait3A_749 = arith.constant 0 : i32
        %dma_wait3A_750 = tpu.memref_slice %arg3[%add3A_747, %dma_wait3A_749] : memref<16384x2048xf32, #tpu.memory_space<hbm>> -> memref<2x2048xf32, #tpu.memory_space<hbm>>
        %dma_wait3A_751 = arith.constant 0 : i32
        %dma_wait3A_752 = arith.constant 0 : i32
        %dma_wait3A_753 = tpu.memref_slice %arg8[%arg1, %dma_wait3A_748, %dma_wait3A_751, %dma_wait3A_752] : memref<16x8x2x2048xf32, #tpu.memory_space<vmem_shared>> -> memref<1x1x2x2048xf32, #tpu.memory_space<vmem_shared>>
        %dma_wait3A_754 = tpu.memref_squeeze %dma_wait3A_753 : memref<1x1x2x2048xf32, #tpu.memory_space<vmem_shared>> -> memref<2x2048xf32, #tpu.memory_space<vmem_shared>>
        tpu.wait_dma2 semaphore(%arg24 : memref<!tpu.dma_semaphore, #tpu.memory_space<semaphore_mem>>) src(%dma_wait3A_754 : memref<2x2048xf32, #tpu.memory_space<vmem_shared>>) dst(%dma_wait3A_750 : memref<2x2048xf32, #tpu.memory_space<hbm>>)
      } else {
      }
      %scan3A_728 = arith.constant 0 : i32
      %scan3A_729 = arith.constant 2 : i32
      %scan3A_730 = arith.addi %scan3A_728, %scan3A_729 : i32
      %scan3A_731 = arith.constant 1 : i32
      scf.for %scan3A_745 = %scan3A_728 to %scan3A_730 step %scan3A_731  : i32 {
        %mul3A_746 = arith.constant 1 : i32
        %mul3A_747 = arith.muli %scan3A_745, %mul3A_746 : i32
        %add3A_748 = arith.constant 0 : i32
        %add3A_749 = arith.addi %add3A_748, %mul3A_747 : i32
        %parallel_loop3A = arith.constant 0 : i32
        %parallel_loop3A_750 = arith.constant 128 : i32
        %parallel_loop3A_751 = arith.constant 1 : i32
        scf.for %parallel_loop3A_752 = %parallel_loop3A to %parallel_loop3A_750 step %parallel_loop3A_751  : i32 {
          %parallel_loop3A_753 = arith.constant 16 : i32
          %parallel_loop3A_754 = arith.muli %parallel_loop3A_753, %parallel_loop3A_752 : i32
          %parallel_loop3A_755 = arith.constant 2032 : i32
          %parallel_loop3A_756 = arith.subi %parallel_loop3A_755, %parallel_loop3A_754 : i32
          %parallel_loop3A_757 = arith.constant 7 : i32
          %parallel_loop3A_758 = arith.index_cast %parallel_loop3A_757 : i32 to index
          %parallel_loop3A_759 = arith.index_cast %add3A_749 : i32 to index
          %parallel_loop3A_760 = arith.index_cast %parallel_loop3A_756 : i32 to index
          %parallel_loop3A_761 = tpu.vector_load %arg5[%parallel_loop3A_758, %parallel_loop3A_759, %parallel_loop3A_760] {strides = array<i32>} : memref<8x2x2048xf32, #tpu.memory_space<vmem>>, vector<1x1x16xf32>,
          %parallel_loop3A_762 = vector.shape_cast %parallel_loop3A_761 : vector<1x1x16xf32> to vector<16xf32>
          %parallel_loop3A_763 = arith.constant 15 : i32
          %parallel_loop3A_764 = vector.broadcast %parallel_loop3A_763 : i32 to vector<16xi32>
          %parallel_loop3A_765 = tpu.iota {dimensions = array<i32: 0>} : vector<16xi32>
          %parallel_loop3A_766 = arith.subi %parallel_loop3A_764, %parallel_loop3A_765 : vector<16xi32>
          %parallel_loop3A_767 = tpu.dynamic_gather %parallel_loop3A_762[%parallel_loop3A_766] in [0] : vector<16xf32>, vector<16xi32> -> vector<16xf32>
          %parallel_loop3A_768 = arith.constant 16 : i32
          %parallel_loop3A_769 = arith.muli %parallel_loop3A_768, %parallel_loop3A_752 : i32
          %parallel_loop3A_770 = arith.constant 7 : i32
          %parallel_loop3A_771 = arith.index_cast %parallel_loop3A_770 : i32 to index
          %parallel_loop3A_772 = arith.index_cast %add3A_749 : i32 to index
          %parallel_loop3A_773 = arith.index_cast %parallel_loop3A_769 : i32 to index
          %parallel_loop3A_774 = tpu.vector_load %arg6[%parallel_loop3A_771, %parallel_loop3A_772, %parallel_loop3A_773] {strides = array<i32>} : memref<8x2x2048xf32, #tpu.memory_space<vmem>>, vector<1x1x16xf32>,
          %parallel_loop3A_775 = vector.shape_cast %parallel_loop3A_774 : vector<1x1x16xf32> to vector<16xf32>
          %parallel_loop3A_776 = vector.shape_cast %parallel_loop3A_767 : vector<16xf32> to vector<1x1x16xf32>
          tpu.vector_store %arg6[%parallel_loop3A_771, %parallel_loop3A_772, %parallel_loop3A_773], %parallel_loop3A_776 {strides = array<i32>} : memref<8x2x2048xf32, #tpu.memory_space<vmem>>, vector<1x1x16xf32>,
        } {sc.loop_unroll_factor = 8 : i64, sc.parallel_access}
      }
      %scan3A_732 = arith.constant 2 : i32
      %run_scoped3A_733 = arith.constant 7 : i32
      %run_scoped3A_734 = arith.constant 7 : i32
      "tpu.region"() ({
        %run_scoped3A_745 = tpu.sem_alloc : memref<!tpu.dma_semaphore, #tpu.memory_space<semaphore_mem>>
        %dma_start3A_746 = arith.constant 0 : i32
        %dma_start3A_747 = arith.constant 0 : i32
        %dma_start3A_748 = tpu.memref_slice %arg6[%run_scoped3A_733, %dma_start3A_746, %dma_start3A_747] : memref<8x2x2048xf32, #tpu.memory_space<vmem>> -> memref<1x2x2048xf32, #tpu.memory_space<vmem>>
        %dma_start3A_749 = tpu.memref_squeeze %dma_start3A_748 : memref<1x2x2048xf32, #tpu.memory_space<vmem>> -> memref<2x2048xf32, #tpu.memory_space<vmem>>
        %dma_start3A_750 = arith.constant 0 : i32
        %dma_start3A_751 = arith.constant 0 : i32
        %dma_start3A_752 = tpu.memref_slice %arg8[%arg1, %run_scoped3A_734, %dma_start3A_750, %dma_start3A_751] : memref<16x8x2x2048xf32, #tpu.memory_space<vmem_shared>> -> memref<1x1x2x2048xf32, #tpu.memory_space<vmem_shared>>
        %dma_start3A_753 = tpu.memref_squeeze %dma_start3A_752 : memref<1x1x2x2048xf32, #tpu.memory_space<vmem_shared>> -> memref<2x2048xf32, #tpu.memory_space<vmem_shared>>
        %dma_start3A_754 = arith.constant 0 : i32
        %dma_start3A_755 = arith.constant 0 : i32
        %dma_start3A_756 = tpu.memref_slice %arg8[%arg1, %run_scoped3A_734, %dma_start3A_754, %dma_start3A_755] : memref<16x8x2x2048xf32, #tpu.memory_space<vmem_shared>> -> memref<1x1x2x2048xf32, #tpu.memory_space<vmem_shared>>
        %dma_start3A_757 = tpu.memref_squeeze %dma_start3A_756 : memref<1x1x2x2048xf32, #tpu.memory_space<vmem_shared>> -> memref<2x2048xf32, #tpu.memory_space<vmem_shared>>
        %dma_start3A_758 = arith.constant 0 : i32
        %dma_start3A_759 = arith.constant 0 : i32
        %dma_start3A_760 = tpu.memref_slice %arg6[%run_scoped3A_733, %dma_start3A_758, %dma_start3A_759] : memref<8x2x2048xf32, #tpu.memory_space<vmem>> -> memref<1x2x2048xf32, #tpu.memory_space<vmem>>
        %dma_start3A_761 = tpu.memref_squeeze %dma_start3A_760 : memref<1x2x2048xf32, #tpu.memory_space<vmem>> -> memref<2x2048xf32, #tpu.memory_space<vmem>>
        tpu.enqueue_dma source(%dma_start3A_761 : memref<2x2048xf32, #tpu.memory_space<vmem>>) target(%dma_start3A_757 : memref<2x2048xf32, #tpu.memory_space<vmem_shared>>) target_semaphore(%run_scoped3A_745 : memref<!tpu.dma_semaphore, #tpu.memory_space<semaphore_mem>>)
        %dma_wait3A_762 = arith.constant 0 : i32
        %dma_wait3A_763 = arith.constant 0 : i32
        %dma_wait3A_764 = tpu.memref_slice %arg6[%run_scoped3A_733, %dma_wait3A_762, %dma_wait3A_763] : memref<8x2x2048xf32, #tpu.memory_space<vmem>> -> memref<1x2x2048xf32, #tpu.memory_space<vmem>>
        %dma_wait3A_765 = tpu.memref_squeeze %dma_wait3A_764 : memref<1x2x2048xf32, #tpu.memory_space<vmem>> -> memref<2x2048xf32, #tpu.memory_space<vmem>>
        %dma_wait3A_766 = arith.constant 0 : i32
        %dma_wait3A_767 = arith.constant 0 : i32
        %dma_wait3A_768 = tpu.memref_slice %arg8[%arg1, %run_scoped3A_734, %dma_wait3A_766, %dma_wait3A_767] : memref<16x8x2x2048xf32, #tpu.memory_space<vmem_shared>> -> memref<1x1x2x2048xf32, #tpu.memory_space<vmem_shared>>
        %dma_wait3A_769 = tpu.memref_squeeze %dma_wait3A_768 : memref<1x1x2x2048xf32, #tpu.memory_space<vmem_shared>> -> memref<2x2048xf32, #tpu.memory_space<vmem_shared>>
        %dma_wait3A_770 = arith.constant 0 : i32
        %dma_wait3A_771 = arith.constant 0 : i32
        %dma_wait3A_772 = tpu.memref_slice %arg8[%arg1, %run_scoped3A_734, %dma_wait3A_770, %dma_wait3A_771] : memref<16x8x2x2048xf32, #tpu.memory_space<vmem_shared>> -> memref<1x1x2x2048xf32, #tpu.memory_space<vmem_shared>>
        %dma_wait3A_773 = tpu.memref_squeeze %dma_wait3A_772 : memref<1x1x2x2048xf32, #tpu.memory_space<vmem_shared>> -> memref<2x2048xf32, #tpu.memory_space<vmem_shared>>
        %dma_wait3A_774 = arith.constant 0 : i32
        %dma_wait3A_775 = arith.constant 0 : i32
        %dma_wait3A_776 = tpu.memref_slice %arg6[%run_scoped3A_733, %dma_wait3A_774, %dma_wait3A_775] : memref<8x2x2048xf32, #tpu.memory_space<vmem>> -> memref<1x2x2048xf32, #tpu.memory_space<vmem>>
        %dma_wait3A_777 = tpu.memref_squeeze %dma_wait3A_776 : memref<1x2x2048xf32, #tpu.memory_space<vmem>> -> memref<2x2048xf32, #tpu.memory_space<vmem>>
        tpu.wait_dma2 semaphore(%run_scoped3A_745 : memref<!tpu.dma_semaphore, #tpu.memory_space<semaphore_mem>>) src(%dma_wait3A_777 : memref<2x2048xf32, #tpu.memory_space<vmem>>) dst(%dma_wait3A_773 : memref<2x2048xf32, #tpu.memory_space<vmem_shared>>)
        tpu.yield
      }) : () -> ()
      %mul3A_735 = arith.constant 2 : i32
      %mul3A_736 = arith.muli %add3A_697, %mul3A_735 : i32
      %add3A_737 = arith.addi %mul3A_2, %mul3A_736 : i32
      %dma_start3A_738 = arith.constant 7 : i32
      %dma_start3A_739 = arith.constant 0 : i32
      %dma_start3A_740 = tpu.memref_slice %arg3[%add3A_737, %dma_start3A_739] : memref<16384x2048xf32, #tpu.memory_space<hbm>> -> memref<2x2048xf32, #tpu.memory_space<hbm>>
      %dma_start3A_741 = arith.constant 0 : i32
      %dma_start3A_742 = arith.constant 0 : i32
      %dma_start3A_743 = tpu.memref_slice %arg8[%arg1, %dma_start3A_738, %dma_start3A_741, %dma_start3A_742] : memref<16x8x2x2048xf32, #tpu.memory_space<vmem_shared>> -> memref<1x1x2x2048xf32, #tpu.memory_space<vmem_shared>>
      %dma_start3A_744 = tpu.memref_squeeze %dma_start3A_743 : memref<1x1x2x2048xf32, #tpu.memory_space<vmem_shared>> -> memref<2x2048xf32, #tpu.memory_space<vmem_shared>>
      tpu.enqueue_dma source(%dma_start3A_744 : memref<2x2048xf32, #tpu.memory_space<vmem_shared>>) target(%dma_start3A_740 : memref<2x2048xf32, #tpu.memory_space<hbm>>) target_semaphore(%arg24 : memref<!tpu.dma_semaphore, #tpu.memory_space<semaphore_mem>>)
    }
    %scan3A_240 = arith.constant 32 : i32
    %add3A_241 = arith.constant 0 : i32
    %add3A_242 = arith.addi %mul3A_2, %add3A_241 : i32
    %dma_wait3A = arith.constant 0 : i32
    %dma_wait3A_243 = arith.constant 0 : i32
    %dma_wait3A_244 = arith.constant 0 : i32
    %dma_wait3A_245 = tpu.memref_slice %arg6[%dma_wait3A, %dma_wait3A_243, %dma_wait3A_244] : memref<8x2x2048xf32, #tpu.memory_space<vmem>> -> memref<1x2x2048xf32, #tpu.memory_space<vmem>>
    %dma_wait3A_246 = tpu.memref_squeeze %dma_wait3A_245 : memref<1x2x2048xf32, #tpu.memory_space<vmem>> -> memref<2x2048xf32, #tpu.memory_space<vmem>>
    %dma_wait3A_247 = arith.constant 0 : i32
    %dma_wait3A_248 = tpu.memref_slice %arg3[%add3A_242, %dma_wait3A_247] : memref<16384x2048xf32, #tpu.memory_space<hbm>> -> memref<2x2048xf32, #tpu.memory_space<hbm>>
    %dma_wait3A_249 = arith.constant 0 : i32
    %dma_wait3A_250 = tpu.memref_slice %arg3[%add3A_242, %dma_wait3A_249] : memref<16384x2048xf32, #tpu.memory_space<hbm>> -> memref<2x2048xf32, #tpu.memory_space<hbm>>
    %dma_wait3A_251 = arith.constant 0 : i32
    %dma_wait3A_252 = arith.constant 0 : i32
    %dma_wait3A_253 = tpu.memref_slice %arg6[%dma_wait3A, %dma_wait3A_251, %dma_wait3A_252] : memref<8x2x2048xf32, #tpu.memory_space<vmem>> -> memref<1x2x2048xf32, #tpu.memory_space<vmem>>
    %dma_wait3A_254 = tpu.memref_squeeze %dma_wait3A_253 : memref<1x2x2048xf32, #tpu.memory_space<vmem>> -> memref<2x2048xf32, #tpu.memory_space<vmem>>
    tpu.wait_dma2 semaphore(%arg17 : memref<!tpu.dma_semaphore, #tpu.memory_space<semaphore_mem>>) src(%dma_wait3A_254 : memref<2x2048xf32, #tpu.memory_space<vmem>>) dst(%dma_wait3A_250 : memref<2x2048xf32, #tpu.memory_space<hbm>>)
    %add3A_255 = arith.constant 0 : i32
    %add3A_256 = arith.addi %mul3A_2, %add3A_255 : i32
    %dma_wait3A_257 = arith.constant 1 : i32
    %dma_wait3A_258 = arith.constant 0 : i32
    %dma_wait3A_259 = tpu.memref_slice %arg3[%add3A_256, %dma_wait3A_258] : memref<16384x2048xf32, #tpu.memory_space<hbm>> -> memref<2x2048xf32, #tpu.memory_space<hbm>>
    %dma_wait3A_260 = arith.constant 0 : i32
    %dma_wait3A_261 = arith.constant 0 : i32
    %dma_wait3A_262 = tpu.memref_slice %arg8[%arg1, %dma_wait3A_257, %dma_wait3A_260, %dma_wait3A_261] : memref<16x8x2x2048xf32, #tpu.memory_space<vmem_shared>> -> memref<1x1x2x2048xf32, #tpu.memory_space<vmem_shared>>
    %dma_wait3A_263 = tpu.memref_squeeze %dma_wait3A_262 : memref<1x1x2x2048xf32, #tpu.memory_space<vmem_shared>> -> memref<2x2048xf32, #tpu.memory_space<vmem_shared>>
    tpu.wait_dma2 semaphore(%arg18 : memref<!tpu.dma_semaphore, #tpu.memory_space<semaphore_mem>>) src(%dma_wait3A_263 : memref<2x2048xf32, #tpu.memory_space<vmem_shared>>) dst(%dma_wait3A_259 : memref<2x2048xf32, #tpu.memory_space<hbm>>)
    %add3A_264 = arith.constant 0 : i32
    %add3A_265 = arith.addi %mul3A_2, %add3A_264 : i32
    %dma_wait3A_266 = arith.constant 2 : i32
    %dma_wait3A_267 = arith.constant 0 : i32
    %dma_wait3A_268 = arith.constant 0 : i32
    %dma_wait3A_269 = tpu.memref_slice %arg6[%dma_wait3A_266, %dma_wait3A_267, %dma_wait3A_268] : memref<8x2x2048xf32, #tpu.memory_space<vmem>> -> memref<1x2x2048xf32, #tpu.memory_space<vmem>>
    %dma_wait3A_270 = tpu.memref_squeeze %dma_wait3A_269 : memref<1x2x2048xf32, #tpu.memory_space<vmem>> -> memref<2x2048xf32, #tpu.memory_space<vmem>>
    %dma_wait3A_271 = arith.constant 0 : i32
    %dma_wait3A_272 = tpu.memref_slice %arg3[%add3A_265, %dma_wait3A_271] : memref<16384x2048xf32, #tpu.memory_space<hbm>> -> memref<2x2048xf32, #tpu.memory_space<hbm>>
    %dma_wait3A_273 = arith.constant 0 : i32
    %dma_wait3A_274 = tpu.memref_slice %arg3[%add3A_265, %dma_wait3A_273] : memref<16384x2048xf32, #tpu.memory_space<hbm>> -> memref<2x2048xf32, #tpu.memory_space<hbm>>
    %dma_wait3A_275 = arith.constant 0 : i32
    %dma_wait3A_276 = arith.constant 0 : i32
    %dma_wait3A_277 = tpu.memref_slice %arg6[%dma_wait3A_266, %dma_wait3A_275, %dma_wait3A_276] : memref<8x2x2048xf32, #tpu.memory_space<vmem>> -> memref<1x2x2048xf32, #tpu.memory_space<vmem>>
    %dma_wait3A_278 = tpu.memref_squeeze %dma_wait3A_277 : memref<1x2x2048xf32, #tpu.memory_space<vmem>> -> memref<2x2048xf32, #tpu.memory_space<vmem>>
    tpu.wait_dma2 semaphore(%arg19 : memref<!tpu.dma_semaphore, #tpu.memory_space<semaphore_mem>>) src(%dma_wait3A_278 : memref<2x2048xf32, #tpu.memory_space<vmem>>) dst(%dma_wait3A_274 : memref<2x2048xf32, #tpu.memory_space<hbm>>)
    %add3A_279 = arith.constant 0 : i32
    %add3A_280 = arith.addi %mul3A_2, %add3A_279 : i32
    %dma_wait3A_281 = arith.constant 3 : i32
    %dma_wait3A_282 = arith.constant 0 : i32
    %dma_wait3A_283 = tpu.memref_slice %arg3[%add3A_280, %dma_wait3A_282] : memref<16384x2048xf32, #tpu.memory_space<hbm>> -> memref<2x2048xf32, #tpu.memory_space<hbm>>
    %dma_wait3A_284 = arith.constant 0 : i32
    %dma_wait3A_285 = arith.constant 0 : i32
    %dma_wait3A_286 = tpu.memref_slice %arg8[%arg1, %dma_wait3A_281, %dma_wait3A_284, %dma_wait3A_285] : memref<16x8x2x2048xf32, #tpu.memory_space<vmem_shared>> -> memref<1x1x2x2048xf32, #tpu.memory_space<vmem_shared>>
    %dma_wait3A_287 = tpu.memref_squeeze %dma_wait3A_286 : memref<1x1x2x2048xf32, #tpu.memory_space<vmem_shared>> -> memref<2x2048xf32, #tpu.memory_space<vmem_shared>>
    tpu.wait_dma2 semaphore(%arg20 : memref<!tpu.dma_semaphore, #tpu.memory_space<semaphore_mem>>) src(%dma_wait3A_287 : memref<2x2048xf32, #tpu.memory_space<vmem_shared>>) dst(%dma_wait3A_283 : memref<2x2048xf32, #tpu.memory_space<hbm>>)
    %add3A_288 = arith.constant 0 : i32
    %add3A_289 = arith.addi %mul3A_2, %add3A_288 : i32
    %dma_wait3A_290 = arith.constant 4 : i32
    %dma_wait3A_291 = arith.constant 0 : i32
    %dma_wait3A_292 = arith.constant 0 : i32
    %dma_wait3A_293 = tpu.memref_slice %arg6[%dma_wait3A_290, %dma_wait3A_291, %dma_wait3A_292] : memref<8x2x2048xf32, #tpu.memory_space<vmem>> -> memref<1x2x2048xf32, #tpu.memory_space<vmem>>
    %dma_wait3A_294 = tpu.memref_squeeze %dma_wait3A_293 : memref<1x2x2048xf32, #tpu.memory_space<vmem>> -> memref<2x2048xf32, #tpu.memory_space<vmem>>
    %dma_wait3A_295 = arith.constant 0 : i32
    %dma_wait3A_296 = tpu.memref_slice %arg3[%add3A_289, %dma_wait3A_295] : memref<16384x2048xf32, #tpu.memory_space<hbm>> -> memref<2x2048xf32, #tpu.memory_space<hbm>>
    %dma_wait3A_297 = arith.constant 0 : i32
    %dma_wait3A_298 = tpu.memref_slice %arg3[%add3A_289, %dma_wait3A_297] : memref<16384x2048xf32, #tpu.memory_space<hbm>> -> memref<2x2048xf32, #tpu.memory_space<hbm>>
    %dma_wait3A_299 = arith.constant 0 : i32
    %dma_wait3A_300 = arith.constant 0 : i32
    %dma_wait3A_301 = tpu.memref_slice %arg6[%dma_wait3A_290, %dma_wait3A_299, %dma_wait3A_300] : memref<8x2x2048xf32, #tpu.memory_space<vmem>> -> memref<1x2x2048xf32, #tpu.memory_space<vmem>>
    %dma_wait3A_302 = tpu.memref_squeeze %dma_wait3A_301 : memref<1x2x2048xf32, #tpu.memory_space<vmem>> -> memref<2x2048xf32, #tpu.memory_space<vmem>>
    tpu.wait_dma2 semaphore(%arg21 : memref<!tpu.dma_semaphore, #tpu.memory_space<semaphore_mem>>) src(%dma_wait3A_302 : memref<2x2048xf32, #tpu.memory_space<vmem>>) dst(%dma_wait3A_298 : memref<2x2048xf32, #tpu.memory_space<hbm>>)
    %add3A_303 = arith.constant 0 : i32
    %add3A_304 = arith.addi %mul3A_2, %add3A_303 : i32
    %dma_wait3A_305 = arith.constant 5 : i32
    %dma_wait3A_306 = arith.constant 0 : i32
    %dma_wait3A_307 = tpu.memref_slice %arg3[%add3A_304, %dma_wait3A_306] : memref<16384x2048xf32, #tpu.memory_space<hbm>> -> memref<2x2048xf32, #tpu.memory_space<hbm>>
    %dma_wait3A_308 = arith.constant 0 : i32
    %dma_wait3A_309 = arith.constant 0 : i32
    %dma_wait3A_310 = tpu.memref_slice %arg8[%arg1, %dma_wait3A_305, %dma_wait3A_308, %dma_wait3A_309] : memref<16x8x2x2048xf32, #tpu.memory_space<vmem_shared>> -> memref<1x1x2x2048xf32, #tpu.memory_space<vmem_shared>>
    %dma_wait3A_311 = tpu.memref_squeeze %dma_wait3A_310 : memref<1x1x2x2048xf32, #tpu.memory_space<vmem_shared>> -> memref<2x2048xf32, #tpu.memory_space<vmem_shared>>
    tpu.wait_dma2 semaphore(%arg22 : memref<!tpu.dma_semaphore, #tpu.memory_space<semaphore_mem>>) src(%dma_wait3A_311 : memref<2x2048xf32, #tpu.memory_space<vmem_shared>>) dst(%dma_wait3A_307 : memref<2x2048xf32, #tpu.memory_space<hbm>>)
    %add3A_312 = arith.constant 0 : i32
    %add3A_313 = arith.addi %mul3A_2, %add3A_312 : i32
    %dma_wait3A_314 = arith.constant 6 : i32
    %dma_wait3A_315 = arith.constant 0 : i32
    %dma_wait3A_316 = arith.constant 0 : i32
    %dma_wait3A_317 = tpu.memref_slice %arg6[%dma_wait3A_314, %dma_wait3A_315, %dma_wait3A_316] : memref<8x2x2048xf32, #tpu.memory_space<vmem>> -> memref<1x2x2048xf32, #tpu.memory_space<vmem>>
    %dma_wait3A_318 = tpu.memref_squeeze %dma_wait3A_317 : memref<1x2x2048xf32, #tpu.memory_space<vmem>> -> memref<2x2048xf32, #tpu.memory_space<vmem>>
    %dma_wait3A_319 = arith.constant 0 : i32
    %dma_wait3A_320 = tpu.memref_slice %arg3[%add3A_313, %dma_wait3A_319] : memref<16384x2048xf32, #tpu.memory_space<hbm>> -> memref<2x2048xf32, #tpu.memory_space<hbm>>
    %dma_wait3A_321 = arith.constant 0 : i32
    %dma_wait3A_322 = tpu.memref_slice %arg3[%add3A_313, %dma_wait3A_321] : memref<16384x2048xf32, #tpu.memory_space<hbm>> -> memref<2x2048xf32, #tpu.memory_space<hbm>>
    %dma_wait3A_323 = arith.constant 0 : i32
    %dma_wait3A_324 = arith.constant 0 : i32
    %dma_wait3A_325 = tpu.memref_slice %arg6[%dma_wait3A_314, %dma_wait3A_323, %dma_wait3A_324] : memref<8x2x2048xf32, #tpu.memory_space<vmem>> -> memref<1x2x2048xf32, #tpu.memory_space<vmem>>
    %dma_wait3A_326 = tpu.memref_squeeze %dma_wait3A_325 : memref<1x2x2048xf32, #tpu.memory_space<vmem>> -> memref<2x2048xf32, #tpu.memory_space<vmem>>
    tpu.wait_dma2 semaphore(%arg23 : memref<!tpu.dma_semaphore, #tpu.memory_space<semaphore_mem>>) src(%dma_wait3A_326 : memref<2x2048xf32, #tpu.memory_space<vmem>>) dst(%dma_wait3A_322 : memref<2x2048xf32, #tpu.memory_space<hbm>>)
    %add3A_327 = arith.constant 0 : i32
    %add3A_328 = arith.addi %mul3A_2, %add3A_327 : i32
    %dma_wait3A_329 = arith.constant 7 : i32
    %dma_wait3A_330 = arith.constant 0 : i32
    %dma_wait3A_331 = tpu.memref_slice %arg3[%add3A_328, %dma_wait3A_330] : memref<16384x2048xf32, #tpu.memory_space<hbm>> -> memref<2x2048xf32, #tpu.memory_space<hbm>>
    %dma_wait3A_332 = arith.constant 0 : i32
    %dma_wait3A_333 = arith.constant 0 : i32
    %dma_wait3A_334 = tpu.memref_slice %arg8[%arg1, %dma_wait3A_329, %dma_wait3A_332, %dma_wait3A_333] : memref<16x8x2x2048xf32, #tpu.memory_space<vmem_shared>> -> memref<1x1x2x2048xf32, #tpu.memory_space<vmem_shared>>
    %dma_wait3A_335 = tpu.memref_squeeze %dma_wait3A_334 : memref<1x1x2x2048xf32, #tpu.memory_space<vmem_shared>> -> memref<2x2048xf32, #tpu.memory_space<vmem_shared>>
    tpu.wait_dma2 semaphore(%arg24 : memref<!tpu.dma_semaphore, #tpu.memory_space<semaphore_mem>>) src(%dma_wait3A_335 : memref<2x2048xf32, #tpu.memory_space<vmem_shared>>) dst(%dma_wait3A_331 : memref<2x2048xf32, #tpu.memory_space<hbm>>)
    %dma_wait3A_336 = tpu.memref_slice %arg4[%mul3A_2] : memref<16384xf32, #tpu.memory_space<hbm>> -> memref<512xf32, #tpu.memory_space<hbm>>
    %dma_wait3A_337 = tpu.memref_slice %arg4[%mul3A_2] : memref<16384xf32, #tpu.memory_space<hbm>> -> memref<512xf32, #tpu.memory_space<hbm>>
    tpu.wait_dma2 semaphore(%arg25 : memref<!tpu.dma_semaphore, #tpu.memory_space<semaphore_mem>>) src(%arg7 : memref<512xf32, #tpu.memory_space<vmem>>) dst(%dma_wait3A_337 : memref<512xf32, #tpu.memory_space<hbm>>)
    return
  }
}

</mosaic_0001>

<sc_bundles>
// kernel: kernel.3.cloned.1.call-start
scs
__scs_entry_jumppad:
0x0: {  	(pc) =	sbr.rel $0x88, $3  }
0x1: {  	(tag) =	ssettag $0x0;
	lr =	simm.s32 $0x1  }
0x2: {  	[smem:$0x3FA0] =	sst lr;
	_ =	strace $0xD0000000  }
0x3: {  	_ = 	snop  }
0x4: {  	_ = 	snop  }
0x5: {  	_ = 	snop  }
0x6: {  	_ = 	snop  }
0x7: {  	_ = 	snop  }
__scs_overlays_trampoline_lowered:
0x8: {  	[smem:$0x3FAF] =	sst s0  }
0x9: {  	[smem:$0x3FB0] =	sst s1  }
0xa: {  	[smem:$0x3FB1] =	sst s2  }
0xb: {  	[smem:$0x3FB2] =	sst s3  }
0xc: {  	[smem:$0x3FB3] =	sst s4  }
0xd: {  	[smem:$0x3FB4] =	sst s5  }
0xe: {  	[smem:$0x3FB5] =	sst s6  }
0xf: {  	[smem:$0x3FB6] =	sst s7  }
0x10: {  	[smem:$0x3FB7] =	sst s8  }
0x11: {  	[smem:$0x3FB8] =	sst s9;
	s0 =	simm.s32 @!p0 $0x0  }
0x12: {  	s1 =	sld [smem:$0x3F9E];
	s0 =	simm.s32 @p0 $0x1  }
0x13: {  	[smem:$0x3FB9] =	sst s0;
	s0 =	simm.s32 @!p1 $0x0  }
0x14: {  	s2 =	sld [smem:$0x3F9D];
	s0 =	simm.s32 @p1 $0x1  }
0x15: {  	[smem:$0x3FBA] =	sst s0;
	s0 =	simm.s32 @!p2 $0x0  }
0x16: {  	s3 =	sld [smem:$0x3FDB];
	s0 =	simm.s32 @p2 $0x1  }
0x17: {  	s4 =	simm.s32 $0x1BF5;
	[smem:$0x3FBC] =	sst s0  }
0x18: {  	s0 =	sld [smem:$0x3F9F];
	_ =	swait.ge [sflag:s4], $0x0  }
0x19: {  	s7 =	sld [smem:$0x3FA0]  }
0x1a: {  	s8 =	sadd.s32 $0xFFFFE003, lr  }
0x1b: {  	s9 =	sadd.s32 $0xFFFFFEF7, lr;
	s5 =	simm.s32 $0xFFFFFFFF;
	p2 =	slt.u32 s8, $0xFFFFF086  }
0x1c: {  	p1 =	slt.u32 s9, $0xF7A;
	s5 =	simm.s32 @!p2 $0x0  }
0x1d: {  	s5 =	simm.s32 @p1 $0x1;
	p0 =	seq.s32 s7, s2  }
0x1e: {  	s7 =	smul.u32 @!p0 $0xF7A, s2;
	p2 =	seq.s32 @!p0 s5, $0x0  }
0x1f: {  	s9 =	smul.u32 $0xF7A, s1;
	s8 =	simm.s32 @!p0 $0x1BF5;
	p2 =	por !p2, p0  }
0x20: {  	[sflag:s8] =	ssyncset.s32 @!p0 $0xFFFFF086;
	s6 =	sadd.s32 @!p0 s3, s7;
	s7 =	simm.s32 @!p0 $0x108  }
0x21: {  	s3 =	sadd.s32 s3, s9;
	s6 =	sadd.s32 @!p0 $0x88, s6;
	s7 =	simm.s32 @p2 $0x1082  }
0x22: {  	[simem:s7], [sflag:s8] =	dma.local @!p0 [hbm:s6], $0xF7A  }
0x23: {  	s9 =	sor.u32 $0xD0000000, s2;
	s6 =	simm.s32 $0x108;
	_ =	swait.ge @!p0 [sflag:s8], $0x0  }
0x24: {  	s3 =	sadd.s32 $0x88, s3;
	s6 =	simm.s32 @!p1 $0x1082;
	[sflag:s4] =	ssyncset.s32 $0xFFFFF086  }
0x25: {  	[simem:s6], [sflag:s4] =	dma.local [hbm:s3], $0xF7A  }
0x26: {  	[smem:$0x3FA0] =	sst s1;
	(tag) =	ssettag s2;
	_ =	strace s9  }
0x27: {  	s1 =	sld [smem:$0x3FB0]  }
0x28: {  	s2 =	sld [smem:$0x3FB1]  }
0x29: {  	s4 =	sld [smem:$0x3FB3]  }
0x2a: {  	p0 =	seq.s32 s5, $0x0;
	s5 =	sld [smem:$0x3FB4]  }
0x2b: {  	s6 =	sld [smem:$0x3FB5]  }
0x2c: {  	s7 =	sld [smem:$0x3FB6]  }
0x2d: {  	s3 =	simm.s32 $0x108;
	s8 =	sld [smem:$0x3FB7]  }
0x2e: {  	s3 =	simm.s32 @!p0 $0x1082;
	s9 =	sld [smem:$0x3FB8]  }
0x2f: {  	lr =	sadd.s32 s0, s3;
	s0 =	sld [smem:$0x3FAF]  }
0x30: {  	s3 =	sld [smem:$0x3FB2]  }
0x31: {  	[smem:$0x3FBB] =	sst s10  }
0x32: {  	s10 =	sld [smem:$0x3FB9];
	_ =	sdelay $0x3  }
0x33: {  	p0 =	seq.s32 s10, $0x1;
	s10 =	sld [smem:$0x3FBB];
	_ =	sdelay $0x3  }
0x34: {  	[smem:$0x3FBB] =	sst s10  }
0x35: {  	s10 =	sld [smem:$0x3FBA];
	_ =	sdelay $0x3  }
0x36: {  	p1 =	seq.s32 s10, $0x1;
	s10 =	sld [smem:$0x3FBB];
	_ =	sdelay $0x3  }
0x37: {  	[smem:$0x3FBB] =	sst s10  }
0x38: {  	s10 =	sld [smem:$0x3FBC]  }
0x39: {  	_ = 	snop;
	(pc) =	sbr.ind lr, $3  }
0x3a: {  	_ = 	snop  }
0x3b: {  	_ = 	snop  }
0x3c: {  	p2 =	seq.s32 s10, $0x1;
	s10 =	sld [smem:$0x3FBB]  }
0x3d: {  	_ =	shalt  }
0x3e: {  	_ =	shalt  }
0x3f: {  	_ =	shalt  }
0x40: {  	_ =	shalt  }
0x41: {  	_ =	shalt  }
0x42: {  	_ =	shalt  }
0x43: {  	_ =	shalt  }
0x44: {  	_ =	shalt  }
0x45: {  	_ =	shalt  }
0x46: {  	_ =	shalt  }
0x47: {  	_ =	shalt  }
0x48: {  	_ =	shalt  }
0x49: {  	_ =	shalt  }
0x4a: {  	_ =	shalt  }
0x4b: {  	_ =	shalt  }
0x4c: {  	_ =	shalt  }
0x4d: {  	_ =	shalt  }
0x4e: {  	_ =	shalt  }
0x4f: {  	_ =	shalt  }
0x50: {  	_ =	shalt  }
0x51: {  	_ =	shalt  }
0x52: {  	_ =	shalt  }
0x53: {  	_ =	shalt  }
0x54: {  	_ =	shalt  }
0x55: {  	_ =	shalt  }
0x56: {  	_ =	shalt  }
0x57: {  	_ =	shalt  }
0x58: {  	_ =	shalt  }
0x59: {  	_ =	shalt  }
0x5a: {  	_ =	shalt  }
0x5b: {  	_ =	shalt  }
0x5c: {  	_ =	shalt  }
0x5d: {  	_ =	shalt  }
0x5e: {  	_ =	shalt  }
0x5f: {  	_ =	shalt  }
0x60: {  	_ =	shalt  }
0x61: {  	_ =	shalt  }
0x62: {  	_ =	shalt  }
0x63: {  	_ =	shalt  }
0x64: {  	_ =	shalt  }
0x65: {  	_ =	shalt  }
0x66: {  	_ =	shalt  }
0x67: {  	_ =	shalt  }
0x68: {  	_ =	shalt  }
0x69: {  	_ =	shalt  }
0x6a: {  	_ =	shalt  }
0x6b: {  	_ =	shalt  }
0x6c: {  	_ =	shalt  }
0x6d: {  	_ =	shalt  }
0x6e: {  	_ =	shalt  }
0x6f: {  	_ =	shalt  }
0x70: {  	_ =	shalt  }
0x71: {  	_ =	shalt  }
0x72: {  	_ =	shalt  }
0x73: {  	_ =	shalt  }
0x74: {  	_ =	shalt  }
0x75: {  	_ =	shalt  }
0x76: {  	_ =	shalt  }
0x77: {  	_ =	shalt  }
0x78: {  	_ =	shalt  }
0x79: {  	_ =	shalt  }
0x7a: {  	_ =	shalt  }
0x7b: {  	_ =	shalt  }
0x7c: {  	_ =	shalt  }
0x7d: {  	_ =	shalt  }
0x7e: {  	_ =	shalt  }
0x7f: {  	_ =	shalt  }
0x80: {  	_ =	shalt  }
0x81: {  	_ =	shalt  }
0x82: {  	_ =	shalt  }
0x83: {  	_ =	shalt  }
0x84: {  	_ =	shalt  }
0x85: {  	_ =	shalt  }
0x86: {  	_ =	shalt  }
0x87: {  	_ =	shalt  }
.Lfunc_end0:
.L_simem_size_0:
called_computation_lowered:
.L_overlay_start_0:
0x88: {  	s2 =	sld [smem:$0x3FD9]  }
0x89: {  	s3 =	sld [smem:$0x3FFE];
	_ =	sdelay $0x1  }
0x8a: {  	s1 =	srdreg.scid  }
0x8b: {  	s0 =	sand.u32 $0x1, s1  }
0x8c: {  	s15 =	sshll.u32 s0, $0xA;
	s2 =	sadd.s32 s3, s2  }
0x8d: {  	s2 =	sadd.s32 s2, s15  }
0x8e: {  	[smem:$0x3FC7] =	sst s2  }
0x8f: {  	_ = 	snop  }
0x90: {  	s2 =	sld [smem:$0x3FD0];
	_ =	sdelay $0x2  }
0x91: {  	s4 =	simm.s32 $0xA;
	s5 =	simm.s32 $0x10;
	s16 =	sld [smem:$0x3FC9]  }
0x92: {  	[smem:s5], [sflag:s4] =	dma.local [hbm:s2], $0x1  }
0x93: {  	_ =	swait.eq [sflag:s4], $0x1  }
0x94: {  	[sflag:s4] =	ssyncset.done $0x0  }
0x95: {  	s17 =	sld [smem:$0x10];
	[sflag:s4] =	ssyncadd.s32 $0xFFFFFFFF  }
0x96: {  	s18 =	sld [smem:$0x11];
	(tm) =	ssettm $0x1  }
0x97: {  	s19 =	sld [smem:$0x3FFB];
	_ =	sdelay $0x3  }
0x98: {  	_ =	strace s19  }
0x99: {  	s5 =	sld [smem:$0x3FFC];
	_ =	sdelay $0x3  }
0x9a: {  	_ =	strace s5  }
0x9b: {  	s5 =	sld [smem:$0x3FFD];
	_ =	sdelay $0x3  }
0x9c: {  	_ =	strace s5  }
0x9d: {  	_ =	strace $0x8FFFFFFF  }
0x9e: {  	s20 =	sld [smem:$0x3FDB];
	_ =	sdelay $0x1  }
0x9f: {  	s6 =	simm.s32 $_scs_section_size  }
0xa0: {  	s7 =	simm.s32 $_size__tile_overlayer_lowered;
	s8 =	simm.s32 $_tile_overlayer_lowered  }
0xa1: {  	s23 =	simm.s32 $0x1BFF;
	s22 =	sshll.u32 s8, $0x1;
	s5 =	sadd.s32 s6, s20  }
0xa2: {  	s9 =	simm.s32 $0x0;
	s21 =	sshll.u32 s7, $0x1;
	s7 =	sadd.s32 s22, s5  }
0xa3: {  	[timem:s9], [sflag:s23] =	dma.local [hbm:s7], s21  }
0xa4: {  	_ =	swait.ge [sflag:s23], s21  }
0xa5: {  	s6 =	ssub.s32 $0x0, s21;
	[sflag:s23] =	ssyncset.done $0x0  }
0xa6: {  	[sflag:s23] =	ssyncadd.s32 s6;
	_ =	sdelay $0x1  }
0xa7: {  	s24 =	simm.s32 $0x1B8B  }
0xa8: {  	_ =	swait.ge [sflag:s24], $0x1  }
0xa9: {  	[sflag:s24] =	ssyncset.done $0x0  }
0xaa: {  	s25 =	simm.s32 $0x1B8E;
	[sflag:s24] =	ssyncadd.s32 $0xFFFFFFFF  }
0xab: {  	s26 =	simm.s32 $execute0_lowered;
	[smem:$0x3FD2] =	sst s25  }
0xac: {  	s6 =	sshll.u32 s26, $0x1;
	_ =	strace $0x80000046;
	[dreg:$0x1] =	wrdreg $0xFFFFFFFF  }
0xad: {  	s28 =	simm.s32 $_size_execute0_lowered;
	s5 =	sadd.s32 s5, s6;
	[dreg:$0x0] =	wrdreg $0x0  }
0xae: {  	s6 =	sshll.u32 s28, $0x1;
	[dreg:$0x2] =	wrdreg s5  }
0xaf: {  	[dreg:$0x3] =	wrdreg s6  }
0xb0: {  	[dreg:$0x4] =	wrdreg $0xC0  }
0xb1: {  	_ =	task [dreg:s9], $0x5FFFF  }
0xb2: {  	[dreg:$0x1] =	wrdreg $0xFFFFFFFF  }
0xb3: {  	[dreg:$0x0] =	wrdreg $0x60  }
0xb4: {  	[dreg:$0x2] =	wrdreg s16  }
0xb5: {  	[dreg:$0x3] =	wrdreg s17  }
0xb6: {  	[dreg:$0x4] =	wrdreg s18  }
0xb7: {  	[dreg:$0x5] =	wrdreg $0x102000  }
0xb8: {  	[dreg:$0x6] =	wrdreg $0x9  }
0xb9: {  	_ =	task.clear_ibuf [dreg:s9], $0x7FFFF;
	_ =	strace $0x90000046  }
0xba: {  	s29 =	simm.s32 $0x9;
	_ =	strace $0x80000048  }
0xbb: {  	_ =	swait.ge [sflag:s29], $0x1  }
0xbc: {  	[sflag:s29] =	ssyncadd.s32 $0xFFFFFFFF  }
0xbd: {  	_ =	strace $0x90000048  }
0xbe: {  	_ =	sfence  }
0xbf: {  	s30 =	sld [smem:$0x0];
	_ =	sdelay $0x2  }
0xc0: {  	s31 =	sshll.u32 s1, $0xD;
	s1 =	sshrl.u32 s1, $0x2  }
0xc1: {  	s3 =	sand.u32 $0x4000, s31;
	s1 =	sadd.s32 s1, s30  }
0xc2: {  	s0 =	sor.u32 s3, s0;
	s1 =	sshll.u32 s1, $0x11  }
0xc3: {  	s0 =	sor.u32 s1, s0  }
0xc4: {  	s0 =	sadd.s32 $0x8F2B, s0  }
0xc5: {  	[sflag:s0] =	ssyncadd.remote.s32 $0x1  }
0xc6: {  	_ =	sfence.sel $0xFFFF  }
0xc7: {  	[dreg:$0x0] =	wrdreg $0xFFFFFFFF;
	(pc) =	sbr.abs _section_cstart, $3  }
0xc8: {  	[dreg:$0x1] =	wrdreg $0xFFFFFFFF  }
0xc9: {  	_ =	task.clear_ibuf [dreg:s9], $0x2FFFF;
	_ =	strace $0x9FFFFFFF  }
0xca: {  	(tm) =	ssettm $0x7FFFFFFF  }
0xcb: {  	_ =	shalt  }
tec
execute0_lowered:
.L_overlay_start_1:
0x0: {  	(tag) =	ssettag $0x1  }
0x1: {  	s6 =	rddreg [dreg:$0x0]  }
0x2: {  	s29 =	rddreg [dreg:$0x1]  }
0x3: {  	s0 =	rddreg [dreg:$0x2]  }
0x4: {  	s1 =	rddreg [dreg:$0x3];
	s2 =	srdreg.scid;
	s3 =	simm.s32 $0x0  }
0x5: {  	s7 =	stileid.u32;
	[smem:$0x7FF] =	sst s3;
	s12 =	sadd.s32 $0x20, s29  }
0x6: {  	s14 =	sadd.s32 $0x40, s29;
	_ =	strace $0x80000047;
	[dreg:$0x10] =	wrdreg s12  }
0x7: {  	s2 =	sand.u32 $0x1, s2;
	s17 =	sadd.s32 $0x60, s29;
	[dreg:$0x12] =	wrdreg s14  }
0x8: {  	s25 =	sshll.u32 s7, $0xA;
	s20 =	sadd.s32 $0x800, s29;
	[dreg:$0x14] =	wrdreg s17  }
0x9: {  	s4 =	sshll.u32 s2, $0x9;
	s2 =	ssub.s32 $0x2, s2;
	[dreg:$0x17] =	wrdreg s20  }
0xa: {  	s3 =	sor.u32 s4, s25;
	s26 =	sshrl.u32 s2, $0x1;
	s25 =	sadd.s32 $0x820, s29  }
0xb: {  	s5 =	sshrl.u32 s3, $0x3;
	s3 =	sshll.u32 s3, $0x8;
	[dreg:$0x19] =	wrdreg s25  }
0xc: {  	s2 =	ssub.s32 s2, s26;
	s0 =	sadd.s32 s0, s5;
	[dreg:$0x5] =	wrdreg s3  }
0xd: {  	s4 =	sadd.s32 s6, s3;
	s3 =	sor.u32 $0x860, s3;
	[dreg:$0x6] =	wrdreg s0  }
0xe: {  	s18 =	smax.u32 s2, $0x1;
	[dreg:$0xe] =	wrdreg s3  }
0xf: {  	s31 =	simm.s32 $0xF;
	s9 =	sshll.u32 s7, $0xF;
	[dreg:$0x15] =	wrdreg s18  }
0x10: {  	s7 =	simm.s32 $0x6;
	s28 =	sadd.s32 $0x20, s4;
	[dreg:$0x7] =	wrdreg s4  }
0x11: {  	s20 =	simm.s32 $0xE;
	s30 =	sadd.s32 $0x40, s4;
	[dreg:$0x8] =	wrdreg s28  }
0x12: {  	s12 =	simm.s32 $0x7;
	s5 =	sadd.s32 $0x60, s4;
	[dreg:$0x9] =	wrdreg s30  }
0x13: {  	s17 =	simm.s32 $0x0;
	s6 =	sadd.s32 $0x800, s4;
	[dreg:$0xa] =	wrdreg s5  }
0x14: {  	s2 =	simm.s32 $0x8;
	s8 =	sadd.s32 $0x820, s4;
	[dreg:$0xb] =	wrdreg s6  }
0x15: {  	s10 =	sadd.s32 $0x840, s4;
	s0 =	sadd.s32 s9, s1;
	[dreg:$0xc] =	wrdreg s8  }
0x16: {  	s11 =	sadd.s32 $0x1000, s4;
	s13 =	sadd.s32 $0x1020, s4;
	[dreg:$0xd] =	wrdreg s10  }
0x17: {  	s15 =	sadd.s32 $0x1040, s4;
	s19 =	sadd.s32 $0x1060, s4;
	[dreg:$0xf] =	wrdreg s11  }
0x18: {  	s22 =	sadd.s32 $0x1800, s4;
	s26 =	sadd.s32 $0x1820, s4;
	[dreg:$0x11] =	wrdreg s13  }
0x19: {  	s9 =	simm.s32 $0x400;
	s1 =	simm.s32 $0x80;
	[dreg:$0x13] =	wrdreg s15  }
0x1a: {  	s3 =	simm.s32 $0x20;
	s16 =	sadd.s32 $0x1000, s0;
	[dreg:$0x16] =	wrdreg s19  }
0x1b: {  	s21 =	sadd.s32 $0x3000, s0;
	s23 =	sadd.s32 $0x5000, s0;
	[dreg:$0x18] =	wrdreg s22  }
0x1c: {  	s24 =	sadd.s32 $0x7000, s0;
	[dreg:$0x1a] =	wrdreg s26;
	s28 =	sadd.s32 $0x840, s29  }
0x1d: {  	v0 =	vlaneseq.u32;
	s30 =	sadd.s32 $0x1840, s4;
	s8 =	simm.s32 $0x100;
	s11 =	simm.s32 $0x1  }
0x1e: {  	v1 =	vmul.u32 $0xFFFFFFFF, v0;
	s13 =	simm.s32 $0x2;
	s4 =	simm.s32 $0x12;
	s15 =	simm.s32 $0x3  }
0x1f: {  	s26 =	simm.s32 $0x4;
	s6 =	simm.s32 $0x5;
	[dreg:$0x1b] =	wrdreg s28  }
0x20: {  	v0 =	vimm.f32 $0.0e+00;
	v1 =	vadd.s32 $0xF, v1;
	s10 =	simm.s32 $0xD;
	s5 =	simm.s32 $0x10;
	[dreg:$0x1c] =	wrdreg s30  }
.LBB2_1:
0x21: {  	[tilespmem:$0x10000] =	vst v0  }
0x22: {  	[tilespmem:$0x10010] =	vst v0  }
0x23: {  	[tilespmem:$0x10020] =	vst v0  }
0x24: {  	[tilespmem:$0x10030] =	vst v0  }
0x25: {  	[tilespmem:$0x10040] =	vst v0  }
0x26: {  	[tilespmem:$0x10050] =	vst v0  }
0x27: {  	[tilespmem:$0x10060] =	vst v0  }
0x28: {  	[tilespmem:$0x10070] =	vst v0  }
0x29: {  	[tilespmem:$0x10080] =	vst v0  }
0x2a: {  	[tilespmem:$0x10090] =	vst v0  }
0x2b: {  	[tilespmem:$0x100A0] =	vst v0  }
0x2c: {  	[tilespmem:$0x100B0] =	vst v0  }
0x2d: {  	[tilespmem:$0x100C0] =	vst v0  }
0x2e: {  	[tilespmem:$0x100D0] =	vst v0  }
0x2f: {  	[tilespmem:$0x100E0] =	vst v0  }
0x30: {  	[tilespmem:$0x100F0] =	vst v0  }
0x31: {  	[tilespmem:$0x10100] =	vst v0  }
0x32: {  	[tilespmem:$0x10110] =	vst v0  }
0x33: {  	[tilespmem:$0x10120] =	vst v0  }
0x34: {  	[tilespmem:$0x10130] =	vst v0  }
0x35: {  	[tilespmem:$0x10140] =	vst v0  }
0x36: {  	[tilespmem:$0x10150] =	vst v0  }
0x37: {  	[tilespmem:$0x10160] =	vst v0  }
0x38: {  	[tilespmem:$0x10170] =	vst v0  }
0x39: {  	[tilespmem:$0x10180] =	vst v0  }
0x3a: {  	[tilespmem:$0x10190] =	vst v0  }
0x3b: {  	[tilespmem:$0x101A0] =	vst v0  }
0x3c: {  	[tilespmem:$0x101B0] =	vst v0  }
0x3d: {  	[tilespmem:$0x101C0] =	vst v0  }
0x3e: {  	[tilespmem:$0x101D0] =	vst v0  }
0x3f: {  	[dreg:$0x1d] =	wrdreg s17;
	[tilespmem:$0x101E0] =	vst v0  }
0x40: {  	[tilespmem:$0x101F0] =	vst v0;
	s0 =	simm.s32 $0x0;
	s14 =	rddreg [dreg:$0x6];
	s18 =	simm.s32 $0x10000  }
0x41: {  	[hbm4b:s14+s0] =	stream.linear.scatter [tilespmem:s18], [sflag:$0x11], $0x200, $0x38;
	[tilespmem:$0x18200] =	vst v63  }
0x42: {  	s19 =	rddreg [dreg:$0x7]  }
0x43: {  	[tilespmem:s0], [sflag:$0x1] =	stream.strided.gather [hbm4b:s19+s8], $0x1000, s9, s8, $0x38;
	[tilespmem:$0x18200] =	vst v63  }
0x44: {  	s22 =	rddreg [dreg:$0x8];
	s25 =	simm.s32 $0x1000  }
0x45: {  	[tilespmem:s25], [sflag:$0x2] =	stream.strided.gather [hbm4b:s22+s8], $0x1000, s9, s8, $0x38;
	[tilespmem:$0x18200] =	vst v63  }
0x46: {  	s28 =	rddreg [dreg:$0x9];
	s30 =	simm.s32 $0x2000  }
0x47: {  	[tilespmem:s30], [sflag:$0x3] =	stream.strided.gather [hbm4b:s28+s8], $0x1000, s9, s8, $0x38;
	[tilespmem:$0x18200] =	vst v63  }
0x48: {  	s17 =	simm.s32 $0x3000;
	s14 =	rddreg [dreg:$0xa]  }
0x49: {  	[tilespmem:s17], [sflag:$0x4] =	stream.strided.gather [hbm4b:s14+s8], $0x1000, s9, s8, $0x38;
	[tilespmem:$0x18200] =	vst v63  }
0x4a: {  	s18 =	rddreg [dreg:$0xb];
	s19 =	simm.s32 $0x4000  }
0x4b: {  	[tilespmem:s19], [sflag:$0x5] =	stream.strided.gather [hbm4b:s18+s8], $0x1000, s9, s8, $0x38;
	[tilespmem:$0x18200] =	vst v63  }
0x4c: {  	s22 =	rddreg [dreg:$0xc];
	s25 =	simm.s32 $0x5000  }
0x4d: {  	[tilespmem:s25], [sflag:$0x6] =	stream.strided.gather [hbm4b:s22+s8], $0x1000, s9, s8, $0x38;
	[tilespmem:$0x18200] =	vst v63  }
0x4e: {  	s28 =	rddreg [dreg:$0xd];
	s30 =	simm.s32 $0x6000;
	s14 =	simm.s32 $0x0  }
0x4f: {  	[tilespmem:s30], [sflag:$0x7] =	stream.strided.gather [hbm4b:s28+s8], $0x1000, s9, s8, $0x38;
	[tilespmem:$0x18200] =	vst v63  }
.LBB2_2:
0x50: {  	s19 =	sshll.u32 s14, $0xC;
	s0 =	rddreg [dreg:$0xe]  }
0x51: {  	s22 =	rddreg [dreg:$0x0];
	s17 =	sadd.s32 s0, s19  }
0x52: {  	s18 =	simm.s32 $0x7000;
	s0 =	sadd.s32 s22, s17  }
0x53: {  	[tilespmem:s18], [sflag:$0x8] =	stream.strided.gather [hbm4b:s0+s8], $0x1000, s9, s8, $0x38;
	[tilespmem:$0x18200] =	vst v63  }
0x54: {  	_ =	swait.ge [sflag:s11], $0x1000  }
0x55: {  	p0 =	seq.s32 s14, $0x0;
	[sflag:s11] =	ssyncset.done $0x0  }
0x56: {  	s0 =	simm.s32 @!p0 $0x9;
	[sflag:s11] =	ssyncadd.s32 $0xFFFFF000  }
0x57: {  	_ =	swait.ge @!p0 [sflag:s0], $0x1000  }
0x58: {  	[sflag:s0] =	ssyncset.done @!p0 $0x0  }
0x59: {  	[sflag:s0] =	ssyncadd.s32 @!p0 $0xFFFFF000;
	s0 =	simm.s32 $0xF70  }
0x5a: {  	v4 =	vld [tilespmem:s0+$0xFFFFFF90]  }
0x5b: {  	v5 =	vld [tilespmem:s0+$0xFFFFFFF0]  }
0x5c: {  	v8 =	vld [tilespmem:s0+$0xFFFFFFE0]  }
0x5d: {  	v6 =	vld [tilespmem:s0+$0xFFFFFFD0]  }
0x5e: {  	v3 =	vld [tilespmem:s0+$0xFFFFFFC0]  }
0x5f: {  	s30 =	simm.s32 $0x8040;
	v2 =	vld [tilespmem:s0+$0xFFFFFFB0];
	v9 =	vperm.xlane v4, v1  }
0x60: {  	s28 =	simm.s32 $0x80F0;
	s18 =	simm.s32 $0xE70;
	s25 =	rddreg [dreg:$0x5];
	v4 =	vld [tilespmem:s0+$0xFFFFFFA0];
	v7 =	vperm.xlane v5, v1  }
0x61: {  	s22 =	sor.u32 s25, s19;
	s25 =	simm.s32 $0x0;
	v5 =	vld [tilespmem:s0+$0x0];
	v8 =	vperm.xlane v8, v1;
	s0 =	simm.s32 $0xFF0;
	[tilespmem:s30+$0x30] =	vst v9  }
.LBB2_3:
0x62: {  	v9 =	vld [tilespmem:s18+$0xFFFFFF90];
	s25 =	sadd.s32 $0x8, s25;
	[tilespmem:s30+$0xFFFFFFD0] =	vst v7;
	v6 =	vperm.xlane v6, v1  }
0x63: {  	v7 =	vld [tilespmem:s18+$0xFFFFFFF0];
	p1 =	slt.u32 s25, $0x78;
	[tilespmem:s30+$0xFFFFFFE0] =	vst v8;
	v3 =	vperm.xlane v3, v1  }
0x64: {  	v8 =	vld [tilespmem:s18+$0xFFFFFFE0];
	[tilespmem:s30+$0xFFFFFFF0] =	vst v6;
	v2 =	vperm.xlane v2, v1  }
.Ltmp0:
0x65: {  	v6 =	vld [tilespmem:s18+$0xFFFFFFD0];
	[tilespmem:s30+$0x0] =	vst v3;
	v4 =	vperm.xlane v4, v1;
	(pc) =	sbr.rel @p1 .LBB2_3-.Ltmp0, $4  }
0x66: {  	v3 =	vld [tilespmem:s18+$0xFFFFFFC0];
	v5 =	vperm.xlane v5, v1;
	[tilespmem:s30+$0x10] =	vst v2  }
0x67: {  	v2 =	vld [tilespmem:s18+$0xFFFFFFB0];
	v9 =	vperm.xlane v9, v1;
	[tilespmem:s30+$0x20] =	vst v4  }
0x68: {  	v7 =	vperm.xlane v7, v1;
	v4 =	vld [tilespmem:s18+$0xFFFFFFA0];
	[tilespmem:s30+$0xFFFFFFC0] =	vst v5;
	s30 =	sadd.s32 $0x100, s30  }
0x69: {  	v5 =	vld [tilespmem:s18+$0x0];
	v8 =	vperm.xlane v8, v1;
	[tilespmem:s30+$0x30] =	vst v9;
	s18 =	sadd.s32 $0xFFFFFF00, s18  }
0x6a: {  	[tilespmem:s30+$0xFFFFFFD0] =	vst v7;
	v6 =	vperm.xlane v6, v1;
	v7 =	vld [tilespmem:s0+$0xFFFFFF90]  }
0x6b: {  	[tilespmem:s30+$0xFFFFFFE0] =	vst v8;
	v3 =	vperm.xlane v3, v1;
	v8 =	vld [tilespmem:s0+$0xFFFFFFF0]  }
0x6c: {  	[tilespmem:s30+$0xFFFFFFF0] =	vst v6;
	v6 =	vperm.xlane v2, v1;
	v9 =	vld [tilespmem:s0+$0xFFFFFFE0]  }
0x6d: {  	[tilespmem:s30+$0x0] =	vst v3;
	v4 =	vperm.xlane v4, v1;
	v2 =	vld [tilespmem:s0+$0xFFFFFFD0]  }
0x6e: {  	v5 =	vperm.xlane v5, v1;
	[tilespmem:s30+$0x10] =	vst v6;
	v3 =	vld [tilespmem:s0+$0xFFFFFFC0]  }
0x6f: {  	[tilespmem:s30+$0x20] =	vst v4;
	v4 =	vld [tilespmem:s0+$0xFFFFFFB0];
	v10 =	vperm.xlane v7, v1  }
0x70: {  	[tilespmem:s30+$0xFFFFFFC0] =	vst v5;
	v5 =	vld [tilespmem:s0+$0xFFFFFFA0];
	v7 =	vperm.xlane v8, v1  }
0x71: {  	s18 =	simm.s32 $0x0;
	v6 =	vld [tilespmem:s0+$0x0];
	v8 =	vperm.xlane v9, v1;
	[tilespmem:s28+$0x0] =	vst v10;
	s0 =	simm.s32 $0xEF0  }
.LBB2_5:
0x72: {  	v9 =	vld [tilespmem:s0+$0xFFFFFF90];
	s18 =	sadd.s32 $0x8, s18;
	[tilespmem:s28+$0xFFFFFFA0] =	vst v7;
	v2 =	vperm.xlane v2, v1  }
0x73: {  	v7 =	vld [tilespmem:s0+$0xFFFFFFF0];
	p1 =	slt.u32 s18, $0x78;
	[tilespmem:s28+$0xFFFFFFB0] =	vst v8;
	v3 =	vperm.xlane v3, v1  }
0x74: {  	v8 =	vld [tilespmem:s0+$0xFFFFFFE0];
	[tilespmem:s28+$0xFFFFFFC0] =	vst v2;
	v4 =	vperm.xlane v4, v1  }
.Ltmp1:
0x75: {  	v2 =	vld [tilespmem:s0+$0xFFFFFFD0];
	[tilespmem:s28+$0xFFFFFFD0] =	vst v3;
	v5 =	vperm.xlane v5, v1;
	(pc) =	sbr.rel @p1 .LBB2_5-.Ltmp1, $4  }
0x76: {  	v3 =	vld [tilespmem:s0+$0xFFFFFFC0];
	v6 =	vperm.xlane v6, v1;
	[tilespmem:s28+$0xFFFFFFE0] =	vst v4  }
0x77: {  	v4 =	vld [tilespmem:s0+$0xFFFFFFB0];
	v9 =	vperm.xlane v9, v1;
	[tilespmem:s28+$0xFFFFFFF0] =	vst v5  }
0x78: {  	v7 =	vperm.xlane v7, v1;
	v5 =	vld [tilespmem:s0+$0xFFFFFFA0];
	[tilespmem:s28+$0xFFFFFF90] =	vst v6;
	s28 =	sadd.s32 $0x100, s28  }
0x79: {  	v6 =	vld [tilespmem:s0+$0x0];
	v8 =	vperm.xlane v8, v1;
	[tilespmem:s28+$0x0] =	vst v9;
	s0 =	sadd.s32 $0xFFFFFF00, s0  }
0x7a: {  	[tilespmem:s28+$0xFFFFFFA0] =	vst v7;
	v2 =	vperm.xlane v2, v1  }
0x7b: {  	[tilespmem:s28+$0xFFFFFFB0] =	vst v8;
	v3 =	vperm.xlane v3, v1  }
0x7c: {  	p1 =	sne.s32 s14, $0x1F;
	[tilespmem:s28+$0xFFFFFFC0] =	vst v2;
	v2 =	vperm.xlane v4, v1  }
.Ltmp2:
0x7d: {  	[tilespmem:s28+$0xFFFFFFD0] =	vst v3;
	v3 =	vperm.xlane v5, v1;
	(pc) =	sbr.rel @p1 .LBB2_8-.Ltmp2, $4  }
0x7e: {  	v63 =	vperm.xlane v6, v1;
	[tilespmem:s28+$0xFFFFFFE0] =	vst v2  }
0x7f: {  	[tilespmem:s28+$0xFFFFFFF0] =	vst v3  }
0x80: {  	s0 =	sadd.s32 s29, s22;
	s18 =	simm.s32 $0x8000;
	[tilespmem:s28+$0xFFFFFF90] =	vst v63  }
0x81: {  	[hbm4b:s0+s8] =	stream.strided.scatter [tilespmem:s18], [sflag:$0x9], $0x1000, s9, s8, $0x38;
	[tilespmem:$0x18200] =	vst v63  }
.Ltmp3:
0x82: {  	(pc) =	sbr.rel .LBB2_9-.Ltmp3, $4  }
0x83: {  	_ = 	snop  }
0x84: {  	_ =	swait.ge [sflag:s13], $0x1000  }
0x85: {  	[sflag:s13] =	ssyncset.done $0x0  }
0x86: {  	[sflag:s13] =	ssyncadd.s32 $0xFFFFF000  }
.LBB2_8:
0x87: {  	s0 =	rddreg [dreg:$0xf]  }
.Ltmp4:
0x88: {  	s18 =	simm.s32 $0x0;
	s0 =	sadd.s32 s19, s0;
	(pc) =	sbr.rel @p0 .LBB2_10-.Ltmp4, $4  }
0x89: {  	[tilespmem:s18], [sflag:$0x1] =	stream.strided.gather [hbm4b:s0+s8], $0x1000, s9, s8, $0x38;
	[tilespmem:$0x18200] =	vst v63  }
0x8a: {  	_ =	swait.ge [sflag:s13], $0x1000  }
0x8b: {  	[sflag:s13] =	ssyncset.done $0x0  }
0x8c: {  	[sflag:s13] =	ssyncadd.s32 $0xFFFFF000  }
.LBB2_9:
0x8d: {  	s0 =	simm.s32 $0xA  }
0x8e: {  	_ =	swait.ge [sflag:s0], $0x200  }
0x8f: {  	[sflag:s0] =	ssyncset.done $0x0  }
0x90: {  	[sflag:s0] =	ssyncadd.s32 $0xFFFFFE00  }
.LBB2_10:
0x91: {  	s0 =	simm.s32 $0x1F70  }
0x92: {  	v4 =	vld [tilespmem:s0+$0xFFFFFF90]  }
0x93: {  	v5 =	vld [tilespmem:s0+$0xFFFFFFF0]  }
0x94: {  	v8 =	vld [tilespmem:s0+$0xFFFFFFE0]  }
0x95: {  	v6 =	vld [tilespmem:s0+$0xFFFFFFD0]  }
0x96: {  	v3 =	vld [tilespmem:s0+$0xFFFFFFC0]  }
0x97: {  	v2 =	vld [tilespmem:s0+$0xFFFFFFB0];
	v9 =	vperm.xlane v4, v1  }
0x98: {  	s30 =	simm.s32 $0x9070;
	s25 =	simm.s32 $0x0;
	v4 =	vld [tilespmem:s0+$0xFFFFFFA0];
	v7 =	vperm.xlane v5, v1  }
0x99: {  	s18 =	simm.s32 $0x1E70;
	s28 =	simm.s32 $0x90F0;
	v5 =	vld [tilespmem:s0+$0x0];
	v8 =	vperm.xlane v8, v1;
	s0 =	simm.s32 $0x1FF0;
	[tilespmem:s30+$0x0] =	vst v9  }
.LBB2_11:
0x9a: {  	v9 =	vld [tilespmem:s18+$0xFFFFFF90];
	s25 =	sadd.s32 $0x8, s25;
	[tilespmem:s30+$0xFFFFFFA0] =	vst v7;
	v6 =	vperm.xlane v6, v1  }
0x9b: {  	v7 =	vld [tilespmem:s18+$0xFFFFFFF0];
	p2 =	slt.u32 s25, $0x78;
	[tilespmem:s30+$0xFFFFFFB0] =	vst v8;
	v3 =	vperm.xlane v3, v1  }
0x9c: {  	v8 =	vld [tilespmem:s18+$0xFFFFFFE0];
	[tilespmem:s30+$0xFFFFFFC0] =	vst v6;
	v2 =	vperm.xlane v2, v1  }
.Ltmp5:
0x9d: {  	v6 =	vld [tilespmem:s18+$0xFFFFFFD0];
	[tilespmem:s30+$0xFFFFFFD0] =	vst v3;
	v4 =	vperm.xlane v4, v1;
	(pc) =	sbr.rel @p2 .LBB2_11-.Ltmp5, $4  }
0x9e: {  	v3 =	vld [tilespmem:s18+$0xFFFFFFC0];
	v5 =	vperm.xlane v5, v1;
	[tilespmem:s30+$0xFFFFFFE0] =	vst v2  }
0x9f: {  	v2 =	vld [tilespmem:s18+$0xFFFFFFB0];
	v9 =	vperm.xlane v9, v1;
	[tilespmem:s30+$0xFFFFFFF0] =	vst v4  }
0xa0: {  	v7 =	vperm.xlane v7, v1;
	v4 =	vld [tilespmem:s18+$0xFFFFFFA0];
	[tilespmem:s30+$0xFFFFFF90] =	vst v5;
	s30 =	sadd.s32 $0x100, s30  }
0xa1: {  	v5 =	vld [tilespmem:s18+$0x0];
	v8 =	vperm.xlane v8, v1;
	[tilespmem:s30+$0x0] =	vst v9;
	s18 =	sadd.s32 $0xFFFFFF00, s18  }
0xa2: {  	[tilespmem:s30+$0xFFFFFFA0] =	vst v7;
	v6 =	vperm.xlane v6, v1;
	v7 =	vld [tilespmem:s0+$0xFFFFFF90]  }
0xa3: {  	[tilespmem:s30+$0xFFFFFFB0] =	vst v8;
	v3 =	vperm.xlane v3, v1;
	v8 =	vld [tilespmem:s0+$0xFFFFFFF0]  }
0xa4: {  	[tilespmem:s30+$0xFFFFFFC0] =	vst v6;
	v6 =	vperm.xlane v2, v1;
	v9 =	vld [tilespmem:s0+$0xFFFFFFE0]  }
0xa5: {  	[tilespmem:s30+$0xFFFFFFD0] =	vst v3;
	v4 =	vperm.xlane v4, v1;
	v2 =	vld [tilespmem:s0+$0xFFFFFFD0]  }
0xa6: {  	v5 =	vperm.xlane v5, v1;
	[tilespmem:s30+$0xFFFFFFE0] =	vst v6;
	v3 =	vld [tilespmem:s0+$0xFFFFFFC0]  }
0xa7: {  	[tilespmem:s30+$0xFFFFFFF0] =	vst v4;
	v4 =	vld [tilespmem:s0+$0xFFFFFFB0];
	v10 =	vperm.xlane v7, v1  }
0xa8: {  	[tilespmem:s30+$0xFFFFFF90] =	vst v5;
	v5 =	vld [tilespmem:s0+$0xFFFFFFA0];
	v7 =	vperm.xlane v8, v1  }
0xa9: {  	s18 =	simm.s32 $0x0;
	v6 =	vld [tilespmem:s0+$0x0];
	v8 =	vperm.xlane v9, v1;
	[tilespmem:s28+$0x0] =	vst v10;
	s0 =	simm.s32 $0x1EF0  }
.LBB2_13:
0xaa: {  	v9 =	vld [tilespmem:s0+$0xFFFFFF90];
	s18 =	sadd.s32 $0x8, s18;
	[tilespmem:s28+$0xFFFFFFA0] =	vst v7;
	v2 =	vperm.xlane v2, v1  }
0xab: {  	v7 =	vld [tilespmem:s0+$0xFFFFFFF0];
	p2 =	slt.u32 s18, $0x78;
	[tilespmem:s28+$0xFFFFFFB0] =	vst v8;
	v3 =	vperm.xlane v3, v1  }
0xac: {  	v8 =	vld [tilespmem:s0+$0xFFFFFFE0];
	[tilespmem:s28+$0xFFFFFFC0] =	vst v2;
	v4 =	vperm.xlane v4, v1  }
.Ltmp6:
0xad: {  	v2 =	vld [tilespmem:s0+$0xFFFFFFD0];
	[tilespmem:s28+$0xFFFFFFD0] =	vst v3;
	v5 =	vperm.xlane v5, v1;
	(pc) =	sbr.rel @p2 .LBB2_13-.Ltmp6, $4  }
0xae: {  	v3 =	vld [tilespmem:s0+$0xFFFFFFC0];
	v6 =	vperm.xlane v6, v1;
	[tilespmem:s28+$0xFFFFFFE0] =	vst v4  }
0xaf: {  	v4 =	vld [tilespmem:s0+$0xFFFFFFB0];
	v9 =	vperm.xlane v9, v1;
	[tilespmem:s28+$0xFFFFFFF0] =	vst v5  }
0xb0: {  	v7 =	vperm.xlane v7, v1;
	v5 =	vld [tilespmem:s0+$0xFFFFFFA0];
	[tilespmem:s28+$0xFFFFFF90] =	vst v6;
	s28 =	sadd.s32 $0x100, s28  }
0xb1: {  	v6 =	vld [tilespmem:s0+$0x0];
	v8 =	vperm.xlane v8, v1;
	[tilespmem:s28+$0x0] =	vst v9;
	s0 =	sadd.s32 $0xFFFFFF00, s0  }
0xb2: {  	[tilespmem:s28+$0xFFFFFFA0] =	vst v7;
	v2 =	vperm.xlane v2, v1  }
0xb3: {  	[tilespmem:s28+$0xFFFFFFB0] =	vst v8;
	v3 =	vperm.xlane v3, v1  }
0xb4: {  	[tilespmem:s28+$0xFFFFFFC0] =	vst v2;
	v2 =	vperm.xlane v4, v1  }
0xb5: {  	[tilespmem:s28+$0xFFFFFFD0] =	vst v3;
	v3 =	vperm.xlane v5, v1  }
0xb6: {  	v63 =	vperm.xlane v6, v1;
	[tilespmem:s28+$0xFFFFFFE0] =	vst v2  }
0xb7: {  	[tilespmem:s28+$0xFFFFFFF0] =	vst v3  }
0xb8: {  	s0 =	simm.s32 $0x9000;
	[tilespmem:s28+$0xFFFFFF90] =	vst v63  }
0xb9: {  	[spmem:s16] =	stream.linear.scatter [tilespmem:s0], [sflag:$0x12], $0x1000, $0x38;
	[tilespmem:$0x18200] =	vst v63  }
.Ltmp7:
0xba: {  	_ = 	snop;
	(pc) =	sbr.rel @p1 .LBB2_16-.Ltmp7, $4  }
0xbb: {  	s29 =	stileid.u32;
	s25 =	sshrl.u32 s16, $0x3;
	_ =	swait.ge [sflag:s4], $0x1000  }
0xbc: {  	s28 =	sshll.u32 s29, $0x6;
	[sflag:s4] =	ssyncset.done $0x0;
	s30 =	rddreg [dreg:$0x10]  }
0xbd: {  	s18 =	sor.u32 $0x1C0A, s28;
	[sflag:s4] =	ssyncadd.s32 $0xFFFFF000;
	s0 =	sadd.s32 s22, s30  }
0xbe: {  	[hbm:s0@s1], [sflag:s18] =	dma.strided [spmem:s25@s3], $0x200, s13, $0x10   }
.Ltmp8:
0xbf: {  	(pc) =	sbr.rel .LBB2_17-.Ltmp8, $4  }
0xc0: {  	_ = 	snop  }
0xc1: {  	_ =	swait.ge [sflag:s15], $0x1000  }
0xc2: {  	[sflag:s15] =	ssyncset.done $0x0  }
0xc3: {  	[sflag:s15] =	ssyncadd.s32 $0xFFFFF000  }
.LBB2_16:
0xc4: {  	s0 =	rddreg [dreg:$0x11]  }
.Ltmp9:
0xc5: {  	s18 =	simm.s32 $0x1000;
	s0 =	sadd.s32 s19, s0;
	(pc) =	sbr.rel @p0 .LBB2_18-.Ltmp9, $4  }
0xc6: {  	[tilespmem:s18], [sflag:$0x2] =	stream.strided.gather [hbm4b:s0+s8], $0x1000, s9, s8, $0x38;
	[tilespmem:$0x18200] =	vst v63  }
0xc7: {  	_ =	swait.ge [sflag:s15], $0x1000  }
0xc8: {  	[sflag:s15] =	ssyncset.done $0x0  }
0xc9: {  	[sflag:s15] =	ssyncadd.s32 $0xFFFFF000  }
.LBB2_17:
0xca: {  	s0 =	simm.s32 $0xB  }
0xcb: {  	_ =	swait.ge [sflag:s0], $0x1000  }
0xcc: {  	[sflag:s0] =	ssyncset.done $0x0  }
0xcd: {  	[sflag:s0] =	ssyncadd.s32 $0xFFFFF000  }
.LBB2_18:
0xce: {  	s25 =	simm.s32 $0x2F70  }
0xcf: {  	v4 =	vld [tilespmem:s25+$0xFFFFFF90]  }
0xd0: {  	v5 =	vld [tilespmem:s25+$0xFFFFFFF0]  }
0xd1: {  	v8 =	vld [tilespmem:s25+$0xFFFFFFE0]  }
0xd2: {  	v6 =	vld [tilespmem:s25+$0xFFFFFFD0]  }
0xd3: {  	v3 =	vld [tilespmem:s25+$0xFFFFFFC0]  }
0xd4: {  	v2 =	vld [tilespmem:s25+$0xFFFFFFB0];
	v9 =	vperm.xlane v4, v1  }
0xd5: {  	s0 =	simm.s32 $0xA070;
	s18 =	simm.s32 $0x0;
	v4 =	vld [tilespmem:s25+$0xFFFFFFA0];
	v7 =	vperm.xlane v5, v1  }
0xd6: {  	s29 =	simm.s32 $0x2E70;
	s30 =	simm.s32 $0xA0F0;
	v5 =	vld [tilespmem:s25+$0x0];
	v8 =	vperm.xlane v8, v1;
	s25 =	simm.s32 $0x2FF0;
	[tilespmem:s0+$0x0] =	vst v9  }
.LBB2_19:
0xd7: {  	v9 =	vld [tilespmem:s29+$0xFFFFFF90];
	s18 =	sadd.s32 $0x8, s18;
	[tilespmem:s0+$0xFFFFFFA0] =	vst v7;
	v6 =	vperm.xlane v6, v1  }
0xd8: {  	v7 =	vld [tilespmem:s29+$0xFFFFFFF0];
	p2 =	slt.u32 s18, $0x78;
	[tilespmem:s0+$0xFFFFFFB0] =	vst v8;
	v3 =	vperm.xlane v3, v1  }
0xd9: {  	v8 =	vld [tilespmem:s29+$0xFFFFFFE0];
	[tilespmem:s0+$0xFFFFFFC0] =	vst v6;
	v2 =	vperm.xlane v2, v1  }
.Ltmp10:
0xda: {  	v6 =	vld [tilespmem:s29+$0xFFFFFFD0];
	[tilespmem:s0+$0xFFFFFFD0] =	vst v3;
	v4 =	vperm.xlane v4, v1;
	(pc) =	sbr.rel @p2 .LBB2_19-.Ltmp10, $4  }
0xdb: {  	v3 =	vld [tilespmem:s29+$0xFFFFFFC0];
	v5 =	vperm.xlane v5, v1;
	[tilespmem:s0+$0xFFFFFFE0] =	vst v2  }
0xdc: {  	v2 =	vld [tilespmem:s29+$0xFFFFFFB0];
	v9 =	vperm.xlane v9, v1;
	[tilespmem:s0+$0xFFFFFFF0] =	vst v4  }
0xdd: {  	v7 =	vperm.xlane v7, v1;
	v4 =	vld [tilespmem:s29+$0xFFFFFFA0];
	[tilespmem:s0+$0xFFFFFF90] =	vst v5;
	s0 =	sadd.s32 $0x100, s0  }
0xde: {  	v5 =	vld [tilespmem:s29+$0x0];
	v8 =	vperm.xlane v8, v1;
	[tilespmem:s0+$0x0] =	vst v9;
	s29 =	sadd.s32 $0xFFFFFF00, s29  }
0xdf: {  	[tilespmem:s0+$0xFFFFFFA0] =	vst v7;
	v6 =	vperm.xlane v6, v1;
	v7 =	vld [tilespmem:s25+$0xFFFFFF90]  }
0xe0: {  	[tilespmem:s0+$0xFFFFFFB0] =	vst v8;
	v3 =	vperm.xlane v3, v1;
	v8 =	vld [tilespmem:s25+$0xFFFFFFF0]  }
0xe1: {  	[tilespmem:s0+$0xFFFFFFC0] =	vst v6;
	v6 =	vperm.xlane v2, v1;
	v9 =	vld [tilespmem:s25+$0xFFFFFFE0]  }
0xe2: {  	[tilespmem:s0+$0xFFFFFFD0] =	vst v3;
	v4 =	vperm.xlane v4, v1;
	v2 =	vld [tilespmem:s25+$0xFFFFFFD0]  }
0xe3: {  	v5 =	vperm.xlane v5, v1;
	[tilespmem:s0+$0xFFFFFFE0] =	vst v6;
	v3 =	vld [tilespmem:s25+$0xFFFFFFC0]  }
0xe4: {  	[tilespmem:s0+$0xFFFFFFF0] =	vst v4;
	v4 =	vld [tilespmem:s25+$0xFFFFFFB0];
	v10 =	vperm.xlane v7, v1  }
0xe5: {  	[tilespmem:s0+$0xFFFFFF90] =	vst v5;
	v5 =	vld [tilespmem:s25+$0xFFFFFFA0];
	v7 =	vperm.xlane v8, v1  }
0xe6: {  	s18 =	simm.s32 $0x2EF0;
	s0 =	simm.s32 $0x0;
	v6 =	vld [tilespmem:s25+$0x0];
	v8 =	vperm.xlane v9, v1;
	[tilespmem:s30+$0x0] =	vst v10  }
.LBB2_21:
0xe7: {  	v9 =	vld [tilespmem:s18+$0xFFFFFF90];
	s0 =	sadd.s32 $0x8, s0;
	[tilespmem:s30+$0xFFFFFFA0] =	vst v7;
	v2 =	vperm.xlane v2, v1  }
0xe8: {  	v7 =	vld [tilespmem:s18+$0xFFFFFFF0];
	p2 =	slt.u32 s0, $0x78;
	[tilespmem:s30+$0xFFFFFFB0] =	vst v8;
	v3 =	vperm.xlane v3, v1  }
0xe9: {  	v8 =	vld [tilespmem:s18+$0xFFFFFFE0];
	[tilespmem:s30+$0xFFFFFFC0] =	vst v2;
	v4 =	vperm.xlane v4, v1  }
.Ltmp11:
0xea: {  	v2 =	vld [tilespmem:s18+$0xFFFFFFD0];
	[tilespmem:s30+$0xFFFFFFD0] =	vst v3;
	v5 =	vperm.xlane v5, v1;
	(pc) =	sbr.rel @p2 .LBB2_21-.Ltmp11, $4  }
0xeb: {  	v3 =	vld [tilespmem:s18+$0xFFFFFFC0];
	v6 =	vperm.xlane v6, v1;
	[tilespmem:s30+$0xFFFFFFE0] =	vst v4  }
0xec: {  	v4 =	vld [tilespmem:s18+$0xFFFFFFB0];
	v9 =	vperm.xlane v9, v1;
	[tilespmem:s30+$0xFFFFFFF0] =	vst v5  }
0xed: {  	v7 =	vperm.xlane v7, v1;
	v5 =	vld [tilespmem:s18+$0xFFFFFFA0];
	[tilespmem:s30+$0xFFFFFF90] =	vst v6;
	s30 =	sadd.s32 $0x100, s30  }
0xee: {  	v6 =	vld [tilespmem:s18+$0x0];
	v8 =	vperm.xlane v8, v1;
	[tilespmem:s30+$0x0] =	vst v9;
	s18 =	sadd.s32 $0xFFFFFF00, s18  }
0xef: {  	[tilespmem:s30+$0xFFFFFFA0] =	vst v7;
	v2 =	vperm.xlane v2, v1  }
0xf0: {  	[tilespmem:s30+$0xFFFFFFB0] =	vst v8;
	v3 =	vperm.xlane v3, v1  }
0xf1: {  	[tilespmem:s30+$0xFFFFFFC0] =	vst v2;
	v2 =	vperm.xlane v4, v1  }
0xf2: {  	[tilespmem:s30+$0xFFFFFFD0] =	vst v3;
	v3 =	vperm.xlane v5, v1  }
0xf3: {  	v63 =	vperm.xlane v6, v1;
	[tilespmem:s30+$0xFFFFFFE0] =	vst v2  }
.Ltmp12:
0xf4: {  	[tilespmem:s30+$0xFFFFFFF0] =	vst v3;
	(pc) =	sbr.rel @p1 .LBB2_24-.Ltmp12, $4  }
0xf5: {  	[tilespmem:s30+$0xFFFFFF90] =	vst v63  }
0xf6: {  	s0 =	rddreg [dreg:$0x12]  }
0xf7: {  	s18 =	simm.s32 $0xA000;
	s0 =	sadd.s32 s22, s0  }
0xf8: {  	[hbm4b:s0+s8] =	stream.strided.scatter [tilespmem:s18], [sflag:$0xB], $0x1000, s9, s8, $0x38;
	[tilespmem:$0x18200] =	vst v63  }
.Ltmp13:
0xf9: {  	(pc) =	sbr.rel .LBB2_25-.Ltmp13, $4  }
0xfa: {  	_ = 	snop  }
0xfb: {  	_ =	swait.ge [sflag:s26], $0x1000  }
0xfc: {  	[sflag:s26] =	ssyncset.done $0x0  }
0xfd: {  	[sflag:s26] =	ssyncadd.s32 $0xFFFFF000  }
.LBB2_24:
0xfe: {  	s0 =	rddreg [dreg:$0x13]  }
.Ltmp14:
0xff: {  	s18 =	simm.s32 $0x2000;
	s0 =	sadd.s32 s19, s0;
	(pc) =	sbr.rel @p0 .LBB2_26-.Ltmp14, $4  }
0x100: {  	[tilespmem:s18], [sflag:$0x3] =	stream.strided.gather [hbm4b:s0+s8], $0x1000, s9, s8, $0x38;
	[tilespmem:$0x18200] =	vst v63  }
0x101: {  	_ =	swait.ge [sflag:s26], $0x1000  }
0x102: {  	[sflag:s26] =	ssyncset.done $0x0  }
0x103: {  	[sflag:s26] =	ssyncadd.s32 $0xFFFFF000  }
.LBB2_25:
0x104: {  	s0 =	simm.s32 $0xC  }
0x105: {  	_ =	swait.ge [sflag:s0], $0x200  }
0x106: {  	[sflag:s0] =	ssyncset.done $0x0  }
0x107: {  	[sflag:s0] =	ssyncadd.s32 $0xFFFFFE00  }
.LBB2_26:
0x108: {  	s25 =	simm.s32 $0x3F70  }
0x109: {  	v4 =	vld [tilespmem:s25+$0xFFFFFF90]  }
0x10a: {  	v5 =	vld [tilespmem:s25+$0xFFFFFFF0]  }
0x10b: {  	v8 =	vld [tilespmem:s25+$0xFFFFFFE0]  }
0x10c: {  	v6 =	vld [tilespmem:s25+$0xFFFFFFD0]  }
0x10d: {  	v3 =	vld [tilespmem:s25+$0xFFFFFFC0]  }
0x10e: {  	v2 =	vld [tilespmem:s25+$0xFFFFFFB0];
	v9 =	vperm.xlane v4, v1  }
0x10f: {  	s0 =	simm.s32 $0xB070;
	s18 =	simm.s32 $0x0;
	v4 =	vld [tilespmem:s25+$0xFFFFFFA0];
	v7 =	vperm.xlane v5, v1  }
0x110: {  	s29 =	simm.s32 $0x3E70;
	s30 =	simm.s32 $0xB0F0;
	v5 =	vld [tilespmem:s25+$0x0];
	v8 =	vperm.xlane v8, v1;
	s25 =	simm.s32 $0x3FF0;
	[tilespmem:s0+$0x0] =	vst v9  }
.LBB2_27:
0x111: {  	v9 =	vld [tilespmem:s29+$0xFFFFFF90];
	s18 =	sadd.s32 $0x8, s18;
	[tilespmem:s0+$0xFFFFFFA0] =	vst v7;
	v6 =	vperm.xlane v6, v1  }
0x112: {  	v7 =	vld [tilespmem:s29+$0xFFFFFFF0];
	p2 =	slt.u32 s18, $0x78;
	[tilespmem:s0+$0xFFFFFFB0] =	vst v8;
	v3 =	vperm.xlane v3, v1  }
0x113: {  	v8 =	vld [tilespmem:s29+$0xFFFFFFE0];
	[tilespmem:s0+$0xFFFFFFC0] =	vst v6;
	v2 =	vperm.xlane v2, v1  }
.Ltmp15:
0x114: {  	v6 =	vld [tilespmem:s29+$0xFFFFFFD0];
	[tilespmem:s0+$0xFFFFFFD0] =	vst v3;
	v4 =	vperm.xlane v4, v1;
	(pc) =	sbr.rel @p2 .LBB2_27-.Ltmp15, $4  }
0x115: {  	v3 =	vld [tilespmem:s29+$0xFFFFFFC0];
	v5 =	vperm.xlane v5, v1;
	[tilespmem:s0+$0xFFFFFFE0] =	vst v2  }
0x116: {  	v2 =	vld [tilespmem:s29+$0xFFFFFFB0];
	v9 =	vperm.xlane v9, v1;
	[tilespmem:s0+$0xFFFFFFF0] =	vst v4  }
0x117: {  	v7 =	vperm.xlane v7, v1;
	v4 =	vld [tilespmem:s29+$0xFFFFFFA0];
	[tilespmem:s0+$0xFFFFFF90] =	vst v5;
	s0 =	sadd.s32 $0x100, s0  }
0x118: {  	v5 =	vld [tilespmem:s29+$0x0];
	v8 =	vperm.xlane v8, v1;
	[tilespmem:s0+$0x0] =	vst v9;
	s29 =	sadd.s32 $0xFFFFFF00, s29  }
0x119: {  	[tilespmem:s0+$0xFFFFFFA0] =	vst v7;
	v6 =	vperm.xlane v6, v1;
	v7 =	vld [tilespmem:s25+$0xFFFFFF90]  }
0x11a: {  	[tilespmem:s0+$0xFFFFFFB0] =	vst v8;
	v3 =	vperm.xlane v3, v1;
	v8 =	vld [tilespmem:s25+$0xFFFFFFF0]  }
0x11b: {  	[tilespmem:s0+$0xFFFFFFC0] =	vst v6;
	v6 =	vperm.xlane v2, v1;
	v9 =	vld [tilespmem:s25+$0xFFFFFFE0]  }
0x11c: {  	[tilespmem:s0+$0xFFFFFFD0] =	vst v3;
	v4 =	vperm.xlane v4, v1;
	v2 =	vld [tilespmem:s25+$0xFFFFFFD0]  }
0x11d: {  	v5 =	vperm.xlane v5, v1;
	[tilespmem:s0+$0xFFFFFFE0] =	vst v6;
	v3 =	vld [tilespmem:s25+$0xFFFFFFC0]  }
0x11e: {  	[tilespmem:s0+$0xFFFFFFF0] =	vst v4;
	v4 =	vld [tilespmem:s25+$0xFFFFFFB0];
	v10 =	vperm.xlane v7, v1  }
0x11f: {  	[tilespmem:s0+$0xFFFFFF90] =	vst v5;
	v5 =	vld [tilespmem:s25+$0xFFFFFFA0];
	v7 =	vperm.xlane v8, v1  }
0x120: {  	s18 =	simm.s32 $0x3EF0;
	s0 =	simm.s32 $0x0;
	v6 =	vld [tilespmem:s25+$0x0];
	v8 =	vperm.xlane v9, v1;
	[tilespmem:s30+$0x0] =	vst v10  }
.LBB2_29:
0x121: {  	v9 =	vld [tilespmem:s18+$0xFFFFFF90];
	s0 =	sadd.s32 $0x8, s0;
	[tilespmem:s30+$0xFFFFFFA0] =	vst v7;
	v2 =	vperm.xlane v2, v1  }
0x122: {  	v7 =	vld [tilespmem:s18+$0xFFFFFFF0];
	p2 =	slt.u32 s0, $0x78;
	[tilespmem:s30+$0xFFFFFFB0] =	vst v8;
	v3 =	vperm.xlane v3, v1  }
0x123: {  	v8 =	vld [tilespmem:s18+$0xFFFFFFE0];
	[tilespmem:s30+$0xFFFFFFC0] =	vst v2;
	v4 =	vperm.xlane v4, v1  }
.Ltmp16:
0x124: {  	v2 =	vld [tilespmem:s18+$0xFFFFFFD0];
	[tilespmem:s30+$0xFFFFFFD0] =	vst v3;
	v5 =	vperm.xlane v5, v1;
	(pc) =	sbr.rel @p2 .LBB2_29-.Ltmp16, $4  }
0x125: {  	v3 =	vld [tilespmem:s18+$0xFFFFFFC0];
	v6 =	vperm.xlane v6, v1;
	[tilespmem:s30+$0xFFFFFFE0] =	vst v4  }
0x126: {  	v4 =	vld [tilespmem:s18+$0xFFFFFFB0];
	v9 =	vperm.xlane v9, v1;
	[tilespmem:s30+$0xFFFFFFF0] =	vst v5  }
0x127: {  	v7 =	vperm.xlane v7, v1;
	v5 =	vld [tilespmem:s18+$0xFFFFFFA0];
	[tilespmem:s30+$0xFFFFFF90] =	vst v6;
	s30 =	sadd.s32 $0x100, s30  }
0x128: {  	v6 =	vld [tilespmem:s18+$0x0];
	v8 =	vperm.xlane v8, v1;
	[tilespmem:s30+$0x0] =	vst v9;
	s18 =	sadd.s32 $0xFFFFFF00, s18  }
0x129: {  	[tilespmem:s30+$0xFFFFFFA0] =	vst v7;
	v2 =	vperm.xlane v2, v1  }
0x12a: {  	[tilespmem:s30+$0xFFFFFFB0] =	vst v8;
	v3 =	vperm.xlane v3, v1  }
0x12b: {  	[tilespmem:s30+$0xFFFFFFC0] =	vst v2;
	v2 =	vperm.xlane v4, v1  }
0x12c: {  	[tilespmem:s30+$0xFFFFFFD0] =	vst v3;
	v3 =	vperm.xlane v5, v1  }
0x12d: {  	v63 =	vperm.xlane v6, v1;
	[tilespmem:s30+$0xFFFFFFE0] =	vst v2  }
0x12e: {  	[tilespmem:s30+$0xFFFFFFF0] =	vst v3  }
0x12f: {  	s0 =	simm.s32 $0xB000;
	[tilespmem:s30+$0xFFFFFF90] =	vst v63  }
0x130: {  	[spmem:s21] =	stream.linear.scatter [tilespmem:s0], [sflag:$0x12], $0x1000, $0x38;
	[tilespmem:$0x18200] =	vst v63  }
.Ltmp17:
0x131: {  	_ = 	snop;
	(pc) =	sbr.rel @p1 .LBB2_32-.Ltmp17, $4  }
0x132: {  	_ =	swait.ge [sflag:s4], $0x1000  }
0x133: {  	s18 =	sor.u32 $0x1C0C, s28;
	[sflag:s4] =	ssyncset.done $0x0;
	s30 =	rddreg [dreg:$0x14]  }
0x134: {  	s25 =	sshrl.u32 s21, $0x3;
	[sflag:s4] =	ssyncadd.s32 $0xFFFFF000;
	s0 =	sadd.s32 s22, s30  }
0x135: {  	[hbm:s0@s1], [sflag:s18] =	dma.strided [spmem:s25@s3], $0x200, s13, $0x10   }
.Ltmp18:
0x136: {  	(pc) =	sbr.rel .LBB2_33-.Ltmp18, $4  }
0x137: {  	_ = 	snop  }
0x138: {  	_ =	swait.ge [sflag:s6], $0x1000  }
0x139: {  	[sflag:s6] =	ssyncset.done $0x0  }
0x13a: {  	[sflag:s6] =	ssyncadd.s32 $0xFFFFF000  }
.LBB2_32:
0x13b: {  	s0 =	rddreg [dreg:$0x16]  }
.Ltmp19:
0x13c: {  	s18 =	simm.s32 $0x3000;
	s0 =	sadd.s32 s19, s0;
	(pc) =	sbr.rel @p0 .LBB2_34-.Ltmp19, $4  }
0x13d: {  	[tilespmem:s18], [sflag:$0x4] =	stream.strided.gather [hbm4b:s0+s8], $0x1000, s9, s8, $0x38;
	[tilespmem:$0x18200] =	vst v63  }
0x13e: {  	_ =	swait.ge [sflag:s6], $0x1000  }
0x13f: {  	[sflag:s6] =	ssyncset.done $0x0  }
0x140: {  	[sflag:s6] =	ssyncadd.s32 $0xFFFFF000  }
.LBB2_33:
0x141: {  	_ =	swait.ge [sflag:s10], $0x1000  }
0x142: {  	[sflag:s10] =	ssyncset.done $0x0  }
0x143: {  	[sflag:s10] =	ssyncadd.s32 $0xFFFFF000  }
.LBB2_34:
0x144: {  	s25 =	simm.s32 $0x4F70  }
0x145: {  	v4 =	vld [tilespmem:s25+$0xFFFFFF90]  }
0x146: {  	v5 =	vld [tilespmem:s25+$0xFFFFFFF0]  }
0x147: {  	v8 =	vld [tilespmem:s25+$0xFFFFFFE0]  }
0x148: {  	v6 =	vld [tilespmem:s25+$0xFFFFFFD0]  }
0x149: {  	v3 =	vld [tilespmem:s25+$0xFFFFFFC0]  }
0x14a: {  	v2 =	vld [tilespmem:s25+$0xFFFFFFB0];
	v9 =	vperm.xlane v4, v1  }
0x14b: {  	s0 =	simm.s32 $0xC000;
	s18 =	simm.s32 $0x0;
	v4 =	vld [tilespmem:s25+$0xFFFFFFA0];
	v7 =	vperm.xlane v5, v1  }
0x14c: {  	s29 =	simm.s32 $0x4E70;
	s30 =	simm.s32 $0xC0F0;
	v5 =	vld [tilespmem:s25+$0x0];
	v8 =	vperm.xlane v8, v1;
	s25 =	simm.s32 $0x4F80;
	[tilespmem:s0+$0x70] =	vst v9  }
.LBB2_35:
0x14d: {  	v9 =	vld [tilespmem:s29+$0xFFFFFF90];
	s18 =	sadd.s32 $0x8, s18;
	[tilespmem:s0+$0x10] =	vst v7;
	v6 =	vperm.xlane v6, v1  }
0x14e: {  	v7 =	vld [tilespmem:s29+$0xFFFFFFF0];
	p2 =	slt.u32 s18, $0x78;
	[tilespmem:s0+$0x20] =	vst v8;
	v3 =	vperm.xlane v3, v1  }
0x14f: {  	v8 =	vld [tilespmem:s29+$0xFFFFFFE0];
	[tilespmem:s0+$0x30] =	vst v6;
	v2 =	vperm.xlane v2, v1  }
.Ltmp20:
0x150: {  	v6 =	vld [tilespmem:s29+$0xFFFFFFD0];
	[tilespmem:s0+$0x40] =	vst v3;
	v4 =	vperm.xlane v4, v1;
	(pc) =	sbr.rel @p2 .LBB2_35-.Ltmp20, $4  }
0x151: {  	v3 =	vld [tilespmem:s29+$0xFFFFFFC0];
	v5 =	vperm.xlane v5, v1;
	[tilespmem:s0+$0x50] =	vst v2  }
0x152: {  	v2 =	vld [tilespmem:s29+$0xFFFFFFB0];
	v9 =	vperm.xlane v9, v1;
	[tilespmem:s0+$0x60] =	vst v4  }
0x153: {  	v7 =	vperm.xlane v7, v1;
	v4 =	vld [tilespmem:s29+$0xFFFFFFA0];
	[tilespmem:s0+$0x0] =	vst v5;
	s0 =	sadd.s32 $0x100, s0  }
0x154: {  	v5 =	vld [tilespmem:s29+$0x0];
	v8 =	vperm.xlane v8, v1;
	[tilespmem:s0+$0x70] =	vst v9;
	s29 =	sadd.s32 $0xFFFFFF00, s29  }
0x155: {  	[tilespmem:s0+$0x10] =	vst v7;
	v6 =	vperm.xlane v6, v1;
	v7 =	vld [tilespmem:s25+$0x0]  }
0x156: {  	[tilespmem:s0+$0x20] =	vst v8;
	v3 =	vperm.xlane v3, v1;
	v8 =	vld [tilespmem:s25+$0x60]  }
0x157: {  	[tilespmem:s0+$0x30] =	vst v6;
	v6 =	vperm.xlane v2, v1;
	v9 =	vld [tilespmem:s25+$0x50]  }
0x158: {  	[tilespmem:s0+$0x40] =	vst v3;
	v4 =	vperm.xlane v4, v1;
	v2 =	vld [tilespmem:s25+$0x40]  }
0x159: {  	v5 =	vperm.xlane v5, v1;
	[tilespmem:s0+$0x50] =	vst v6;
	v3 =	vld [tilespmem:s25+$0x30]  }
0x15a: {  	[tilespmem:s0+$0x60] =	vst v4;
	v4 =	vld [tilespmem:s25+$0x20];
	v10 =	vperm.xlane v7, v1  }
0x15b: {  	[tilespmem:s0+$0x0] =	vst v5;
	v5 =	vld [tilespmem:s25+$0x10];
	v7 =	vperm.xlane v8, v1  }
0x15c: {  	s18 =	simm.s32 $0x4E80;
	s0 =	simm.s32 $0x0;
	v6 =	vld [tilespmem:s25+$0x70];
	v8 =	vperm.xlane v9, v1;
	[tilespmem:s30+$0x0] =	vst v10  }
.LBB2_37:
0x15d: {  	v9 =	vld [tilespmem:s18+$0x0];
	s0 =	sadd.s32 $0x8, s0;
	[tilespmem:s30+$0xFFFFFFA0] =	vst v7;
	v2 =	vperm.xlane v2, v1  }
0x15e: {  	v7 =	vld [tilespmem:s18+$0x60];
	p2 =	slt.u32 s0, $0x78;
	[tilespmem:s30+$0xFFFFFFB0] =	vst v8;
	v3 =	vperm.xlane v3, v1  }
0x15f: {  	v8 =	vld [tilespmem:s18+$0x50];
	[tilespmem:s30+$0xFFFFFFC0] =	vst v2;
	v4 =	vperm.xlane v4, v1  }
.Ltmp21:
0x160: {  	v2 =	vld [tilespmem:s18+$0x40];
	[tilespmem:s30+$0xFFFFFFD0] =	vst v3;
	v5 =	vperm.xlane v5, v1;
	(pc) =	sbr.rel @p2 .LBB2_37-.Ltmp21, $4  }
0x161: {  	v3 =	vld [tilespmem:s18+$0x30];
	v6 =	vperm.xlane v6, v1;
	[tilespmem:s30+$0xFFFFFFE0] =	vst v4  }
0x162: {  	v4 =	vld [tilespmem:s18+$0x20];
	v9 =	vperm.xlane v9, v1;
	[tilespmem:s30+$0xFFFFFFF0] =	vst v5  }
0x163: {  	v7 =	vperm.xlane v7, v1;
	v5 =	vld [tilespmem:s18+$0x10];
	[tilespmem:s30+$0xFFFFFF90] =	vst v6;
	s30 =	sadd.s32 $0x100, s30  }
0x164: {  	v6 =	vld [tilespmem:s18+$0x70];
	v8 =	vperm.xlane v8, v1;
	[tilespmem:s30+$0x0] =	vst v9;
	s18 =	sadd.s32 $0xFFFFFF00, s18  }
0x165: {  	[tilespmem:s30+$0xFFFFFFA0] =	vst v7;
	v2 =	vperm.xlane v2, v1  }
0x166: {  	[tilespmem:s30+$0xFFFFFFB0] =	vst v8;
	v3 =	vperm.xlane v3, v1  }
0x167: {  	[tilespmem:s30+$0xFFFFFFC0] =	vst v2;
	v2 =	vperm.xlane v4, v1  }
0x168: {  	[tilespmem:s30+$0xFFFFFFD0] =	vst v3;
	v3 =	vperm.xlane v5, v1  }
0x169: {  	v63 =	vperm.xlane v6, v1;
	[tilespmem:s30+$0xFFFFFFE0] =	vst v2  }
.Ltmp22:
0x16a: {  	[tilespmem:s30+$0xFFFFFFF0] =	vst v3;
	(pc) =	sbr.rel @p1 .LBB2_40-.Ltmp22, $4  }
0x16b: {  	[tilespmem:s30+$0xFFFFFF90] =	vst v63  }
0x16c: {  	s0 =	rddreg [dreg:$0x17]  }
0x16d: {  	s18 =	simm.s32 $0xC000;
	s0 =	sadd.s32 s22, s0  }
0x16e: {  	[hbm4b:s0+s8] =	stream.strided.scatter [tilespmem:s18], [sflag:$0xD], $0x1000, s9, s8, $0x38;
	[tilespmem:$0x18200] =	vst v63  }
.Ltmp23:
0x16f: {  	(pc) =	sbr.rel .LBB2_41-.Ltmp23, $4  }
0x170: {  	_ = 	snop  }
0x171: {  	_ =	swait.ge [sflag:s7], $0x1000  }
0x172: {  	[sflag:s7] =	ssyncset.done $0x0  }
0x173: {  	[sflag:s7] =	ssyncadd.s32 $0xFFFFF000  }
.LBB2_40:
0x174: {  	s0 =	rddreg [dreg:$0x18]  }
.Ltmp24:
0x175: {  	s18 =	simm.s32 $0x4000;
	s0 =	sadd.s32 s19, s0;
	(pc) =	sbr.rel @p0 .LBB2_42-.Ltmp24, $4  }
0x176: {  	[tilespmem:s18], [sflag:$0x5] =	stream.strided.gather [hbm4b:s0+s8], $0x1000, s9, s8, $0x38;
	[tilespmem:$0x18200] =	vst v63  }
0x177: {  	_ =	swait.ge [sflag:s7], $0x1000  }
0x178: {  	[sflag:s7] =	ssyncset.done $0x0  }
0x179: {  	[sflag:s7] =	ssyncadd.s32 $0xFFFFF000  }
.LBB2_41:
0x17a: {  	_ =	swait.ge [sflag:s20], $0x200  }
0x17b: {  	[sflag:s20] =	ssyncset.done $0x0  }
0x17c: {  	[sflag:s20] =	ssyncadd.s32 $0xFFFFFE00  }
.LBB2_42:
0x17d: {  	s25 =	simm.s32 $0x5F70  }
0x17e: {  	v4 =	vld [tilespmem:s25+$0xFFFFFF90]  }
0x17f: {  	v5 =	vld [tilespmem:s25+$0xFFFFFFF0]  }
0x180: {  	v8 =	vld [tilespmem:s25+$0xFFFFFFE0]  }
0x181: {  	v6 =	vld [tilespmem:s25+$0xFFFFFFD0]  }
0x182: {  	v3 =	vld [tilespmem:s25+$0xFFFFFFC0]  }
0x183: {  	v2 =	vld [tilespmem:s25+$0xFFFFFFB0];
	v9 =	vperm.xlane v4, v1  }
0x184: {  	s0 =	simm.s32 $0xD000;
	s18 =	simm.s32 $0x0;
	v4 =	vld [tilespmem:s25+$0xFFFFFFA0];
	v7 =	vperm.xlane v5, v1  }
0x185: {  	s29 =	simm.s32 $0x5E70;
	s30 =	simm.s32 $0xD0F0;
	v5 =	vld [tilespmem:s25+$0x0];
	v8 =	vperm.xlane v8, v1;
	s25 =	simm.s32 $0x5F80;
	[tilespmem:s0+$0x70] =	vst v9  }
.LBB2_43:
0x186: {  	v9 =	vld [tilespmem:s29+$0xFFFFFF90];
	s18 =	sadd.s32 $0x8, s18;
	[tilespmem:s0+$0x10] =	vst v7;
	v6 =	vperm.xlane v6, v1  }
0x187: {  	v7 =	vld [tilespmem:s29+$0xFFFFFFF0];
	p2 =	slt.u32 s18, $0x78;
	[tilespmem:s0+$0x20] =	vst v8;
	v3 =	vperm.xlane v3, v1  }
0x188: {  	v8 =	vld [tilespmem:s29+$0xFFFFFFE0];
	[tilespmem:s0+$0x30] =	vst v6;
	v2 =	vperm.xlane v2, v1  }
.Ltmp25:
0x189: {  	v6 =	vld [tilespmem:s29+$0xFFFFFFD0];
	[tilespmem:s0+$0x40] =	vst v3;
	v4 =	vperm.xlane v4, v1;
	(pc) =	sbr.rel @p2 .LBB2_43-.Ltmp25, $4  }
0x18a: {  	v3 =	vld [tilespmem:s29+$0xFFFFFFC0];
	v5 =	vperm.xlane v5, v1;
	[tilespmem:s0+$0x50] =	vst v2  }
0x18b: {  	v2 =	vld [tilespmem:s29+$0xFFFFFFB0];
	v9 =	vperm.xlane v9, v1;
	[tilespmem:s0+$0x60] =	vst v4  }
0x18c: {  	v7 =	vperm.xlane v7, v1;
	v4 =	vld [tilespmem:s29+$0xFFFFFFA0];
	[tilespmem:s0+$0x0] =	vst v5;
	s0 =	sadd.s32 $0x100, s0  }
0x18d: {  	v5 =	vld [tilespmem:s29+$0x0];
	v8 =	vperm.xlane v8, v1;
	[tilespmem:s0+$0x70] =	vst v9;
	s29 =	sadd.s32 $0xFFFFFF00, s29  }
0x18e: {  	[tilespmem:s0+$0x10] =	vst v7;
	v6 =	vperm.xlane v6, v1;
	v7 =	vld [tilespmem:s25+$0x0]  }
0x18f: {  	[tilespmem:s0+$0x20] =	vst v8;
	v3 =	vperm.xlane v3, v1;
	v8 =	vld [tilespmem:s25+$0x60]  }
0x190: {  	[tilespmem:s0+$0x30] =	vst v6;
	v6 =	vperm.xlane v2, v1;
	v9 =	vld [tilespmem:s25+$0x50]  }
0x191: {  	[tilespmem:s0+$0x40] =	vst v3;
	v4 =	vperm.xlane v4, v1;
	v2 =	vld [tilespmem:s25+$0x40]  }
0x192: {  	v5 =	vperm.xlane v5, v1;
	[tilespmem:s0+$0x50] =	vst v6;
	v3 =	vld [tilespmem:s25+$0x30]  }
0x193: {  	[tilespmem:s0+$0x60] =	vst v4;
	v4 =	vld [tilespmem:s25+$0x20];
	v10 =	vperm.xlane v7, v1  }
0x194: {  	[tilespmem:s0+$0x0] =	vst v5;
	v5 =	vld [tilespmem:s25+$0x10];
	v7 =	vperm.xlane v8, v1  }
0x195: {  	s18 =	simm.s32 $0x5E80;
	s0 =	simm.s32 $0x0;
	v6 =	vld [tilespmem:s25+$0x70];
	v8 =	vperm.xlane v9, v1;
	[tilespmem:s30+$0x0] =	vst v10  }
.LBB2_45:
0x196: {  	v9 =	vld [tilespmem:s18+$0x0];
	s0 =	sadd.s32 $0x8, s0;
	[tilespmem:s30+$0xFFFFFFA0] =	vst v7;
	v2 =	vperm.xlane v2, v1  }
0x197: {  	v7 =	vld [tilespmem:s18+$0x60];
	p2 =	slt.u32 s0, $0x78;
	[tilespmem:s30+$0xFFFFFFB0] =	vst v8;
	v3 =	vperm.xlane v3, v1  }
0x198: {  	v8 =	vld [tilespmem:s18+$0x50];
	[tilespmem:s30+$0xFFFFFFC0] =	vst v2;
	v4 =	vperm.xlane v4, v1  }
.Ltmp26:
0x199: {  	v2 =	vld [tilespmem:s18+$0x40];
	[tilespmem:s30+$0xFFFFFFD0] =	vst v3;
	v5 =	vperm.xlane v5, v1;
	(pc) =	sbr.rel @p2 .LBB2_45-.Ltmp26, $4  }
0x19a: {  	v3 =	vld [tilespmem:s18+$0x30];
	v6 =	vperm.xlane v6, v1;
	[tilespmem:s30+$0xFFFFFFE0] =	vst v4  }
0x19b: {  	v4 =	vld [tilespmem:s18+$0x20];
	v9 =	vperm.xlane v9, v1;
	[tilespmem:s30+$0xFFFFFFF0] =	vst v5  }
0x19c: {  	v7 =	vperm.xlane v7, v1;
	v5 =	vld [tilespmem:s18+$0x10];
	[tilespmem:s30+$0xFFFFFF90] =	vst v6;
	s30 =	sadd.s32 $0x100, s30  }
0x19d: {  	v6 =	vld [tilespmem:s18+$0x70];
	v8 =	vperm.xlane v8, v1;
	[tilespmem:s30+$0x0] =	vst v9;
	s18 =	sadd.s32 $0xFFFFFF00, s18  }
0x19e: {  	[tilespmem:s30+$0xFFFFFFA0] =	vst v7;
	v2 =	vperm.xlane v2, v1  }
0x19f: {  	[tilespmem:s30+$0xFFFFFFB0] =	vst v8;
	v3 =	vperm.xlane v3, v1  }
0x1a0: {  	[tilespmem:s30+$0xFFFFFFC0] =	vst v2;
	v2 =	vperm.xlane v4, v1  }
0x1a1: {  	[tilespmem:s30+$0xFFFFFFD0] =	vst v3;
	v3 =	vperm.xlane v5, v1  }
0x1a2: {  	v63 =	vperm.xlane v6, v1;
	[tilespmem:s30+$0xFFFFFFE0] =	vst v2  }
0x1a3: {  	[tilespmem:s30+$0xFFFFFFF0] =	vst v3  }
0x1a4: {  	s0 =	simm.s32 $0xD000;
	[tilespmem:s30+$0xFFFFFF90] =	vst v63  }
0x1a5: {  	[spmem:s23] =	stream.linear.scatter [tilespmem:s0], [sflag:$0x12], $0x1000, $0x38;
	[tilespmem:$0x18200] =	vst v63  }
.Ltmp27:
0x1a6: {  	_ = 	snop;
	(pc) =	sbr.rel @p1 .LBB2_48-.Ltmp27, $4  }
0x1a7: {  	_ =	swait.ge [sflag:s4], $0x1000  }
0x1a8: {  	s18 =	sor.u32 $0x1C0E, s28;
	[sflag:s4] =	ssyncset.done $0x0;
	s30 =	rddreg [dreg:$0x19]  }
0x1a9: {  	s25 =	sshrl.u32 s23, $0x3;
	[sflag:s4] =	ssyncadd.s32 $0xFFFFF000;
	s0 =	sadd.s32 s22, s30  }
0x1aa: {  	[hbm:s0@s1], [sflag:s18] =	dma.strided [spmem:s25@s3], $0x200, s13, $0x10   }
.Ltmp28:
0x1ab: {  	(pc) =	sbr.rel .LBB2_49-.Ltmp28, $4  }
0x1ac: {  	_ = 	snop  }
0x1ad: {  	_ =	swait.ge [sflag:s12], $0x1000  }
0x1ae: {  	[sflag:s12] =	ssyncset.done $0x0  }
0x1af: {  	[sflag:s12] =	ssyncadd.s32 $0xFFFFF000  }
.LBB2_48:
0x1b0: {  	s0 =	rddreg [dreg:$0x1a]  }
.Ltmp29:
0x1b1: {  	s18 =	simm.s32 $0x5000;
	s0 =	sadd.s32 s19, s0;
	(pc) =	sbr.rel @p0 .LBB2_50-.Ltmp29, $4  }
0x1b2: {  	[tilespmem:s18], [sflag:$0x6] =	stream.strided.gather [hbm4b:s0+s8], $0x1000, s9, s8, $0x38;
	[tilespmem:$0x18200] =	vst v63  }
0x1b3: {  	_ =	swait.ge [sflag:s12], $0x1000  }
0x1b4: {  	[sflag:s12] =	ssyncset.done $0x0  }
0x1b5: {  	[sflag:s12] =	ssyncadd.s32 $0xFFFFF000  }
.LBB2_49:
0x1b6: {  	_ =	swait.ge [sflag:s31], $0x1000  }
0x1b7: {  	[sflag:s31] =	ssyncset.done $0x0  }
0x1b8: {  	[sflag:s31] =	ssyncadd.s32 $0xFFFFF000  }
.LBB2_50:
0x1b9: {  	s25 =	simm.s32 $0x6F70  }
0x1ba: {  	v4 =	vld [tilespmem:s25+$0xFFFFFF90]  }
0x1bb: {  	v5 =	vld [tilespmem:s25+$0xFFFFFFF0]  }
0x1bc: {  	v8 =	vld [tilespmem:s25+$0xFFFFFFE0]  }
0x1bd: {  	v6 =	vld [tilespmem:s25+$0xFFFFFFD0]  }
0x1be: {  	v3 =	vld [tilespmem:s25+$0xFFFFFFC0]  }
0x1bf: {  	v2 =	vld [tilespmem:s25+$0xFFFFFFB0];
	v9 =	vperm.xlane v4, v1  }
0x1c0: {  	s0 =	simm.s32 $0xE000;
	s18 =	simm.s32 $0x0;
	v4 =	vld [tilespmem:s25+$0xFFFFFFA0];
	v7 =	vperm.xlane v5, v1  }
0x1c1: {  	s29 =	simm.s32 $0x6E70;
	s30 =	simm.s32 $0xE0F0;
	v5 =	vld [tilespmem:s25+$0x0];
	v8 =	vperm.xlane v8, v1;
	s25 =	simm.s32 $0x6F80;
	[tilespmem:s0+$0x70] =	vst v9  }
.LBB2_51:
0x1c2: {  	v9 =	vld [tilespmem:s29+$0xFFFFFF90];
	s18 =	sadd.s32 $0x8, s18;
	[tilespmem:s0+$0x10] =	vst v7;
	v6 =	vperm.xlane v6, v1  }
0x1c3: {  	v7 =	vld [tilespmem:s29+$0xFFFFFFF0];
	p2 =	slt.u32 s18, $0x78;
	[tilespmem:s0+$0x20] =	vst v8;
	v3 =	vperm.xlane v3, v1  }
0x1c4: {  	v8 =	vld [tilespmem:s29+$0xFFFFFFE0];
	[tilespmem:s0+$0x30] =	vst v6;
	v2 =	vperm.xlane v2, v1  }
.Ltmp30:
0x1c5: {  	v6 =	vld [tilespmem:s29+$0xFFFFFFD0];
	[tilespmem:s0+$0x40] =	vst v3;
	v4 =	vperm.xlane v4, v1;
	(pc) =	sbr.rel @p2 .LBB2_51-.Ltmp30, $4  }
0x1c6: {  	v3 =	vld [tilespmem:s29+$0xFFFFFFC0];
	v5 =	vperm.xlane v5, v1;
	[tilespmem:s0+$0x50] =	vst v2  }
0x1c7: {  	v2 =	vld [tilespmem:s29+$0xFFFFFFB0];
	v9 =	vperm.xlane v9, v1;
	[tilespmem:s0+$0x60] =	vst v4  }
0x1c8: {  	v7 =	vperm.xlane v7, v1;
	v4 =	vld [tilespmem:s29+$0xFFFFFFA0];
	[tilespmem:s0+$0x0] =	vst v5;
	s0 =	sadd.s32 $0x100, s0  }
0x1c9: {  	v5 =	vld [tilespmem:s29+$0x0];
	v8 =	vperm.xlane v8, v1;
	[tilespmem:s0+$0x70] =	vst v9;
	s29 =	sadd.s32 $0xFFFFFF00, s29  }
0x1ca: {  	[tilespmem:s0+$0x10] =	vst v7;
	v6 =	vperm.xlane v6, v1;
	v7 =	vld [tilespmem:s25+$0x0]  }
0x1cb: {  	[tilespmem:s0+$0x20] =	vst v8;
	v3 =	vperm.xlane v3, v1;
	v8 =	vld [tilespmem:s25+$0x60]  }
0x1cc: {  	[tilespmem:s0+$0x30] =	vst v6;
	v6 =	vperm.xlane v2, v1;
	v9 =	vld [tilespmem:s25+$0x50]  }
0x1cd: {  	[tilespmem:s0+$0x40] =	vst v3;
	v4 =	vperm.xlane v4, v1;
	v2 =	vld [tilespmem:s25+$0x40]  }
0x1ce: {  	v5 =	vperm.xlane v5, v1;
	[tilespmem:s0+$0x50] =	vst v6;
	v3 =	vld [tilespmem:s25+$0x30]  }
0x1cf: {  	[tilespmem:s0+$0x60] =	vst v4;
	v4 =	vld [tilespmem:s25+$0x20];
	v10 =	vperm.xlane v7, v1  }
0x1d0: {  	[tilespmem:s0+$0x0] =	vst v5;
	v5 =	vld [tilespmem:s25+$0x10];
	v7 =	vperm.xlane v8, v1  }
0x1d1: {  	s18 =	simm.s32 $0x6E80;
	s0 =	simm.s32 $0x0;
	v6 =	vld [tilespmem:s25+$0x70];
	v8 =	vperm.xlane v9, v1;
	[tilespmem:s30+$0x0] =	vst v10  }
.LBB2_53:
0x1d2: {  	v9 =	vld [tilespmem:s18+$0x0];
	s0 =	sadd.s32 $0x8, s0;
	[tilespmem:s30+$0xFFFFFFA0] =	vst v7;
	v2 =	vperm.xlane v2, v1  }
0x1d3: {  	v7 =	vld [tilespmem:s18+$0x60];
	p2 =	slt.u32 s0, $0x78;
	[tilespmem:s30+$0xFFFFFFB0] =	vst v8;
	v3 =	vperm.xlane v3, v1  }
0x1d4: {  	v8 =	vld [tilespmem:s18+$0x50];
	[tilespmem:s30+$0xFFFFFFC0] =	vst v2;
	v4 =	vperm.xlane v4, v1  }
.Ltmp31:
0x1d5: {  	v2 =	vld [tilespmem:s18+$0x40];
	[tilespmem:s30+$0xFFFFFFD0] =	vst v3;
	v5 =	vperm.xlane v5, v1;
	(pc) =	sbr.rel @p2 .LBB2_53-.Ltmp31, $4  }
0x1d6: {  	v3 =	vld [tilespmem:s18+$0x30];
	v6 =	vperm.xlane v6, v1;
	[tilespmem:s30+$0xFFFFFFE0] =	vst v4  }
0x1d7: {  	v4 =	vld [tilespmem:s18+$0x20];
	v9 =	vperm.xlane v9, v1;
	[tilespmem:s30+$0xFFFFFFF0] =	vst v5  }
0x1d8: {  	v7 =	vperm.xlane v7, v1;
	v5 =	vld [tilespmem:s18+$0x10];
	[tilespmem:s30+$0xFFFFFF90] =	vst v6;
	s30 =	sadd.s32 $0x100, s30  }
0x1d9: {  	v6 =	vld [tilespmem:s18+$0x70];
	v8 =	vperm.xlane v8, v1;
	[tilespmem:s30+$0x0] =	vst v9;
	s18 =	sadd.s32 $0xFFFFFF00, s18  }
0x1da: {  	[tilespmem:s30+$0xFFFFFFA0] =	vst v7;
	v2 =	vperm.xlane v2, v1  }
0x1db: {  	[tilespmem:s30+$0xFFFFFFB0] =	vst v8;
	v3 =	vperm.xlane v3, v1  }
0x1dc: {  	[tilespmem:s30+$0xFFFFFFC0] =	vst v2;
	v2 =	vperm.xlane v4, v1  }
0x1dd: {  	[tilespmem:s30+$0xFFFFFFD0] =	vst v3;
	v3 =	vperm.xlane v5, v1  }
0x1de: {  	v63 =	vperm.xlane v6, v1;
	[tilespmem:s30+$0xFFFFFFE0] =	vst v2  }
.Ltmp32:
0x1df: {  	[tilespmem:s30+$0xFFFFFFF0] =	vst v3;
	(pc) =	sbr.rel @p1 .LBB2_56-.Ltmp32, $4  }
0x1e0: {  	[tilespmem:s30+$0xFFFFFF90] =	vst v63  }
0x1e1: {  	s0 =	rddreg [dreg:$0x1b]  }
0x1e2: {  	s18 =	simm.s32 $0xE000;
	s29 =	rddreg [dreg:$0x1];
	s0 =	sadd.s32 s22, s0  }
0x1e3: {  	[hbm4b:s0+s8] =	stream.strided.scatter [tilespmem:s18], [sflag:$0xF], $0x1000, s9, s8, $0x38;
	[tilespmem:$0x18200] =	vst v63  }
.Ltmp33:
0x1e4: {  	(pc) =	sbr.rel .LBB2_57-.Ltmp33, $4  }
0x1e5: {  	_ = 	snop  }
0x1e6: {  	_ =	swait.ge [sflag:s2], $0x1000  }
0x1e7: {  	[sflag:s2] =	ssyncset.done $0x0  }
0x1e8: {  	[sflag:s2] =	ssyncadd.s32 $0xFFFFF000  }
.LBB2_56:
0x1e9: {  	s0 =	rddreg [dreg:$0x1c]  }
.Ltmp34:
0x1ea: {  	s18 =	simm.s32 $0x6000;
	s0 =	sadd.s32 s19, s0;
	(pc) =	sbr.rel @p0 .LBB2_58-.Ltmp34, $4  }
0x1eb: {  	[tilespmem:s18], [sflag:$0x7] =	stream.strided.gather [hbm4b:s0+s8], $0x1000, s9, s8, $0x38;
	[tilespmem:$0x18200] =	vst v63  }
0x1ec: {  	_ =	swait.ge [sflag:s2], $0x1000  }
0x1ed: {  	[sflag:s2] =	ssyncset.done $0x0  }
0x1ee: {  	[sflag:s2] =	ssyncadd.s32 $0xFFFFF000  }
.LBB2_57:
0x1ef: {  	_ =	swait.ge [sflag:s5], $0x200  }
0x1f0: {  	[sflag:s5] =	ssyncset.done $0x0  }
0x1f1: {  	[sflag:s5] =	ssyncadd.s32 $0xFFFFFE00  }
.LBB2_58:
0x1f2: {  	s19 =	simm.s32 $0x7F70  }
0x1f3: {  	v4 =	vld [tilespmem:s19+$0xFFFFFF90]  }
0x1f4: {  	v5 =	vld [tilespmem:s19+$0xFFFFFFF0]  }
0x1f5: {  	v8 =	vld [tilespmem:s19+$0xFFFFFFE0]  }
0x1f6: {  	v6 =	vld [tilespmem:s19+$0xFFFFFFD0]  }
0x1f7: {  	v3 =	vld [tilespmem:s19+$0xFFFFFFC0]  }
0x1f8: {  	v2 =	vld [tilespmem:s19+$0xFFFFFFB0];
	v9 =	vperm.xlane v4, v1  }
0x1f9: {  	s0 =	simm.s32 $0xF000;
	s18 =	simm.s32 $0x0;
	v4 =	vld [tilespmem:s19+$0xFFFFFFA0];
	v7 =	vperm.xlane v5, v1  }
0x1fa: {  	s25 =	simm.s32 $0x7E70;
	s22 =	simm.s32 $0x7F80;
	v5 =	vld [tilespmem:s19+$0x0];
	v8 =	vperm.xlane v8, v1;
	s19 =	simm.s32 $0xF0F0;
	[tilespmem:s0+$0x70] =	vst v9  }
.LBB2_59:
0x1fb: {  	v9 =	vld [tilespmem:s25+$0xFFFFFF90];
	s18 =	sadd.s32 $0x8, s18;
	[tilespmem:s0+$0x10] =	vst v7;
	v6 =	vperm.xlane v6, v1  }
0x1fc: {  	v7 =	vld [tilespmem:s25+$0xFFFFFFF0];
	p0 =	slt.u32 s18, $0x78;
	[tilespmem:s0+$0x20] =	vst v8;
	v3 =	vperm.xlane v3, v1  }
0x1fd: {  	v8 =	vld [tilespmem:s25+$0xFFFFFFE0];
	[tilespmem:s0+$0x30] =	vst v6;
	v2 =	vperm.xlane v2, v1  }
.Ltmp35:
0x1fe: {  	v6 =	vld [tilespmem:s25+$0xFFFFFFD0];
	[tilespmem:s0+$0x40] =	vst v3;
	v4 =	vperm.xlane v4, v1;
	(pc) =	sbr.rel @p0 .LBB2_59-.Ltmp35, $4  }
0x1ff: {  	v3 =	vld [tilespmem:s25+$0xFFFFFFC0];
	v5 =	vperm.xlane v5, v1;
	[tilespmem:s0+$0x50] =	vst v2  }
0x200: {  	v2 =	vld [tilespmem:s25+$0xFFFFFFB0];
	v9 =	vperm.xlane v9, v1;
	[tilespmem:s0+$0x60] =	vst v4  }
0x201: {  	v7 =	vperm.xlane v7, v1;
	v4 =	vld [tilespmem:s25+$0xFFFFFFA0];
	[tilespmem:s0+$0x0] =	vst v5;
	s0 =	sadd.s32 $0x100, s0  }
0x202: {  	v5 =	vld [tilespmem:s25+$0x0];
	v8 =	vperm.xlane v8, v1;
	[tilespmem:s0+$0x70] =	vst v9;
	s25 =	sadd.s32 $0xFFFFFF00, s25  }
0x203: {  	[tilespmem:s0+$0x10] =	vst v7;
	v6 =	vperm.xlane v6, v1;
	v7 =	vld [tilespmem:s22+$0x0]  }
0x204: {  	[tilespmem:s0+$0x20] =	vst v8;
	v3 =	vperm.xlane v3, v1;
	v8 =	vld [tilespmem:s22+$0x60]  }
0x205: {  	[tilespmem:s0+$0x30] =	vst v6;
	v6 =	vperm.xlane v2, v1;
	v9 =	vld [tilespmem:s22+$0x50]  }
0x206: {  	[tilespmem:s0+$0x40] =	vst v3;
	v4 =	vperm.xlane v4, v1;
	v2 =	vld [tilespmem:s22+$0x40]  }
0x207: {  	v5 =	vperm.xlane v5, v1;
	[tilespmem:s0+$0x50] =	vst v6;
	v3 =	vld [tilespmem:s22+$0x30]  }
0x208: {  	[tilespmem:s0+$0x60] =	vst v4;
	v4 =	vld [tilespmem:s22+$0x20];
	v10 =	vperm.xlane v7, v1  }
0x209: {  	[tilespmem:s0+$0x0] =	vst v5;
	v5 =	vld [tilespmem:s22+$0x10];
	v7 =	vperm.xlane v8, v1  }
0x20a: {  	s18 =	simm.s32 $0x7E80;
	s0 =	simm.s32 $0x0;
	v6 =	vld [tilespmem:s22+$0x70];
	v8 =	vperm.xlane v9, v1;
	[tilespmem:s19+$0x0] =	vst v10  }
.LBB2_61:
0x20b: {  	v9 =	vld [tilespmem:s18+$0x0];
	s0 =	sadd.s32 $0x8, s0;
	[tilespmem:s19+$0xFFFFFFA0] =	vst v7;
	v2 =	vperm.xlane v2, v1  }
0x20c: {  	v7 =	vld [tilespmem:s18+$0x60];
	p0 =	slt.u32 s0, $0x78;
	[tilespmem:s19+$0xFFFFFFB0] =	vst v8;
	v3 =	vperm.xlane v3, v1  }
0x20d: {  	v8 =	vld [tilespmem:s18+$0x50];
	[tilespmem:s19+$0xFFFFFFC0] =	vst v2;
	v4 =	vperm.xlane v4, v1  }
.Ltmp36:
0x20e: {  	v2 =	vld [tilespmem:s18+$0x40];
	[tilespmem:s19+$0xFFFFFFD0] =	vst v3;
	v5 =	vperm.xlane v5, v1;
	(pc) =	sbr.rel @p0 .LBB2_61-.Ltmp36, $4  }
0x20f: {  	v3 =	vld [tilespmem:s18+$0x30];
	v6 =	vperm.xlane v6, v1;
	[tilespmem:s19+$0xFFFFFFE0] =	vst v4  }
0x210: {  	v4 =	vld [tilespmem:s18+$0x20];
	v9 =	vperm.xlane v9, v1;
	[tilespmem:s19+$0xFFFFFFF0] =	vst v5  }
0x211: {  	v7 =	vperm.xlane v7, v1;
	v5 =	vld [tilespmem:s18+$0x10];
	[tilespmem:s19+$0xFFFFFF90] =	vst v6;
	s19 =	sadd.s32 $0x100, s19  }
0x212: {  	v6 =	vld [tilespmem:s18+$0x70];
	v8 =	vperm.xlane v8, v1;
	[tilespmem:s19+$0x0] =	vst v9;
	s18 =	sadd.s32 $0xFFFFFF00, s18  }
0x213: {  	[tilespmem:s19+$0xFFFFFFA0] =	vst v7;
	v2 =	vperm.xlane v2, v1  }
0x214: {  	[tilespmem:s19+$0xFFFFFFB0] =	vst v8;
	v3 =	vperm.xlane v3, v1  }
0x215: {  	[tilespmem:s19+$0xFFFFFFC0] =	vst v2;
	v2 =	vperm.xlane v4, v1  }
0x216: {  	[tilespmem:s19+$0xFFFFFFD0] =	vst v3;
	v3 =	vperm.xlane v5, v1  }
0x217: {  	v63 =	vperm.xlane v6, v1;
	[tilespmem:s19+$0xFFFFFFE0] =	vst v2  }
0x218: {  	s14 =	sadd.s32 $0x1, s14;
	[tilespmem:s19+$0xFFFFFFF0] =	vst v3  }
0x219: {  	s0 =	simm.s32 $0xF000;
	p0 =	sne.s32 s14, $0x20;
	[tilespmem:s19+$0xFFFFFF90] =	vst v63  }
0x21a: {  	[spmem:s24] =	stream.linear.scatter [tilespmem:s0], [sflag:$0x12], $0x1000, $0x38;
	[tilespmem:$0x18200] =	vst v63  }
.Ltmp37:
0x21b: {  	_ = 	snop;
	(pc) =	sbr.rel @p0 .LBB2_2-.Ltmp37, $4  }
0x21c: {  	_ =	swait.ge [sflag:s4], $0x1000  }
0x21d: {  	s25 =	sadd.s32 s29, s17;
	[sflag:s4] =	ssyncset.done $0x0  }
0x21e: {  	s30 =	sor.u32 $0x1C10, s28;
	s18 =	sshrl.u32 s24, $0x3;
	[sflag:s4] =	ssyncadd.s32 $0xFFFFF000  }
0x21f: {  	[hbm:s25@s1], [sflag:s30] =	dma.strided [spmem:s18@s3], $0x200, s13, $0x10   }
0x220: {  	s0 =	simm.s32 $0x9  }
0x221: {  	_ =	swait.ge [sflag:s0], $0x1000  }
0x222: {  	[sflag:s0] =	ssyncset.done $0x0  }
0x223: {  	s22 =	simm.s32 $0xA;
	[sflag:s0] =	ssyncadd.s32 $0xFFFFF000  }
0x224: {  	_ =	swait.ge [sflag:s22], $0x200  }
0x225: {  	[sflag:s22] =	ssyncset.done $0x0  }
0x226: {  	s25 =	simm.s32 $0xB;
	[sflag:s22] =	ssyncadd.s32 $0xFFFFFE00  }
0x227: {  	_ =	swait.ge [sflag:s25], $0x1000  }
0x228: {  	[sflag:s25] =	ssyncset.done $0x0  }
0x229: {  	s28 =	simm.s32 $0xC;
	[sflag:s25] =	ssyncadd.s32 $0xFFFFF000  }
0x22a: {  	_ =	swait.ge [sflag:s28], $0x200  }
0x22b: {  	[sflag:s28] =	ssyncset.done $0x0  }
0x22c: {  	[sflag:s28] =	ssyncadd.s32 $0xFFFFFE00  }
0x22d: {  	_ =	swait.ge [sflag:s10], $0x1000  }
0x22e: {  	[sflag:s10] =	ssyncset.done $0x0  }
0x22f: {  	[sflag:s10] =	ssyncadd.s32 $0xFFFFF000  }
0x230: {  	_ =	swait.ge [sflag:s20], $0x200  }
0x231: {  	[sflag:s20] =	ssyncset.done $0x0  }
0x232: {  	[sflag:s20] =	ssyncadd.s32 $0xFFFFFE00  }
0x233: {  	_ =	swait.ge [sflag:s31], $0x1000  }
0x234: {  	[sflag:s31] =	ssyncset.done $0x0  }
0x235: {  	[sflag:s31] =	ssyncadd.s32 $0xFFFFF000  }
0x236: {  	_ =	swait.ge [sflag:s5], $0x200  }
0x237: {  	[sflag:s5] =	ssyncset.done $0x0  }
0x238: {  	s14 =	simm.s32 $0x11;
	[sflag:s5] =	ssyncadd.s32 $0xFFFFFE00  }
0x239: {  	_ =	swait.ge [sflag:s14], $0x200  }
0x23a: {  	s17 =	rddreg [dreg:$0x1d]  }
0x23b: {  	s30 =	rddreg [dreg:$0x15];
	s17 =	sadd.s32 $0x1, s17  }
0x23c: {  	p0 =	sne.s32 s17, s30  }
.Ltmp38:
0x23d: {  	_ = 	snop;
	(pc) =	sbr.rel @p0 .LBB2_1-.Ltmp38, $3  }
0x23e: {  	_ =	sdelay $0x1  }
0x23f: {  	[sflag:s14] =	ssyncset.done $0x0  }
0x240: {  	[sflag:s14] =	ssyncadd.s32 $0xFFFFFE00  }
0x241: {  	_ =	sfence.sel $0x180000  }
0x242: {  	[bflag:$0x0] =	sbarrier.arrive $0xFFFF  }
0x243: {  	_ =	strace $0x90000047  }
0x244: {  	s0 =	stileid.u32;
	[bflag:$0x2] =	sbarrier.arrive $0xFFFF  }
0x245: {  	p0 =	sne.s32 s0, $0x0;
	s0 =	rddreg [dreg:$0x4]  }
0x246: {  	s0 =	sadd.s32 @!p0 $0x100000, s0  }
0x247: {  	[sflag:s0] =	ssyncadd.tile.s32 @!p0 $0x1;
	_ =	shalt  }
.Lfunc_end2:
_tile_overlayer_lowered:
.L_overlay_start_2:
0x248: {  	(tag) =	ssettag $0x2  }
0x249: {  	s0 =	rddreg [dreg:$0x0];
	s2 =	stileid.u32  }
0x24a: {  	s1 =	rddreg [dreg:$0x1];
	p0 =	sne.s32 s2, $0x0  }
0x24b: {  	s3 =	rddreg [dreg:$0x2];
	[bflag:$0x3] =	sbarrier.arrive $0xFFFF;
	s2 =	simm.s32 @!p0 $0x1C12  }
0x24c: {  	[timem:s3], [sflag:s2] =	dma.local @!p0 [hbm:s0], s1  }
0x24d: {  	s0 =	simm.s32 @!p0 $0x12  }
0x24e: {  	_ =	swait.ge @!p0 [sflag:s0], s1  }
0x24f: {  	s1 =	ssub.s32 @!p0 $0x0, s1;
	[sflag:s0] =	ssyncset.done @!p0 $0x0  }
0x250: {  	[sflag:s0] =	ssyncadd.s32 @!p0 s1  }
0x251: {  	[bflag:$0x3] =	sbarrier.arrive $0xFFFF  }
0x252: {  	_ =	shalt  }

</sc_bundles>
